<compile_context>
chip_gen: v7x
topology: tpu7x:2x2x1
jax: 0.10.2.dev20260603
libtpu: 0.0.44.dev20260713+nightly
codegen_flags: <defaults>
</compile_context>

<pallas_src>
import functools

import numpy as np
import jax
import jax.numpy as jnp
from jax import lax
from jax.experimental import pallas as pl
from jax.experimental.pallas import tpu as pltpu
from jax.experimental.pallas import tpu_sc as plsc

_B, _C, _N, _K = 4, 128, 2048, 16
_DH, _DO = 64, 128
_W = 128
_EPS = 1e-5
_E = _B * _N * _K
_PTS = _B * _N
_RT = 256
_ET = 2048
_PT = _ET // _K
_NT = _E // _ET
_HI = lax.Precision.HIGHEST

_AT = np.kron(np.eye(_PT, dtype=np.float32), np.ones((_K, 1), np.float32))
_P = np.zeros((_W, _W), np.float32)
_P[_DH:, :_DH] = np.eye(_DH, dtype=np.float32)


def _dot(a, b, dims):
    return lax.dot_general(a, b, (dims, ((), ())), precision=_HI,
                           preferred_element_type=jnp.float32)


def _bdot(a, b, dims):
    return lax.dot_general(a.astype(jnp.bfloat16), b.astype(jnp.bfloat16),
                           (dims, ((), ())),
                           preferred_element_type=jnp.float32)


def _pre_body(x_ref, w_ref, bv_ref, yt_ref, xx_ref):
    x2 = x_ref[0]
    yt_ref[0] = _dot(x2, w_ref[...], ((0,), (1,))) + bv_ref[...]
    xx_ref[0] = jnp.sum(x2 * x2, axis=0, keepdims=True)


def _pre(x, w, bv, interpret=False):
    return pl.pallas_call(
        _pre_body,
        grid=(_B,),
        in_specs=[
            pl.BlockSpec((1, _C, _N), lambda b: (b, 0, 0)),
            pl.BlockSpec((_W, _C), lambda b: (0, 0)),
            pl.BlockSpec((1, _W), lambda b: (0, 0)),
        ],
        out_specs=[
            pl.BlockSpec((1, _N, _W), lambda b: (b, 0, 0)),
            pl.BlockSpec((1, 1, _N), lambda b: (b, 0, 0)),
        ],
        out_shape=[
            jax.ShapeDtypeStruct((_B, _N, _W), jnp.float32),
            jax.ShapeDtypeStruct((_B, 1, _N), jnp.float32),
        ],
        interpret=interpret,
    )(x, w, bv)


def _knn_body(xr_ref, x_ref, xx_ref, idx_ref):
    b = pl.program_id(0)
    xr = xr_ref[0]
    x2 = x_ref[0]
    ip = _bdot(xr, x2, ((0,), (0,)))
    ones = jnp.ones((_C, 1), jnp.float32)
    rn = _dot(xr * xr, ones, ((0,), (0,)))
    d = -xx_ref[0] - (-2.0 * ip) - rn
    iota = lax.broadcasted_iota(jnp.int32, (_RT, _N), 1)
    off = b * _N
    cols = []
    for _ in range(_K):
        m = jnp.max(d, axis=1, keepdims=True)
        cand = jnp.where(d == m, iota, _N)
        i = jnp.min(cand, axis=1, keepdims=True)
        cols.append(i + off)
        d = jnp.where(iota == i, -jnp.inf, d)
    idx_ref[0] = jnp.concatenate(cols, axis=1)


def _knn(x, xx, interpret=False):
    return pl.pallas_call(
        _knn_body,
        grid=(_B, _N // _RT),
        in_specs=[
            pl.BlockSpec((1, _C, _RT), lambda b, t: (b, 0, t)),
            pl.BlockSpec((1, _C, _N), lambda b, t: (b, 0, 0)),
            pl.BlockSpec((1, 1, _N), lambda b, t: (b, 0, 0)),
        ],
        out_specs=pl.BlockSpec((1, _RT, _K), lambda b, t: (b, t, 0)),
        out_shape=jax.ShapeDtypeStruct((_B, _N, _K), jnp.int32),
        interpret=interpret,
    )(x, x, xx)


_NW = 32
_RPW = _E // _NW
_CH = 256
_NCH = _RPW // _CH


_PPW = _PTS // _NW
_CHP = _CH // _K


def _sc_gather(table, idx2):
    mesh = plsc.VectorSubcoreMesh(core_axis_name="c", subcore_axis_name="s")

    @functools.partial(
        pl.kernel,
        mesh=mesh,
        out_type=jax.ShapeDtypeStruct((_NT, _ET, _W), jnp.float32),
        scratch_types=[
            pltpu.VMEM((_PPW, _K), jnp.int32),
            pltpu.VMEM((_RPW,), jnp.int32),
            pltpu.VMEM((2, _CH, _W), jnp.float32),
            pltpu.SemaphoreType.DMA,
            pltpu.SemaphoreType.DMA,
        ],
    )
    def k(table_hbm, idx_hbm, out_hbm, idx_a, idx_b, bufs, sem0, sem1):
        wid = lax.axis_index("s") * 2 + lax.axis_index("c")
        pbase = wid * _PPW
        base = wid * _RPW
        pltpu.sync_copy(idx_hbm.at[pl.ds(pbase, _PPW)], idx_a)

        def reorder(t, _):
            idx_b[pl.ds(t * _K, _K)] = idx_a[t, :]
            return 0

        lax.fori_loop(0, _PPW, reorder, 0)
        sems = (sem0, sem1)

        def start(i):
            return pltpu.async_copy(
                table_hbm.at[idx_b.at[pl.ds(i * _CH, _CH)]],
                bufs.at[i % 2], sems[i % 2])

        cps = {0: start(0)}
        for i in range(_NCH):
            if i + 1 < _NCH:
                cps[i + 1] = start(i + 1)
            cps[i].wait()
            row = base + i * _CH
            pltpu.sync_copy(bufs.at[i % 2],
                            out_hbm.at[row // _ET, pl.ds(row % _ET, _CH)])

    return k(table, idx2)


def _stats_body(g_ref, yt_ref, at_ref, p_ref, o_ref):
    g = g_ref[0]
    ybp = _dot(yt_ref[...], p_ref[...], ((1,), (0,)))
    gs = _bdot(at_ref[...], g, ((0,), (0,)))
    o_ref[0] = jnp.concatenate([
        jnp.sum(g, axis=0, keepdims=True),
        jnp.sum(g * g, axis=0, keepdims=True),
        jnp.sum(gs * ybp, axis=0, keepdims=True),
        jnp.sum(ybp, axis=0, keepdims=True),
        jnp.sum(ybp * ybp, axis=0, keepdims=True),
    ], axis=0)


def _stats(g, yt, at, p, interpret=False):
    return pl.pallas_call(
        _stats_body,
        grid=(_NT,),
        in_specs=[
            pl.BlockSpec((1, _ET, _W), lambda t: (t, 0, 0)),
            pl.BlockSpec((_PT, _W), lambda t: (t, 0)),
            pl.BlockSpec((_ET, _PT), lambda t: (0, 0)),
            pl.BlockSpec((_W, _W), lambda t: (0, 0)),
        ],
        out_specs=pl.BlockSpec((1, 5, _W), lambda t: (t, 0, 0)),
        out_shape=jax.ShapeDtypeStruct((_NT, 5, _W), jnp.float32),
        interpret=interpret,
    )(g, yt, at, p)


def _mid_body(g_ref, yt_ref, at_ref, p_ref, s1_ref, t1_ref, s_ref, sr_ref):
    ybp = _dot(yt_ref[...], p_ref[...], ((1,), (0,)))
    ybx = _bdot(at_ref[...], ybp, ((1,), (0,)))
    h = g_ref[0] + ybx
    r = jnp.maximum(h * s1_ref[...] + t1_ref[...], 0.0)
    s_ref[0] = _bdot(r, r, ((0,), (0,)))
    sr_ref[0] = jnp.sum(r, axis=0, keepdims=True)


def _mid(g, yt, at, p, s1, t1, interpret=False):
    return pl.pallas_call(
        _mid_body,
        grid=(_NT,),
        in_specs=[
            pl.BlockSpec((1, _ET, _W), lambda t: (t, 0, 0)),
            pl.BlockSpec((_PT, _W), lambda t: (t, 0)),
            pl.BlockSpec((_ET, _PT), lambda t: (0, 0)),
            pl.BlockSpec((_W, _W), lambda t: (0, 0)),
            pl.BlockSpec((1, _W), lambda t: (0, 0)),
            pl.BlockSpec((1, _W), lambda t: (0, 0)),
        ],
        out_specs=[
            pl.BlockSpec((1, _W, _W), lambda t: (t, 0, 0)),
            pl.BlockSpec((1, 1, _W), lambda t: (t, 0, 0)),
        ],
        out_shape=[
            jax.ShapeDtypeStruct((_NT, _W, _W), jnp.float32),
            jax.ShapeDtypeStruct((_NT, 1, _W), jnp.float32),
        ],
        interpret=interpret,
    )(g, yt, at, p, s1, t1)


def _bn2_body(s_ref, sr_ref, w2_ref, b2_ref, g2_ref, be2_ref,
              sc_ref, sh_ref):
    w2 = w2_ref[...]
    m = _dot(w2, s_ref[...], ((1,), (0,)))
    diag = jnp.sum(m * w2, axis=1, keepdims=True)
    wsr = _dot(w2, sr_ref[...], ((1,), (1,)))
    b2 = b2_ref[...]
    inv_e = 1.0 / _E
    mean2 = wsr * inv_e + b2
    ex2 = diag * inv_e + 2.0 * b2 * wsr * inv_e + b2 * b2
    var2 = ex2 - mean2 * mean2
    sc2 = g2_ref[...] / jnp.sqrt(var2 + _EPS)
    sc_ref[...] = sc2
    sh_ref[...] = be2_ref[...] - mean2 * sc2 + sc2 * b2


def _bn2(s, sr, w2, b2c, g2c, be2c, interpret=False):
    full = lambda shp: pl.BlockSpec(shp, lambda: (0,) * len(shp))
    return pl.pallas_call(
        _bn2_body,
        grid=(),
        in_specs=[full((_DH, _DH)), full((1, _DH)), full((_DO, _DH)),
                  full((_DO, 1)), full((_DO, 1)), full((_DO, 1))],
        out_specs=[full((_DO, 1)), full((_DO, 1))],
        out_shape=[jax.ShapeDtypeStruct((_DO, 1), jnp.float32),
                   jax.ShapeDtypeStruct((_DO, 1), jnp.float32)],
        interpret=interpret,
    )(s, sr, w2, b2c, g2c, be2c)


def _final_body(g_ref, yt_ref, at_ref, p_ref, w2_ref, s1_ref, t1_ref,
                s2_ref, t2_ref, o_ref):
    ybp = _dot(yt_ref[...], p_ref[...], ((1,), (0,)))
    ybx = _bdot(at_ref[...], ybp, ((1,), (0,)))
    h = g_ref[0] + ybx
    r = jnp.maximum(h * s1_ref[...] + t1_ref[...], 0.0)
    h2 = _bdot(w2_ref[...], r, ((1,), (1,)))
    o_ref[0] = jnp.maximum(h2 * s2_ref[...] + t2_ref[...], 0.0)


def _final(g, yt, at, p, w2p, s1, t1, s2, t2, interpret=False):
    return pl.pallas_call(
        _final_body,
        grid=(_NT,),
        in_specs=[
            pl.BlockSpec((1, _ET, _W), lambda t: (t, 0, 0)),
            pl.BlockSpec((_PT, _W), lambda t: (t, 0)),
            pl.BlockSpec((_ET, _PT), lambda t: (0, 0)),
            pl.BlockSpec((_W, _W), lambda t: (0, 0)),
            pl.BlockSpec((_DO, _W), lambda t: (0, 0)),
            pl.BlockSpec((1, _W), lambda t: (0, 0)),
            pl.BlockSpec((1, _W), lambda t: (0, 0)),
            pl.BlockSpec((_DO, 1), lambda t: (0, 0)),
            pl.BlockSpec((_DO, 1), lambda t: (0, 0)),
        ],
        out_specs=pl.BlockSpec((1, _DO, _ET),
                               lambda t: (t // (_N * _K // _ET), 0,
                                          t % (_N * _K // _ET))),
        out_shape=jax.ShapeDtypeStruct((_B, _DO, _N * _K), jnp.float32),
        interpret=interpret,
    )(g, yt, at, p, w2p, s1, t1, s2, t2)


def kernel(x, W1, b1, g1, be1, W2, b2, g2, be2):
    wa = W1[:, :_C]
    w = jnp.concatenate([wa, W1[:, _C:] - wa], axis=0)
    bv = jnp.concatenate([jnp.zeros((_DH,), jnp.float32), b1])[None, :]
    at = jnp.asarray(_AT)
    p = jnp.asarray(_P)

    yt, xx = _pre(x, w, bv)
    idx = _knn(x, xx)

    table = yt.reshape(_PTS, _W)
    g = _sc_gather(table, idx.reshape(_PTS, _K))

    st = jnp.sum(_stats(g, table, at, p), axis=0)[:, :_DH]
    mean1 = (st[0] + float(_K) * st[3]) / _E
    ex2 = (st[1] + 2.0 * st[2] + float(_K) * st[4]) / _E
    var1 = ex2 - mean1 * mean1
    sc1 = g1 / jnp.sqrt(var1 + _EPS)
    sh1 = be1 - mean1 * sc1
    zpad = jnp.zeros((_DH,), jnp.float32)
    s1 = jnp.concatenate([sc1, zpad])[None, :]
    t1 = jnp.concatenate([sh1, zpad])[None, :]

    sp, srp = _mid(g, table, at, p, s1, t1)
    s = jnp.sum(sp, axis=0)[:_DH, :_DH]
    sr = jnp.sum(srp, axis=0)[:, :_DH]

    sc2, sh2 = _bn2(s, sr, W2, b2[:, None], g2[:, None], be2[:, None])

    w2p = jnp.concatenate([W2, jnp.zeros((_DO, _DH), jnp.float32)], axis=1)
    out = _final(g, table, at, p, w2p, s1, t1, sc2, sh2)
    return out.reshape(_B, _DO, _N, _K)

# --- scband reference (transcript-rebuilt; emitter-appended) ---
"""Pipeline reference for scband-edge-conv-61194694033723 (READ-ONLY COPY).

The authoritative reference and input builder live on the scoring server;
editing this copy changes nothing except your own understanding.
"""

import jax, jax.numpy as jnp
import numpy as np

K = 16
EPS = 1e-5

def setup_inputs(seed: int = 0):
    key = jax.random.key(seed)
    ks = jax.random.split(key, 4)
    B, C, N = 4, 128, 2048
    dim_h, dim_out = 64, 128
    inp = {}
    inp["x"] = jax.random.normal(ks[0], (B, C, N), dtype=jnp.float32)
    inp["W1"] = jax.random.normal(ks[1], (dim_h, 2 * C), dtype=jnp.float32) * 0.05
    inp["b1"] = jnp.zeros((dim_h,), dtype=jnp.float32)
    inp["g1"] = jnp.ones((dim_h,), dtype=jnp.float32)
    inp["be1"] = jnp.zeros((dim_h,), dtype=jnp.float32)
    inp["W2"] = jax.random.normal(ks[2], (dim_out, dim_h), dtype=jnp.float32) * 0.05
    inp["b2"] = jnp.zeros((dim_out,), dtype=jnp.float32)
    inp["g2"] = jnp.ones((dim_out,), dtype=jnp.float32)
    inp["be2"] = jnp.zeros((dim_out,), dtype=jnp.float32)
    return inp

def _get_graph_feature(x, k):
    # x: [B, C, N]  ->  [B, 2C, N, k]  (DGCNN get_graph_feature)
    B, C, N = x.shape
    xt = jnp.swapaxes(x, 1, 2)  # [B, N, C]
    inner = -2.0 * jnp.matmul(xt, x)  # [B, N, N]
    xx = jnp.sum(x * x, axis=1, keepdims=True)  # [B, 1, N]
    pairwise = -xx - inner - jnp.swapaxes(xx, 1, 2)  # negative squared dist
    _, idx = jax.lax.top_k(pairwise, k)  # [B, N, k] nearest neighbors
    feat = jax.vmap(lambda pts, ii: pts[ii])(xt, idx)  # gather: [B, N, k, C]
    central = jnp.broadcast_to(xt[:, :, None, :], (B, N, k, C))
    out = jnp.concatenate([feat - central, central], axis=3)  # [B, N, k, 2C]
    return jnp.transpose(out, (0, 3, 1, 2))  # [B, 2C, N, k]

def _conv_bn_relu(h, W, b, g, be):
    # 1x1 Conv2d + BatchNorm2d (training-mode batch stats) + ReLU
    h = jnp.einsum('oc,bcnk->bonk', W, h) + b[None, :, None, None]
    mean = jnp.mean(h, axis=(0, 2, 3), keepdims=True)
    var = jnp.var(h, axis=(0, 2, 3), keepdims=True)
    h = (h - mean) / jnp.sqrt(var + EPS)
    h = h * g[None, :, None, None] + be[None, :, None, None]
    return jax.nn.relu(h)

def reference(x, W1, b1, g1, be1, W2, b2, g2, be2):
    h = _get_graph_feature(x, K)
    h = _conv_bn_relu(h, W1, b1, g1, be1)
    h = _conv_bn_relu(h, W2, b2, g2, be2)
    return h

if __name__ == "__main__":
    import jax
    _d = setup_inputs()
    print(jax.jit(kernel)(*tuple(_d.values())))

</pallas_src>

<mosaic_0001>
#map = affine_map<(d0, d1) -> (0, 0)>
#map1 = affine_map<(d0, d1) -> (0, 0, 0)>
module attributes {stable_mosaic.version = 14 : i64} {
  func.func @k(%arg0: i32, %arg1: i32, %arg2: memref<8192x128xf32, #tpu.memory_space<hbm>>, %arg3: memref<8192x16xi32, #tpu.memory_space<hbm>>, %arg4: memref<64x2048x128xf32, #tpu.memory_space<hbm>>, %arg5: memref<256x16xi32, #tpu.memory_space<vmem>>, %arg6: memref<4096xi32, #tpu.memory_space<vmem>>, %arg7: memref<2x256x128xf32, #tpu.memory_space<vmem>>, %arg8: memref<!tpu.dma_semaphore, #tpu.memory_space<semaphore_mem>>, %arg9: memref<!tpu.dma_semaphore, #tpu.memory_space<semaphore_mem>>) attributes {dimension_semantics = [#tpu.dimension_semantics<core_parallel>, #tpu.dimension_semantics<subcore_parallel>], iteration_bounds = array<i64: 2, 16>, scalar_prefetch = 0 : i64, scratch_operands = 5 : i64, tpu.core_type = #tpu.core_type<sc_vector_subcore>, window_params = [{transform_indices = #map}, {transform_indices = #map}, {transform_indices = #map1}]} {
    %mul3A = arith.constant 2 : i32
    %mul3A_0 = arith.muli %arg1, %mul3A : i32
    %add3A = arith.addi %mul3A_0, %arg0 : i32
    %mul3A_1 = arith.constant 256 : i32
    %mul3A_2 = arith.muli %add3A, %mul3A_1 : i32
    %mul3A_3 = arith.constant 4096 : i32
    %mul3A_4 = arith.muli %add3A, %mul3A_3 : i32
    "tpu.region"() ({
      %run_scoped3A_1006 = tpu.sem_alloc : memref<!tpu.dma_semaphore, #tpu.memory_space<semaphore_mem>>
      %dma_start3A_1007 = arith.constant 0 : i32
      %dma_start3A_1008 = tpu.memref_slice %arg3[%mul3A_2, %dma_start3A_1007] : memref<8192x16xi32, #tpu.memory_space<hbm>> -> memref<256x16xi32, #tpu.memory_space<hbm>>
      %dma_start3A_1009 = arith.constant 0 : i32
      %dma_start3A_1010 = tpu.memref_slice %arg3[%mul3A_2, %dma_start3A_1009] : memref<8192x16xi32, #tpu.memory_space<hbm>> -> memref<256x16xi32, #tpu.memory_space<hbm>>
      tpu.enqueue_dma source(%dma_start3A_1010 : memref<256x16xi32, #tpu.memory_space<hbm>>) target(%arg5 : memref<256x16xi32, #tpu.memory_space<vmem>>) target_semaphore(%run_scoped3A_1006 : memref<!tpu.dma_semaphore, #tpu.memory_space<semaphore_mem>>)
      %dma_wait3A_1011 = arith.constant 0 : i32
      %dma_wait3A_1012 = tpu.memref_slice %arg3[%mul3A_2, %dma_wait3A_1011] : memref<8192x16xi32, #tpu.memory_space<hbm>> -> memref<256x16xi32, #tpu.memory_space<hbm>>
      %dma_wait3A_1013 = arith.constant 0 : i32
      %dma_wait3A_1014 = tpu.memref_slice %arg3[%mul3A_2, %dma_wait3A_1013] : memref<8192x16xi32, #tpu.memory_space<hbm>> -> memref<256x16xi32, #tpu.memory_space<hbm>>
      tpu.wait_dma2 semaphore(%run_scoped3A_1006 : memref<!tpu.dma_semaphore, #tpu.memory_space<semaphore_mem>>) src(%dma_wait3A_1014 : memref<256x16xi32, #tpu.memory_space<hbm>>) dst(%arg5 : memref<256x16xi32, #tpu.memory_space<vmem>>)
      tpu.yield
    }) : () -> ()
    %scan3A = arith.constant 0 : i32
    %scan3A_5 = arith.constant 0 : i32
    %scan3A_6 = arith.constant 256 : i32
    %scan3A_7 = arith.addi %scan3A_5, %scan3A_6 : i32
    %scan3A_8 = arith.constant 1 : i32
    %scan3A_9 = scf.for %scan3A_1006 = %scan3A_5 to %scan3A_7 step %scan3A_8 iter_args(%scan3A_1007 = %scan3A) -> (i32)  : i32 {
      %get3A = arith.index_cast %scan3A_1006 : i32 to index
      %get3A_1008 = arith.constant 0 : index
      %get3A_1009 = tpu.vector_load %arg5[%get3A, %get3A_1008] {strides = array<i32>} : memref<256x16xi32, #tpu.memory_space<vmem>>, vector<1x16xi32>,
      %get3A_1010 = vector.shape_cast %get3A_1009 : vector<1x16xi32> to vector<16xi32>
      %mul3A_1011 = arith.constant 16 : i32
      %mul3A_1012 = arith.muli %scan3A_1006, %mul3A_1011 : i32
      %swap3A = arith.index_cast %mul3A_1012 : i32 to index
      %swap3A_1013 = tpu.vector_load %arg6[%swap3A] {strides = array<i32>} : memref<4096xi32, #tpu.memory_space<vmem>>, vector<16xi32>,
      %swap3A_1014 = vector.shape_cast %swap3A_1013 : vector<16xi32> to vector<16xi32>
      %swap3A_1015 = vector.shape_cast %get3A_1010 : vector<16xi32> to vector<16xi32>
      tpu.vector_store %arg6[%swap3A], %swap3A_1015 {strides = array<i32>} : memref<4096xi32, #tpu.memory_space<vmem>>, vector<16xi32>,
      %scan3A_1016 = arith.constant 0 : i32
      scf.yield %scan3A_1016 : i32
    }
    %scan3A_10 = arith.constant 256 : i32
    %dma_start3A = arith.constant 0 : i32
    %dma_start3A_11 = arith.constant 0 : i32
    %dma_start3A_12 = arith.constant 0 : i32
    %dma_start3A_13 = tpu.memref_slice %arg7[%dma_start3A, %dma_start3A_11, %dma_start3A_12] : memref<2x256x128xf32, #tpu.memory_space<vmem>> -> memref<1x256x128xf32, #tpu.memory_space<vmem>>
    %dma_start3A_14 = tpu.memref_squeeze %dma_start3A_13 : memref<1x256x128xf32, #tpu.memory_space<vmem>> -> memref<256x128xf32, #tpu.memory_space<vmem>>
    %dma_start3A_15 = arith.constant 0 : i32
    %dma_start3A_16 = tpu.memref_slice %arg6[%dma_start3A_15] : memref<4096xi32, #tpu.memory_space<vmem>> -> memref<256xi32, #tpu.memory_space<vmem>>
    %dma_start3A_17 = arith.constant 0 : i32
    %dma_start3A_18 = arith.constant 0 : i32
    %dma_start3A_19 = tpu.memref_slice %arg2[%dma_start3A_17, %dma_start3A_18] : memref<8192x128xf32, #tpu.memory_space<hbm>> -> memref<8192x128xf32, #tpu.memory_space<hbm>>
    tpu.enqueue_indirect_dma source(%dma_start3A_19 : memref<8192x128xf32, #tpu.memory_space<hbm>>) target(%dma_start3A_14 : memref<256x128xf32, #tpu.memory_space<vmem>>) offsets(%dma_start3A_16 : memref<256xi32, #tpu.memory_space<vmem>>) semaphore(%arg8 : memref<!tpu.dma_semaphore, #tpu.memory_space<semaphore_mem>>)
    %dma_start3A_20 = arith.constant 1 : i32
    %dma_start3A_21 = arith.constant 0 : i32
    %dma_start3A_22 = arith.constant 0 : i32
    %dma_start3A_23 = tpu.memref_slice %arg7[%dma_start3A_20, %dma_start3A_21, %dma_start3A_22] : memref<2x256x128xf32, #tpu.memory_space<vmem>> -> memref<1x256x128xf32, #tpu.memory_space<vmem>>
    %dma_start3A_24 = tpu.memref_squeeze %dma_start3A_23 : memref<1x256x128xf32, #tpu.memory_space<vmem>> -> memref<256x128xf32, #tpu.memory_space<vmem>>
    %dma_start3A_25 = arith.constant 256 : i32
    %dma_start3A_26 = tpu.memref_slice %arg6[%dma_start3A_25] : memref<4096xi32, #tpu.memory_space<vmem>> -> memref<256xi32, #tpu.memory_space<vmem>>
    %dma_start3A_27 = arith.constant 0 : i32
    %dma_start3A_28 = arith.constant 0 : i32
    %dma_start3A_29 = tpu.memref_slice %arg2[%dma_start3A_27, %dma_start3A_28] : memref<8192x128xf32, #tpu.memory_space<hbm>> -> memref<8192x128xf32, #tpu.memory_space<hbm>>
    tpu.enqueue_indirect_dma source(%dma_start3A_29 : memref<8192x128xf32, #tpu.memory_space<hbm>>) target(%dma_start3A_24 : memref<256x128xf32, #tpu.memory_space<vmem>>) offsets(%dma_start3A_26 : memref<256xi32, #tpu.memory_space<vmem>>) semaphore(%arg9 : memref<!tpu.dma_semaphore, #tpu.memory_space<semaphore_mem>>)
    %dma_wait3A = arith.constant 0 : i32
    %dma_wait3A_30 = arith.constant 0 : i32
    %dma_wait3A_31 = arith.constant 0 : i32
    %dma_wait3A_32 = tpu.memref_slice %arg7[%dma_wait3A, %dma_wait3A_30, %dma_wait3A_31] : memref<2x256x128xf32, #tpu.memory_space<vmem>> -> memref<1x256x128xf32, #tpu.memory_space<vmem>>
    %dma_wait3A_33 = tpu.memref_squeeze %dma_wait3A_32 : memref<1x256x128xf32, #tpu.memory_space<vmem>> -> memref<256x128xf32, #tpu.memory_space<vmem>>
    %dma_wait3A_34 = arith.constant 0 : i32
    %dma_wait3A_35 = tpu.memref_slice %arg6[%dma_wait3A_34] : memref<4096xi32, #tpu.memory_space<vmem>> -> memref<256xi32, #tpu.memory_space<vmem>>
    %dma_wait3A_36 = arith.constant 0 : i32
    %dma_wait3A_37 = arith.constant 0 : i32
    %dma_wait3A_38 = tpu.memref_slice %arg2[%dma_wait3A_36, %dma_wait3A_37] : memref<8192x128xf32, #tpu.memory_space<hbm>> -> memref<8192x128xf32, #tpu.memory_space<hbm>>
    tpu.wait_indirect_dma semaphore(%arg8 : memref<!tpu.dma_semaphore, #tpu.memory_space<semaphore_mem>>) src(%dma_wait3A_38 : memref<8192x128xf32, #tpu.memory_space<hbm>>) dst(%dma_wait3A_33 : memref<256x128xf32, #tpu.memory_space<vmem>>)
    %add3A_39 = arith.constant 0 : i32
    %add3A_40 = arith.addi %mul3A_4, %add3A_39 : i32
    %jit3A = arith.constant 2048 : i32
    %div3A = arith.divsi %add3A_40, %jit3A : i32
    %sign3A = arith.constant 0 : i32
    %sign3A_41 = arith.cmpi sgt, %add3A_40, %sign3A : i32
    %sign3A_42 = arith.extui %sign3A_41 : i1 to i32
    %sign3A_43 = arith.constant 0 : i32
    %sign3A_44 = arith.cmpi slt, %add3A_40, %sign3A_43 : i32
    %sign3A_45 = arith.extui %sign3A_44 : i1 to i32
    %sign3A_46 = arith.subi %sign3A_42, %sign3A_45 : i32
    %sign3A_47 = arith.constant 0 : i32
    %sign3A_48 = arith.cmpi sgt, %jit3A, %sign3A_47 : i32
    %sign3A_49 = arith.extui %sign3A_48 : i1 to i32
    %sign3A_50 = arith.constant 0 : i32
    %sign3A_51 = arith.cmpi slt, %jit3A, %sign3A_50 : i32
    %sign3A_52 = arith.extui %sign3A_51 : i1 to i32
    %sign3A_53 = arith.subi %sign3A_49, %sign3A_52 : i32
    %ne3A = arith.cmpi ne, %sign3A_46, %sign3A_53 : i32
    %rem3A = arith.remsi %add3A_40, %jit3A : i32
    %ne3A_54 = arith.constant 0 : i32
    %ne3A_55 = arith.cmpi ne, %rem3A, %ne3A_54 : i32
    %and3A = arith.andi %ne3A, %ne3A_55 : i1
    %sub3A = arith.constant 1 : i32
    %sub3A_56 = arith.subi %div3A, %sub3A : i32
    %select_n3A = arith.select %and3A, %sub3A_56, %div3A : i32
    %jit3A_57 = arith.constant 2048 : i32
    %eq3A = arith.constant 0 : i32
    %eq3A_58 = arith.cmpi eq, %jit3A_57, %eq3A : i32
    %jit3A_59 = arith.constant 1 : i32
    %select_n3A_60 = arith.select %eq3A_58, %jit3A_59, %jit3A_57 : i32
    %rem3A_61 = arith.remsi %add3A_40, %select_n3A_60 : i32
    %ne3A_62 = arith.constant 0 : i32
    %ne3A_63 = arith.cmpi ne, %rem3A_61, %ne3A_62 : i32
    %lt3A = arith.constant 0 : i32
    %lt3A_64 = arith.cmpi slt, %rem3A_61, %lt3A : i32
    %lt3A_65 = arith.constant 0 : i32
    %lt3A_66 = arith.cmpi slt, %select_n3A_60, %lt3A_65 : i32
    %ne3A_67 = arith.xori %lt3A_64, %lt3A_66 : i1
    %and3A_68 = arith.andi %ne3A_67, %ne3A_63 : i1
    %add3A_69 = arith.addi %rem3A_61, %select_n3A_60 : i32
    %select_n3A_70 = arith.select %and3A_68, %add3A_69, %rem3A_61 : i32
    %run_scoped3A = arith.constant 0 : i32
    "tpu.region"() ({
      %run_scoped3A_1006 = tpu.sem_alloc : memref<!tpu.dma_semaphore, #tpu.memory_space<semaphore_mem>>
      %dma_start3A_1007 = arith.constant 0 : i32
      %dma_start3A_1008 = arith.constant 0 : i32
      %dma_start3A_1009 = tpu.memref_slice %arg7[%run_scoped3A, %dma_start3A_1007, %dma_start3A_1008] : memref<2x256x128xf32, #tpu.memory_space<vmem>> -> memref<1x256x128xf32, #tpu.memory_space<vmem>>
      %dma_start3A_1010 = tpu.memref_squeeze %dma_start3A_1009 : memref<1x256x128xf32, #tpu.memory_space<vmem>> -> memref<256x128xf32, #tpu.memory_space<vmem>>
      %dma_start3A_1011 = arith.constant 0 : i32
      %dma_start3A_1012 = tpu.memref_slice %arg4[%select_n3A, %select_n3A_70, %dma_start3A_1011] : memref<64x2048x128xf32, #tpu.memory_space<hbm>> -> memref<1x256x128xf32, #tpu.memory_space<hbm>>
      %dma_start3A_1013 = tpu.memref_squeeze %dma_start3A_1012 : memref<1x256x128xf32, #tpu.memory_space<hbm>> -> memref<256x128xf32, #tpu.memory_space<hbm>>
      %dma_start3A_1014 = arith.constant 0 : i32
      %dma_start3A_1015 = tpu.memref_slice %arg4[%select_n3A, %select_n3A_70, %dma_start3A_1014] : memref<64x2048x128xf32, #tpu.memory_space<hbm>> -> memref<1x256x128xf32, #tpu.memory_space<hbm>>
      %dma_start3A_1016 = tpu.memref_squeeze %dma_start3A_1015 : memref<1x256x128xf32, #tpu.memory_space<hbm>> -> memref<256x128xf32, #tpu.memory_space<hbm>>
      %dma_start3A_1017 = arith.constant 0 : i32
      %dma_start3A_1018 = arith.constant 0 : i32
      %dma_start3A_1019 = tpu.memref_slice %arg7[%run_scoped3A, %dma_start3A_1017, %dma_start3A_1018] : memref<2x256x128xf32, #tpu.memory_space<vmem>> -> memref<1x256x128xf32, #tpu.memory_space<vmem>>
      %dma_start3A_1020 = tpu.memref_squeeze %dma_start3A_1019 : memref<1x256x128xf32, #tpu.memory_space<vmem>> -> memref<256x128xf32, #tpu.memory_space<vmem>>
      tpu.enqueue_dma source(%dma_start3A_1020 : memref<256x128xf32, #tpu.memory_space<vmem>>) target(%dma_start3A_1016 : memref<256x128xf32, #tpu.memory_space<hbm>>) target_semaphore(%run_scoped3A_1006 : memref<!tpu.dma_semaphore, #tpu.memory_space<semaphore_mem>>)
      %dma_wait3A_1021 = arith.constant 0 : i32
      %dma_wait3A_1022 = arith.constant 0 : i32
      %dma_wait3A_1023 = tpu.memref_slice %arg7[%run_scoped3A, %dma_wait3A_1021, %dma_wait3A_1022] : memref<2x256x128xf32, #tpu.memory_space<vmem>> -> memref<1x256x128xf32, #tpu.memory_space<vmem>>
      %dma_wait3A_1024 = tpu.memref_squeeze %dma_wait3A_1023 : memref<1x256x128xf32, #tpu.memory_space<vmem>> -> memref<256x128xf32, #tpu.memory_space<vmem>>
      %dma_wait3A_1025 = arith.constant 0 : i32
      %dma_wait3A_1026 = tpu.memref_slice %arg4[%select_n3A, %select_n3A_70, %dma_wait3A_1025] : memref<64x2048x128xf32, #tpu.memory_space<hbm>> -> memref<1x256x128xf32, #tpu.memory_space<hbm>>
      %dma_wait3A_1027 = tpu.memref_squeeze %dma_wait3A_1026 : memref<1x256x128xf32, #tpu.memory_space<hbm>> -> memref<256x128xf32, #tpu.memory_space<hbm>>
      %dma_wait3A_1028 = arith.constant 0 : i32
      %dma_wait3A_1029 = tpu.memref_slice %arg4[%select_n3A, %select_n3A_70, %dma_wait3A_1028] : memref<64x2048x128xf32, #tpu.memory_space<hbm>> -> memref<1x256x128xf32, #tpu.memory_space<hbm>>
      %dma_wait3A_1030 = tpu.memref_squeeze %dma_wait3A_1029 : memref<1x256x128xf32, #tpu.memory_space<hbm>> -> memref<256x128xf32, #tpu.memory_space<hbm>>
      %dma_wait3A_1031 = arith.constant 0 : i32
      %dma_wait3A_1032 = arith.constant 0 : i32
      %dma_wait3A_1033 = tpu.memref_slice %arg7[%run_scoped3A, %dma_wait3A_1031, %dma_wait3A_1032] : memref<2x256x128xf32, #tpu.memory_space<vmem>> -> memref<1x256x128xf32, #tpu.memory_space<vmem>>
      %dma_wait3A_1034 = tpu.memref_squeeze %dma_wait3A_1033 : memref<1x256x128xf32, #tpu.memory_space<vmem>> -> memref<256x128xf32, #tpu.memory_space<vmem>>
      tpu.wait_dma2 semaphore(%run_scoped3A_1006 : memref<!tpu.dma_semaphore, #tpu.memory_space<semaphore_mem>>) src(%dma_wait3A_1034 : memref<256x128xf32, #tpu.memory_space<vmem>>) dst(%dma_wait3A_1030 : memref<256x128xf32, #tpu.memory_space<hbm>>)
      tpu.yield
    }) : () -> ()
    %dma_start3A_71 = arith.constant 0 : i32
    %dma_start3A_72 = arith.constant 0 : i32
    %dma_start3A_73 = arith.constant 0 : i32
    %dma_start3A_74 = tpu.memref_slice %arg7[%dma_start3A_71, %dma_start3A_72, %dma_start3A_73] : memref<2x256x128xf32, #tpu.memory_space<vmem>> -> memref<1x256x128xf32, #tpu.memory_space<vmem>>
    %dma_start3A_75 = tpu.memref_squeeze %dma_start3A_74 : memref<1x256x128xf32, #tpu.memory_space<vmem>> -> memref<256x128xf32, #tpu.memory_space<vmem>>
    %dma_start3A_76 = arith.constant 512 : i32
    %dma_start3A_77 = tpu.memref_slice %arg6[%dma_start3A_76] : memref<4096xi32, #tpu.memory_space<vmem>> -> memref<256xi32, #tpu.memory_space<vmem>>
    %dma_start3A_78 = arith.constant 0 : i32
    %dma_start3A_79 = arith.constant 0 : i32
    %dma_start3A_80 = tpu.memref_slice %arg2[%dma_start3A_78, %dma_start3A_79] : memref<8192x128xf32, #tpu.memory_space<hbm>> -> memref<8192x128xf32, #tpu.memory_space<hbm>>
    tpu.enqueue_indirect_dma source(%dma_start3A_80 : memref<8192x128xf32, #tpu.memory_space<hbm>>) target(%dma_start3A_75 : memref<256x128xf32, #tpu.memory_space<vmem>>) offsets(%dma_start3A_77 : memref<256xi32, #tpu.memory_space<vmem>>) semaphore(%arg8 : memref<!tpu.dma_semaphore, #tpu.memory_space<semaphore_mem>>)
    %dma_wait3A_81 = arith.constant 1 : i32
    %dma_wait3A_82 = arith.constant 0 : i32
    %dma_wait3A_83 = arith.constant 0 : i32
    %dma_wait3A_84 = tpu.memref_slice %arg7[%dma_wait3A_81, %dma_wait3A_82, %dma_wait3A_83] : memref<2x256x128xf32, #tpu.memory_space<vmem>> -> memref<1x256x128xf32, #tpu.memory_space<vmem>>
    %dma_wait3A_85 = tpu.memref_squeeze %dma_wait3A_84 : memref<1x256x128xf32, #tpu.memory_space<vmem>> -> memref<256x128xf32, #tpu.memory_space<vmem>>
    %dma_wait3A_86 = arith.constant 256 : i32
    %dma_wait3A_87 = tpu.memref_slice %arg6[%dma_wait3A_86] : memref<4096xi32, #tpu.memory_space<vmem>> -> memref<256xi32, #tpu.memory_space<vmem>>
    %dma_wait3A_88 = arith.constant 0 : i32
    %dma_wait3A_89 = arith.constant 0 : i32
    %dma_wait3A_90 = tpu.memref_slice %arg2[%dma_wait3A_88, %dma_wait3A_89] : memref<8192x128xf32, #tpu.memory_space<hbm>> -> memref<8192x128xf32, #tpu.memory_space<hbm>>
    tpu.wait_indirect_dma semaphore(%arg9 : memref<!tpu.dma_semaphore, #tpu.memory_space<semaphore_mem>>) src(%dma_wait3A_90 : memref<8192x128xf32, #tpu.memory_space<hbm>>) dst(%dma_wait3A_85 : memref<256x128xf32, #tpu.memory_space<vmem>>)
    %add3A_91 = arith.constant 256 : i32
    %add3A_92 = arith.addi %mul3A_4, %add3A_91 : i32
    %jit3A_93 = arith.constant 2048 : i32
    %div3A_94 = arith.divsi %add3A_92, %jit3A_93 : i32
    %sign3A_95 = arith.constant 0 : i32
    %sign3A_96 = arith.cmpi sgt, %add3A_92, %sign3A_95 : i32
    %sign3A_97 = arith.extui %sign3A_96 : i1 to i32
    %sign3A_98 = arith.constant 0 : i32
    %sign3A_99 = arith.cmpi slt, %add3A_92, %sign3A_98 : i32
    %sign3A_100 = arith.extui %sign3A_99 : i1 to i32
    %sign3A_101 = arith.subi %sign3A_97, %sign3A_100 : i32
    %sign3A_102 = arith.constant 0 : i32
    %sign3A_103 = arith.cmpi sgt, %jit3A_93, %sign3A_102 : i32
    %sign3A_104 = arith.extui %sign3A_103 : i1 to i32
    %sign3A_105 = arith.constant 0 : i32
    %sign3A_106 = arith.cmpi slt, %jit3A_93, %sign3A_105 : i32
    %sign3A_107 = arith.extui %sign3A_106 : i1 to i32
    %sign3A_108 = arith.subi %sign3A_104, %sign3A_107 : i32
    %ne3A_109 = arith.cmpi ne, %sign3A_101, %sign3A_108 : i32
    %rem3A_110 = arith.remsi %add3A_92, %jit3A_93 : i32
    %ne3A_111 = arith.constant 0 : i32
    %ne3A_112 = arith.cmpi ne, %rem3A_110, %ne3A_111 : i32
    %and3A_113 = arith.andi %ne3A_109, %ne3A_112 : i1
    %sub3A_114 = arith.constant 1 : i32
    %sub3A_115 = arith.subi %div3A_94, %sub3A_114 : i32
    %select_n3A_116 = arith.select %and3A_113, %sub3A_115, %div3A_94 : i32
    %jit3A_117 = arith.constant 2048 : i32
    %eq3A_118 = arith.constant 0 : i32
    %eq3A_119 = arith.cmpi eq, %jit3A_117, %eq3A_118 : i32
    %jit3A_120 = arith.constant 1 : i32
    %select_n3A_121 = arith.select %eq3A_119, %jit3A_120, %jit3A_117 : i32
    %rem3A_122 = arith.remsi %add3A_92, %select_n3A_121 : i32
    %ne3A_123 = arith.constant 0 : i32
    %ne3A_124 = arith.cmpi ne, %rem3A_122, %ne3A_123 : i32
    %lt3A_125 = arith.constant 0 : i32
    %lt3A_126 = arith.cmpi slt, %rem3A_122, %lt3A_125 : i32
    %lt3A_127 = arith.constant 0 : i32
    %lt3A_128 = arith.cmpi slt, %select_n3A_121, %lt3A_127 : i32
    %ne3A_129 = arith.xori %lt3A_126, %lt3A_128 : i1
    %and3A_130 = arith.andi %ne3A_129, %ne3A_124 : i1
    %add3A_131 = arith.addi %rem3A_122, %select_n3A_121 : i32
    %select_n3A_132 = arith.select %and3A_130, %add3A_131, %rem3A_122 : i32
    %run_scoped3A_133 = arith.constant 1 : i32
    "tpu.region"() ({
      %run_scoped3A_1006 = tpu.sem_alloc : memref<!tpu.dma_semaphore, #tpu.memory_space<semaphore_mem>>
      %dma_start3A_1007 = arith.constant 0 : i32
      %dma_start3A_1008 = arith.constant 0 : i32
      %dma_start3A_1009 = tpu.memref_slice %arg7[%run_scoped3A_133, %dma_start3A_1007, %dma_start3A_1008] : memref<2x256x128xf32, #tpu.memory_space<vmem>> -> memref<1x256x128xf32, #tpu.memory_space<vmem>>
      %dma_start3A_1010 = tpu.memref_squeeze %dma_start3A_1009 : memref<1x256x128xf32, #tpu.memory_space<vmem>> -> memref<256x128xf32, #tpu.memory_space<vmem>>
      %dma_start3A_1011 = arith.constant 0 : i32
      %dma_start3A_1012 = tpu.memref_slice %arg4[%select_n3A_116, %select_n3A_132, %dma_start3A_1011] : memref<64x2048x128xf32, #tpu.memory_space<hbm>> -> memref<1x256x128xf32, #tpu.memory_space<hbm>>
      %dma_start3A_1013 = tpu.memref_squeeze %dma_start3A_1012 : memref<1x256x128xf32, #tpu.memory_space<hbm>> -> memref<256x128xf32, #tpu.memory_space<hbm>>
      %dma_start3A_1014 = arith.constant 0 : i32
      %dma_start3A_1015 = tpu.memref_slice %arg4[%select_n3A_116, %select_n3A_132, %dma_start3A_1014] : memref<64x2048x128xf32, #tpu.memory_space<hbm>> -> memref<1x256x128xf32, #tpu.memory_space<hbm>>
      %dma_start3A_1016 = tpu.memref_squeeze %dma_start3A_1015 : memref<1x256x128xf32, #tpu.memory_space<hbm>> -> memref<256x128xf32, #tpu.memory_space<hbm>>
      %dma_start3A_1017 = arith.constant 0 : i32
      %dma_start3A_1018 = arith.constant 0 : i32
      %dma_start3A_1019 = tpu.memref_slice %arg7[%run_scoped3A_133, %dma_start3A_1017, %dma_start3A_1018] : memref<2x256x128xf32, #tpu.memory_space<vmem>> -> memref<1x256x128xf32, #tpu.memory_space<vmem>>
      %dma_start3A_1020 = tpu.memref_squeeze %dma_start3A_1019 : memref<1x256x128xf32, #tpu.memory_space<vmem>> -> memref<256x128xf32, #tpu.memory_space<vmem>>
      tpu.enqueue_dma source(%dma_start3A_1020 : memref<256x128xf32, #tpu.memory_space<vmem>>) target(%dma_start3A_1016 : memref<256x128xf32, #tpu.memory_space<hbm>>) target_semaphore(%run_scoped3A_1006 : memref<!tpu.dma_semaphore, #tpu.memory_space<semaphore_mem>>)
      %dma_wait3A_1021 = arith.constant 0 : i32
      %dma_wait3A_1022 = arith.constant 0 : i32
      %dma_wait3A_1023 = tpu.memref_slice %arg7[%run_scoped3A_133, %dma_wait3A_1021, %dma_wait3A_1022] : memref<2x256x128xf32, #tpu.memory_space<vmem>> -> memref<1x256x128xf32, #tpu.memory_space<vmem>>
      %dma_wait3A_1024 = tpu.memref_squeeze %dma_wait3A_1023 : memref<1x256x128xf32, #tpu.memory_space<vmem>> -> memref<256x128xf32, #tpu.memory_space<vmem>>
      %dma_wait3A_1025 = arith.constant 0 : i32
      %dma_wait3A_1026 = tpu.memref_slice %arg4[%select_n3A_116, %select_n3A_132, %dma_wait3A_1025] : memref<64x2048x128xf32, #tpu.memory_space<hbm>> -> memref<1x256x128xf32, #tpu.memory_space<hbm>>
      %dma_wait3A_1027 = tpu.memref_squeeze %dma_wait3A_1026 : memref<1x256x128xf32, #tpu.memory_space<hbm>> -> memref<256x128xf32, #tpu.memory_space<hbm>>
      %dma_wait3A_1028 = arith.constant 0 : i32
      %dma_wait3A_1029 = tpu.memref_slice %arg4[%select_n3A_116, %select_n3A_132, %dma_wait3A_1028] : memref<64x2048x128xf32, #tpu.memory_space<hbm>> -> memref<1x256x128xf32, #tpu.memory_space<hbm>>
      %dma_wait3A_1030 = tpu.memref_squeeze %dma_wait3A_1029 : memref<1x256x128xf32, #tpu.memory_space<hbm>> -> memref<256x128xf32, #tpu.memory_space<hbm>>
      %dma_wait3A_1031 = arith.constant 0 : i32
      %dma_wait3A_1032 = arith.constant 0 : i32
      %dma_wait3A_1033 = tpu.memref_slice %arg7[%run_scoped3A_133, %dma_wait3A_1031, %dma_wait3A_1032] : memref<2x256x128xf32, #tpu.memory_space<vmem>> -> memref<1x256x128xf32, #tpu.memory_space<vmem>>
      %dma_wait3A_1034 = tpu.memref_squeeze %dma_wait3A_1033 : memref<1x256x128xf32, #tpu.memory_space<vmem>> -> memref<256x128xf32, #tpu.memory_space<vmem>>
      tpu.wait_dma2 semaphore(%run_scoped3A_1006 : memref<!tpu.dma_semaphore, #tpu.memory_space<semaphore_mem>>) src(%dma_wait3A_1034 : memref<256x128xf32, #tpu.memory_space<vmem>>) dst(%dma_wait3A_1030 : memref<256x128xf32, #tpu.memory_space<hbm>>)
      tpu.yield
    }) : () -> ()
    %dma_start3A_134 = arith.constant 1 : i32
    %dma_start3A_135 = arith.constant 0 : i32
    %dma_start3A_136 = arith.constant 0 : i32
    %dma_start3A_137 = tpu.memref_slice %arg7[%dma_start3A_134, %dma_start3A_135, %dma_start3A_136] : memref<2x256x128xf32, #tpu.memory_space<vmem>> -> memref<1x256x128xf32, #tpu.memory_space<vmem>>
    %dma_start3A_138 = tpu.memref_squeeze %dma_start3A_137 : memref<1x256x128xf32, #tpu.memory_space<vmem>> -> memref<256x128xf32, #tpu.memory_space<vmem>>
    %dma_start3A_139 = arith.constant 768 : i32
    %dma_start3A_140 = tpu.memref_slice %arg6[%dma_start3A_139] : memref<4096xi32, #tpu.memory_space<vmem>> -> memref<256xi32, #tpu.memory_space<vmem>>
    %dma_start3A_141 = arith.constant 0 : i32
    %dma_start3A_142 = arith.constant 0 : i32
    %dma_start3A_143 = tpu.memref_slice %arg2[%dma_start3A_141, %dma_start3A_142] : memref<8192x128xf32, #tpu.memory_space<hbm>> -> memref<8192x128xf32, #tpu.memory_space<hbm>>
    tpu.enqueue_indirect_dma source(%dma_start3A_143 : memref<8192x128xf32, #tpu.memory_space<hbm>>) target(%dma_start3A_138 : memref<256x128xf32, #tpu.memory_space<vmem>>) offsets(%dma_start3A_140 : memref<256xi32, #tpu.memory_space<vmem>>) semaphore(%arg9 : memref<!tpu.dma_semaphore, #tpu.memory_space<semaphore_mem>>)
    %dma_wait3A_144 = arith.constant 0 : i32
    %dma_wait3A_145 = arith.constant 0 : i32
    %dma_wait3A_146 = arith.constant 0 : i32
    %dma_wait3A_147 = tpu.memref_slice %arg7[%dma_wait3A_144, %dma_wait3A_145, %dma_wait3A_146] : memref<2x256x128xf32, #tpu.memory_space<vmem>> -> memref<1x256x128xf32, #tpu.memory_space<vmem>>
    %dma_wait3A_148 = tpu.memref_squeeze %dma_wait3A_147 : memref<1x256x128xf32, #tpu.memory_space<vmem>> -> memref<256x128xf32, #tpu.memory_space<vmem>>
    %dma_wait3A_149 = arith.constant 512 : i32
    %dma_wait3A_150 = tpu.memref_slice %arg6[%dma_wait3A_149] : memref<4096xi32, #tpu.memory_space<vmem>> -> memref<256xi32, #tpu.memory_space<vmem>>
    %dma_wait3A_151 = arith.constant 0 : i32
    %dma_wait3A_152 = arith.constant 0 : i32
    %dma_wait3A_153 = tpu.memref_slice %arg2[%dma_wait3A_151, %dma_wait3A_152] : memref<8192x128xf32, #tpu.memory_space<hbm>> -> memref<8192x128xf32, #tpu.memory_space<hbm>>
    tpu.wait_indirect_dma semaphore(%arg8 : memref<!tpu.dma_semaphore, #tpu.memory_space<semaphore_mem>>) src(%dma_wait3A_153 : memref<8192x128xf32, #tpu.memory_space<hbm>>) dst(%dma_wait3A_148 : memref<256x128xf32, #tpu.memory_space<vmem>>)
    %add3A_154 = arith.constant 512 : i32
    %add3A_155 = arith.addi %mul3A_4, %add3A_154 : i32
    %jit3A_156 = arith.constant 2048 : i32
    %div3A_157 = arith.divsi %add3A_155, %jit3A_156 : i32
    %sign3A_158 = arith.constant 0 : i32
    %sign3A_159 = arith.cmpi sgt, %add3A_155, %sign3A_158 : i32
    %sign3A_160 = arith.extui %sign3A_159 : i1 to i32
    %sign3A_161 = arith.constant 0 : i32
    %sign3A_162 = arith.cmpi slt, %add3A_155, %sign3A_161 : i32
    %sign3A_163 = arith.extui %sign3A_162 : i1 to i32
    %sign3A_164 = arith.subi %sign3A_160, %sign3A_163 : i32
    %sign3A_165 = arith.constant 0 : i32
    %sign3A_166 = arith.cmpi sgt, %jit3A_156, %sign3A_165 : i32
    %sign3A_167 = arith.extui %sign3A_166 : i1 to i32
    %sign3A_168 = arith.constant 0 : i32
    %sign3A_169 = arith.cmpi slt, %jit3A_156, %sign3A_168 : i32
    %sign3A_170 = arith.extui %sign3A_169 : i1 to i32
    %sign3A_171 = arith.subi %sign3A_167, %sign3A_170 : i32
    %ne3A_172 = arith.cmpi ne, %sign3A_164, %sign3A_171 : i32
    %rem3A_173 = arith.remsi %add3A_155, %jit3A_156 : i32
    %ne3A_174 = arith.constant 0 : i32
    %ne3A_175 = arith.cmpi ne, %rem3A_173, %ne3A_174 : i32
    %and3A_176 = arith.andi %ne3A_172, %ne3A_175 : i1
    %sub3A_177 = arith.constant 1 : i32
    %sub3A_178 = arith.subi %div3A_157, %sub3A_177 : i32
    %select_n3A_179 = arith.select %and3A_176, %sub3A_178, %div3A_157 : i32
    %jit3A_180 = arith.constant 2048 : i32
    %eq3A_181 = arith.constant 0 : i32
    %eq3A_182 = arith.cmpi eq, %jit3A_180, %eq3A_181 : i32
    %jit3A_183 = arith.constant 1 : i32
    %select_n3A_184 = arith.select %eq3A_182, %jit3A_183, %jit3A_180 : i32
    %rem3A_185 = arith.remsi %add3A_155, %select_n3A_184 : i32
    %ne3A_186 = arith.constant 0 : i32
    %ne3A_187 = arith.cmpi ne, %rem3A_185, %ne3A_186 : i32
    %lt3A_188 = arith.constant 0 : i32
    %lt3A_189 = arith.cmpi slt, %rem3A_185, %lt3A_188 : i32
    %lt3A_190 = arith.constant 0 : i32
    %lt3A_191 = arith.cmpi slt, %select_n3A_184, %lt3A_190 : i32
    %ne3A_192 = arith.xori %lt3A_189, %lt3A_191 : i1
    %and3A_193 = arith.andi %ne3A_192, %ne3A_187 : i1
    %add3A_194 = arith.addi %rem3A_185, %select_n3A_184 : i32
    %select_n3A_195 = arith.select %and3A_193, %add3A_194, %rem3A_185 : i32
    %run_scoped3A_196 = arith.constant 0 : i32
    "tpu.region"() ({
      %run_scoped3A_1006 = tpu.sem_alloc : memref<!tpu.dma_semaphore, #tpu.memory_space<semaphore_mem>>
      %dma_start3A_1007 = arith.constant 0 : i32
      %dma_start3A_1008 = arith.constant 0 : i32
      %dma_start3A_1009 = tpu.memref_slice %arg7[%run_scoped3A_196, %dma_start3A_1007, %dma_start3A_1008] : memref<2x256x128xf32, #tpu.memory_space<vmem>> -> memref<1x256x128xf32, #tpu.memory_space<vmem>>
      %dma_start3A_1010 = tpu.memref_squeeze %dma_start3A_1009 : memref<1x256x128xf32, #tpu.memory_space<vmem>> -> memref<256x128xf32, #tpu.memory_space<vmem>>
      %dma_start3A_1011 = arith.constant 0 : i32
      %dma_start3A_1012 = tpu.memref_slice %arg4[%select_n3A_179, %select_n3A_195, %dma_start3A_1011] : memref<64x2048x128xf32, #tpu.memory_space<hbm>> -> memref<1x256x128xf32, #tpu.memory_space<hbm>>
      %dma_start3A_1013 = tpu.memref_squeeze %dma_start3A_1012 : memref<1x256x128xf32, #tpu.memory_space<hbm>> -> memref<256x128xf32, #tpu.memory_space<hbm>>
      %dma_start3A_1014 = arith.constant 0 : i32
      %dma_start3A_1015 = tpu.memref_slice %arg4[%select_n3A_179, %select_n3A_195, %dma_start3A_1014] : memref<64x2048x128xf32, #tpu.memory_space<hbm>> -> memref<1x256x128xf32, #tpu.memory_space<hbm>>
      %dma_start3A_1016 = tpu.memref_squeeze %dma_start3A_1015 : memref<1x256x128xf32, #tpu.memory_space<hbm>> -> memref<256x128xf32, #tpu.memory_space<hbm>>
      %dma_start3A_1017 = arith.constant 0 : i32
      %dma_start3A_1018 = arith.constant 0 : i32
      %dma_start3A_1019 = tpu.memref_slice %arg7[%run_scoped3A_196, %dma_start3A_1017, %dma_start3A_1018] : memref<2x256x128xf32, #tpu.memory_space<vmem>> -> memref<1x256x128xf32, #tpu.memory_space<vmem>>
      %dma_start3A_1020 = tpu.memref_squeeze %dma_start3A_1019 : memref<1x256x128xf32, #tpu.memory_space<vmem>> -> memref<256x128xf32, #tpu.memory_space<vmem>>
      tpu.enqueue_dma source(%dma_start3A_1020 : memref<256x128xf32, #tpu.memory_space<vmem>>) target(%dma_start3A_1016 : memref<256x128xf32, #tpu.memory_space<hbm>>) target_semaphore(%run_scoped3A_1006 : memref<!tpu.dma_semaphore, #tpu.memory_space<semaphore_mem>>)
      %dma_wait3A_1021 = arith.constant 0 : i32
      %dma_wait3A_1022 = arith.constant 0 : i32
      %dma_wait3A_1023 = tpu.memref_slice %arg7[%run_scoped3A_196, %dma_wait3A_1021, %dma_wait3A_1022] : memref<2x256x128xf32, #tpu.memory_space<vmem>> -> memref<1x256x128xf32, #tpu.memory_space<vmem>>
      %dma_wait3A_1024 = tpu.memref_squeeze %dma_wait3A_1023 : memref<1x256x128xf32, #tpu.memory_space<vmem>> -> memref<256x128xf32, #tpu.memory_space<vmem>>
      %dma_wait3A_1025 = arith.constant 0 : i32
      %dma_wait3A_1026 = tpu.memref_slice %arg4[%select_n3A_179, %select_n3A_195, %dma_wait3A_1025] : memref<64x2048x128xf32, #tpu.memory_space<hbm>> -> memref<1x256x128xf32, #tpu.memory_space<hbm>>
      %dma_wait3A_1027 = tpu.memref_squeeze %dma_wait3A_1026 : memref<1x256x128xf32, #tpu.memory_space<hbm>> -> memref<256x128xf32, #tpu.memory_space<hbm>>
      %dma_wait3A_1028 = arith.constant 0 : i32
      %dma_wait3A_1029 = tpu.memref_slice %arg4[%select_n3A_179, %select_n3A_195, %dma_wait3A_1028] : memref<64x2048x128xf32, #tpu.memory_space<hbm>> -> memref<1x256x128xf32, #tpu.memory_space<hbm>>
      %dma_wait3A_1030 = tpu.memref_squeeze %dma_wait3A_1029 : memref<1x256x128xf32, #tpu.memory_space<hbm>> -> memref<256x128xf32, #tpu.memory_space<hbm>>
      %dma_wait3A_1031 = arith.constant 0 : i32
      %dma_wait3A_1032 = arith.constant 0 : i32
      %dma_wait3A_1033 = tpu.memref_slice %arg7[%run_scoped3A_196, %dma_wait3A_1031, %dma_wait3A_1032] : memref<2x256x128xf32, #tpu.memory_space<vmem>> -> memref<1x256x128xf32, #tpu.memory_space<vmem>>
      %dma_wait3A_1034 = tpu.memref_squeeze %dma_wait3A_1033 : memref<1x256x128xf32, #tpu.memory_space<vmem>> -> memref<256x128xf32, #tpu.memory_space<vmem>>
      tpu.wait_dma2 semaphore(%run_scoped3A_1006 : memref<!tpu.dma_semaphore, #tpu.memory_space<semaphore_mem>>) src(%dma_wait3A_1034 : memref<256x128xf32, #tpu.memory_space<vmem>>) dst(%dma_wait3A_1030 : memref<256x128xf32, #tpu.memory_space<hbm>>)
      tpu.yield
    }) : () -> ()
    %dma_start3A_197 = arith.constant 0 : i32
    %dma_start3A_198 = arith.constant 0 : i32
    %dma_start3A_199 = arith.constant 0 : i32
    %dma_start3A_200 = tpu.memref_slice %arg7[%dma_start3A_197, %dma_start3A_198, %dma_start3A_199] : memref<2x256x128xf32, #tpu.memory_space<vmem>> -> memref<1x256x128xf32, #tpu.memory_space<vmem>>
    %dma_start3A_201 = tpu.memref_squeeze %dma_start3A_200 : memref<1x256x128xf32, #tpu.memory_space<vmem>> -> memref<256x128xf32, #tpu.memory_space<vmem>>
    %dma_start3A_202 = arith.constant 1024 : i32
    %dma_start3A_203 = tpu.memref_slice %arg6[%dma_start3A_202] : memref<4096xi32, #tpu.memory_space<vmem>> -> memref<256xi32, #tpu.memory_space<vmem>>
    %dma_start3A_204 = arith.constant 0 : i32
    %dma_start3A_205 = arith.constant 0 : i32
    %dma_start3A_206 = tpu.memref_slice %arg2[%dma_start3A_204, %dma_start3A_205] : memref<8192x128xf32, #tpu.memory_space<hbm>> -> memref<8192x128xf32, #tpu.memory_space<hbm>>
    tpu.enqueue_indirect_dma source(%dma_start3A_206 : memref<8192x128xf32, #tpu.memory_space<hbm>>) target(%dma_start3A_201 : memref<256x128xf32, #tpu.memory_space<vmem>>) offsets(%dma_start3A_203 : memref<256xi32, #tpu.memory_space<vmem>>) semaphore(%arg8 : memref<!tpu.dma_semaphore, #tpu.memory_space<semaphore_mem>>)
    %dma_wait3A_207 = arith.constant 1 : i32
    %dma_wait3A_208 = arith.constant 0 : i32
    %dma_wait3A_209 = arith.constant 0 : i32
    %dma_wait3A_210 = tpu.memref_slice %arg7[%dma_wait3A_207, %dma_wait3A_208, %dma_wait3A_209] : memref<2x256x128xf32, #tpu.memory_space<vmem>> -> memref<1x256x128xf32, #tpu.memory_space<vmem>>
    %dma_wait3A_211 = tpu.memref_squeeze %dma_wait3A_210 : memref<1x256x128xf32, #tpu.memory_space<vmem>> -> memref<256x128xf32, #tpu.memory_space<vmem>>
    %dma_wait3A_212 = arith.constant 768 : i32
    %dma_wait3A_213 = tpu.memref_slice %arg6[%dma_wait3A_212] : memref<4096xi32, #tpu.memory_space<vmem>> -> memref<256xi32, #tpu.memory_space<vmem>>
    %dma_wait3A_214 = arith.constant 0 : i32
    %dma_wait3A_215 = arith.constant 0 : i32
    %dma_wait3A_216 = tpu.memref_slice %arg2[%dma_wait3A_214, %dma_wait3A_215] : memref<8192x128xf32, #tpu.memory_space<hbm>> -> memref<8192x128xf32, #tpu.memory_space<hbm>>
    tpu.wait_indirect_dma semaphore(%arg9 : memref<!tpu.dma_semaphore, #tpu.memory_space<semaphore_mem>>) src(%dma_wait3A_216 : memref<8192x128xf32, #tpu.memory_space<hbm>>) dst(%dma_wait3A_211 : memref<256x128xf32, #tpu.memory_space<vmem>>)
    %add3A_217 = arith.constant 768 : i32
    %add3A_218 = arith.addi %mul3A_4, %add3A_217 : i32
    %jit3A_219 = arith.constant 2048 : i32
    %div3A_220 = arith.divsi %add3A_218, %jit3A_219 : i32
    %sign3A_221 = arith.constant 0 : i32
    %sign3A_222 = arith.cmpi sgt, %add3A_218, %sign3A_221 : i32
    %sign3A_223 = arith.extui %sign3A_222 : i1 to i32
    %sign3A_224 = arith.constant 0 : i32
    %sign3A_225 = arith.cmpi slt, %add3A_218, %sign3A_224 : i32
    %sign3A_226 = arith.extui %sign3A_225 : i1 to i32
    %sign3A_227 = arith.subi %sign3A_223, %sign3A_226 : i32
    %sign3A_228 = arith.constant 0 : i32
    %sign3A_229 = arith.cmpi sgt, %jit3A_219, %sign3A_228 : i32
    %sign3A_230 = arith.extui %sign3A_229 : i1 to i32
    %sign3A_231 = arith.constant 0 : i32
    %sign3A_232 = arith.cmpi slt, %jit3A_219, %sign3A_231 : i32
    %sign3A_233 = arith.extui %sign3A_232 : i1 to i32
    %sign3A_234 = arith.subi %sign3A_230, %sign3A_233 : i32
    %ne3A_235 = arith.cmpi ne, %sign3A_227, %sign3A_234 : i32
    %rem3A_236 = arith.remsi %add3A_218, %jit3A_219 : i32
    %ne3A_237 = arith.constant 0 : i32
    %ne3A_238 = arith.cmpi ne, %rem3A_236, %ne3A_237 : i32
    %and3A_239 = arith.andi %ne3A_235, %ne3A_238 : i1
    %sub3A_240 = arith.constant 1 : i32
    %sub3A_241 = arith.subi %div3A_220, %sub3A_240 : i32
    %select_n3A_242 = arith.select %and3A_239, %sub3A_241, %div3A_220 : i32
    %jit3A_243 = arith.constant 2048 : i32
    %eq3A_244 = arith.constant 0 : i32
    %eq3A_245 = arith.cmpi eq, %jit3A_243, %eq3A_244 : i32
    %jit3A_246 = arith.constant 1 : i32
    %select_n3A_247 = arith.select %eq3A_245, %jit3A_246, %jit3A_243 : i32
    %rem3A_248 = arith.remsi %add3A_218, %select_n3A_247 : i32
    %ne3A_249 = arith.constant 0 : i32
    %ne3A_250 = arith.cmpi ne, %rem3A_248, %ne3A_249 : i32
    %lt3A_251 = arith.constant 0 : i32
    %lt3A_252 = arith.cmpi slt, %rem3A_248, %lt3A_251 : i32
    %lt3A_253 = arith.constant 0 : i32
    %lt3A_254 = arith.cmpi slt, %select_n3A_247, %lt3A_253 : i32
    %ne3A_255 = arith.xori %lt3A_252, %lt3A_254 : i1
    %and3A_256 = arith.andi %ne3A_255, %ne3A_250 : i1
    %add3A_257 = arith.addi %rem3A_248, %select_n3A_247 : i32
    %select_n3A_258 = arith.select %and3A_256, %add3A_257, %rem3A_248 : i32
    %run_scoped3A_259 = arith.constant 1 : i32
    "tpu.region"() ({
      %run_scoped3A_1006 = tpu.sem_alloc : memref<!tpu.dma_semaphore, #tpu.memory_space<semaphore_mem>>
      %dma_start3A_1007 = arith.constant 0 : i32
      %dma_start3A_1008 = arith.constant 0 : i32
      %dma_start3A_1009 = tpu.memref_slice %arg7[%run_scoped3A_259, %dma_start3A_1007, %dma_start3A_1008] : memref<2x256x128xf32, #tpu.memory_space<vmem>> -> memref<1x256x128xf32, #tpu.memory_space<vmem>>
      %dma_start3A_1010 = tpu.memref_squeeze %dma_start3A_1009 : memref<1x256x128xf32, #tpu.memory_space<vmem>> -> memref<256x128xf32, #tpu.memory_space<vmem>>
      %dma_start3A_1011 = arith.constant 0 : i32
      %dma_start3A_1012 = tpu.memref_slice %arg4[%select_n3A_242, %select_n3A_258, %dma_start3A_1011] : memref<64x2048x128xf32, #tpu.memory_space<hbm>> -> memref<1x256x128xf32, #tpu.memory_space<hbm>>
      %dma_start3A_1013 = tpu.memref_squeeze %dma_start3A_1012 : memref<1x256x128xf32, #tpu.memory_space<hbm>> -> memref<256x128xf32, #tpu.memory_space<hbm>>
      %dma_start3A_1014 = arith.constant 0 : i32
      %dma_start3A_1015 = tpu.memref_slice %arg4[%select_n3A_242, %select_n3A_258, %dma_start3A_1014] : memref<64x2048x128xf32, #tpu.memory_space<hbm>> -> memref<1x256x128xf32, #tpu.memory_space<hbm>>
      %dma_start3A_1016 = tpu.memref_squeeze %dma_start3A_1015 : memref<1x256x128xf32, #tpu.memory_space<hbm>> -> memref<256x128xf32, #tpu.memory_space<hbm>>
      %dma_start3A_1017 = arith.constant 0 : i32
      %dma_start3A_1018 = arith.constant 0 : i32
      %dma_start3A_1019 = tpu.memref_slice %arg7[%run_scoped3A_259, %dma_start3A_1017, %dma_start3A_1018] : memref<2x256x128xf32, #tpu.memory_space<vmem>> -> memref<1x256x128xf32, #tpu.memory_space<vmem>>
      %dma_start3A_1020 = tpu.memref_squeeze %dma_start3A_1019 : memref<1x256x128xf32, #tpu.memory_space<vmem>> -> memref<256x128xf32, #tpu.memory_space<vmem>>
      tpu.enqueue_dma source(%dma_start3A_1020 : memref<256x128xf32, #tpu.memory_space<vmem>>) target(%dma_start3A_1016 : memref<256x128xf32, #tpu.memory_space<hbm>>) target_semaphore(%run_scoped3A_1006 : memref<!tpu.dma_semaphore, #tpu.memory_space<semaphore_mem>>)
      %dma_wait3A_1021 = arith.constant 0 : i32
      %dma_wait3A_1022 = arith.constant 0 : i32
      %dma_wait3A_1023 = tpu.memref_slice %arg7[%run_scoped3A_259, %dma_wait3A_1021, %dma_wait3A_1022] : memref<2x256x128xf32, #tpu.memory_space<vmem>> -> memref<1x256x128xf32, #tpu.memory_space<vmem>>
      %dma_wait3A_1024 = tpu.memref_squeeze %dma_wait3A_1023 : memref<1x256x128xf32, #tpu.memory_space<vmem>> -> memref<256x128xf32, #tpu.memory_space<vmem>>
      %dma_wait3A_1025 = arith.constant 0 : i32
      %dma_wait3A_1026 = tpu.memref_slice %arg4[%select_n3A_242, %select_n3A_258, %dma_wait3A_1025] : memref<64x2048x128xf32, #tpu.memory_space<hbm>> -> memref<1x256x128xf32, #tpu.memory_space<hbm>>
      %dma_wait3A_1027 = tpu.memref_squeeze %dma_wait3A_1026 : memref<1x256x128xf32, #tpu.memory_space<hbm>> -> memref<256x128xf32, #tpu.memory_space<hbm>>
      %dma_wait3A_1028 = arith.constant 0 : i32
      %dma_wait3A_1029 = tpu.memref_slice %arg4[%select_n3A_242, %select_n3A_258, %dma_wait3A_1028] : memref<64x2048x128xf32, #tpu.memory_space<hbm>> -> memref<1x256x128xf32, #tpu.memory_space<hbm>>
      %dma_wait3A_1030 = tpu.memref_squeeze %dma_wait3A_1029 : memref<1x256x128xf32, #tpu.memory_space<hbm>> -> memref<256x128xf32, #tpu.memory_space<hbm>>
      %dma_wait3A_1031 = arith.constant 0 : i32
      %dma_wait3A_1032 = arith.constant 0 : i32
      %dma_wait3A_1033 = tpu.memref_slice %arg7[%run_scoped3A_259, %dma_wait3A_1031, %dma_wait3A_1032] : memref<2x256x128xf32, #tpu.memory_space<vmem>> -> memref<1x256x128xf32, #tpu.memory_space<vmem>>
      %dma_wait3A_1034 = tpu.memref_squeeze %dma_wait3A_1033 : memref<1x256x128xf32, #tpu.memory_space<vmem>> -> memref<256x128xf32, #tpu.memory_space<vmem>>
      tpu.wait_dma2 semaphore(%run_scoped3A_1006 : memref<!tpu.dma_semaphore, #tpu.memory_space<semaphore_mem>>) src(%dma_wait3A_1034 : memref<256x128xf32, #tpu.memory_space<vmem>>) dst(%dma_wait3A_1030 : memref<256x128xf32, #tpu.memory_space<hbm>>)
      tpu.yield
    }) : () -> ()
    %dma_start3A_260 = arith.constant 1 : i32
    %dma_start3A_261 = arith.constant 0 : i32
    %dma_start3A_262 = arith.constant 0 : i32
    %dma_start3A_263 = tpu.memref_slice %arg7[%dma_start3A_260, %dma_start3A_261, %dma_start3A_262] : memref<2x256x128xf32, #tpu.memory_space<vmem>> -> memref<1x256x128xf32, #tpu.memory_space<vmem>>
    %dma_start3A_264 = tpu.memref_squeeze %dma_start3A_263 : memref<1x256x128xf32, #tpu.memory_space<vmem>> -> memref<256x128xf32, #tpu.memory_space<vmem>>
    %dma_start3A_265 = arith.constant 1280 : i32
    %dma_start3A_266 = tpu.memref_slice %arg6[%dma_start3A_265] : memref<4096xi32, #tpu.memory_space<vmem>> -> memref<256xi32, #tpu.memory_space<vmem>>
    %dma_start3A_267 = arith.constant 0 : i32
    %dma_start3A_268 = arith.constant 0 : i32
    %dma_start3A_269 = tpu.memref_slice %arg2[%dma_start3A_267, %dma_start3A_268] : memref<8192x128xf32, #tpu.memory_space<hbm>> -> memref<8192x128xf32, #tpu.memory_space<hbm>>
    tpu.enqueue_indirect_dma source(%dma_start3A_269 : memref<8192x128xf32, #tpu.memory_space<hbm>>) target(%dma_start3A_264 : memref<256x128xf32, #tpu.memory_space<vmem>>) offsets(%dma_start3A_266 : memref<256xi32, #tpu.memory_space<vmem>>) semaphore(%arg9 : memref<!tpu.dma_semaphore, #tpu.memory_space<semaphore_mem>>)
    %dma_wait3A_270 = arith.constant 0 : i32
    %dma_wait3A_271 = arith.constant 0 : i32
    %dma_wait3A_272 = arith.constant 0 : i32
    %dma_wait3A_273 = tpu.memref_slice %arg7[%dma_wait3A_270, %dma_wait3A_271, %dma_wait3A_272] : memref<2x256x128xf32, #tpu.memory_space<vmem>> -> memref<1x256x128xf32, #tpu.memory_space<vmem>>
    %dma_wait3A_274 = tpu.memref_squeeze %dma_wait3A_273 : memref<1x256x128xf32, #tpu.memory_space<vmem>> -> memref<256x128xf32, #tpu.memory_space<vmem>>
    %dma_wait3A_275 = arith.constant 1024 : i32
    %dma_wait3A_276 = tpu.memref_slice %arg6[%dma_wait3A_275] : memref<4096xi32, #tpu.memory_space<vmem>> -> memref<256xi32, #tpu.memory_space<vmem>>
    %dma_wait3A_277 = arith.constant 0 : i32
    %dma_wait3A_278 = arith.constant 0 : i32
    %dma_wait3A_279 = tpu.memref_slice %arg2[%dma_wait3A_277, %dma_wait3A_278] : memref<8192x128xf32, #tpu.memory_space<hbm>> -> memref<8192x128xf32, #tpu.memory_space<hbm>>
    tpu.wait_indirect_dma semaphore(%arg8 : memref<!tpu.dma_semaphore, #tpu.memory_space<semaphore_mem>>) src(%dma_wait3A_279 : memref<8192x128xf32, #tpu.memory_space<hbm>>) dst(%dma_wait3A_274 : memref<256x128xf32, #tpu.memory_space<vmem>>)
    %add3A_280 = arith.constant 1024 : i32
    %add3A_281 = arith.addi %mul3A_4, %add3A_280 : i32
    %jit3A_282 = arith.constant 2048 : i32
    %div3A_283 = arith.divsi %add3A_281, %jit3A_282 : i32
    %sign3A_284 = arith.constant 0 : i32
    %sign3A_285 = arith.cmpi sgt, %add3A_281, %sign3A_284 : i32
    %sign3A_286 = arith.extui %sign3A_285 : i1 to i32
    %sign3A_287 = arith.constant 0 : i32
    %sign3A_288 = arith.cmpi slt, %add3A_281, %sign3A_287 : i32
    %sign3A_289 = arith.extui %sign3A_288 : i1 to i32
    %sign3A_290 = arith.subi %sign3A_286, %sign3A_289 : i32
    %sign3A_291 = arith.constant 0 : i32
    %sign3A_292 = arith.cmpi sgt, %jit3A_282, %sign3A_291 : i32
    %sign3A_293 = arith.extui %sign3A_292 : i1 to i32
    %sign3A_294 = arith.constant 0 : i32
    %sign3A_295 = arith.cmpi slt, %jit3A_282, %sign3A_294 : i32
    %sign3A_296 = arith.extui %sign3A_295 : i1 to i32
    %sign3A_297 = arith.subi %sign3A_293, %sign3A_296 : i32
    %ne3A_298 = arith.cmpi ne, %sign3A_290, %sign3A_297 : i32
    %rem3A_299 = arith.remsi %add3A_281, %jit3A_282 : i32
    %ne3A_300 = arith.constant 0 : i32
    %ne3A_301 = arith.cmpi ne, %rem3A_299, %ne3A_300 : i32
    %and3A_302 = arith.andi %ne3A_298, %ne3A_301 : i1
    %sub3A_303 = arith.constant 1 : i32
    %sub3A_304 = arith.subi %div3A_283, %sub3A_303 : i32
    %select_n3A_305 = arith.select %and3A_302, %sub3A_304, %div3A_283 : i32
    %jit3A_306 = arith.constant 2048 : i32
    %eq3A_307 = arith.constant 0 : i32
    %eq3A_308 = arith.cmpi eq, %jit3A_306, %eq3A_307 : i32
    %jit3A_309 = arith.constant 1 : i32
    %select_n3A_310 = arith.select %eq3A_308, %jit3A_309, %jit3A_306 : i32
    %rem3A_311 = arith.remsi %add3A_281, %select_n3A_310 : i32
    %ne3A_312 = arith.constant 0 : i32
    %ne3A_313 = arith.cmpi ne, %rem3A_311, %ne3A_312 : i32
    %lt3A_314 = arith.constant 0 : i32
    %lt3A_315 = arith.cmpi slt, %rem3A_311, %lt3A_314 : i32
    %lt3A_316 = arith.constant 0 : i32
    %lt3A_317 = arith.cmpi slt, %select_n3A_310, %lt3A_316 : i32
    %ne3A_318 = arith.xori %lt3A_315, %lt3A_317 : i1
    %and3A_319 = arith.andi %ne3A_318, %ne3A_313 : i1
    %add3A_320 = arith.addi %rem3A_311, %select_n3A_310 : i32
    %select_n3A_321 = arith.select %and3A_319, %add3A_320, %rem3A_311 : i32
    %run_scoped3A_322 = arith.constant 0 : i32
    "tpu.region"() ({
      %run_scoped3A_1006 = tpu.sem_alloc : memref<!tpu.dma_semaphore, #tpu.memory_space<semaphore_mem>>
      %dma_start3A_1007 = arith.constant 0 : i32
      %dma_start3A_1008 = arith.constant 0 : i32
      %dma_start3A_1009 = tpu.memref_slice %arg7[%run_scoped3A_322, %dma_start3A_1007, %dma_start3A_1008] : memref<2x256x128xf32, #tpu.memory_space<vmem>> -> memref<1x256x128xf32, #tpu.memory_space<vmem>>
      %dma_start3A_1010 = tpu.memref_squeeze %dma_start3A_1009 : memref<1x256x128xf32, #tpu.memory_space<vmem>> -> memref<256x128xf32, #tpu.memory_space<vmem>>
      %dma_start3A_1011 = arith.constant 0 : i32
      %dma_start3A_1012 = tpu.memref_slice %arg4[%select_n3A_305, %select_n3A_321, %dma_start3A_1011] : memref<64x2048x128xf32, #tpu.memory_space<hbm>> -> memref<1x256x128xf32, #tpu.memory_space<hbm>>
      %dma_start3A_1013 = tpu.memref_squeeze %dma_start3A_1012 : memref<1x256x128xf32, #tpu.memory_space<hbm>> -> memref<256x128xf32, #tpu.memory_space<hbm>>
      %dma_start3A_1014 = arith.constant 0 : i32
      %dma_start3A_1015 = tpu.memref_slice %arg4[%select_n3A_305, %select_n3A_321, %dma_start3A_1014] : memref<64x2048x128xf32, #tpu.memory_space<hbm>> -> memref<1x256x128xf32, #tpu.memory_space<hbm>>
      %dma_start3A_1016 = tpu.memref_squeeze %dma_start3A_1015 : memref<1x256x128xf32, #tpu.memory_space<hbm>> -> memref<256x128xf32, #tpu.memory_space<hbm>>
      %dma_start3A_1017 = arith.constant 0 : i32
      %dma_start3A_1018 = arith.constant 0 : i32
      %dma_start3A_1019 = tpu.memref_slice %arg7[%run_scoped3A_322, %dma_start3A_1017, %dma_start3A_1018] : memref<2x256x128xf32, #tpu.memory_space<vmem>> -> memref<1x256x128xf32, #tpu.memory_space<vmem>>
      %dma_start3A_1020 = tpu.memref_squeeze %dma_start3A_1019 : memref<1x256x128xf32, #tpu.memory_space<vmem>> -> memref<256x128xf32, #tpu.memory_space<vmem>>
      tpu.enqueue_dma source(%dma_start3A_1020 : memref<256x128xf32, #tpu.memory_space<vmem>>) target(%dma_start3A_1016 : memref<256x128xf32, #tpu.memory_space<hbm>>) target_semaphore(%run_scoped3A_1006 : memref<!tpu.dma_semaphore, #tpu.memory_space<semaphore_mem>>)
      %dma_wait3A_1021 = arith.constant 0 : i32
      %dma_wait3A_1022 = arith.constant 0 : i32
      %dma_wait3A_1023 = tpu.memref_slice %arg7[%run_scoped3A_322, %dma_wait3A_1021, %dma_wait3A_1022] : memref<2x256x128xf32, #tpu.memory_space<vmem>> -> memref<1x256x128xf32, #tpu.memory_space<vmem>>
      %dma_wait3A_1024 = tpu.memref_squeeze %dma_wait3A_1023 : memref<1x256x128xf32, #tpu.memory_space<vmem>> -> memref<256x128xf32, #tpu.memory_space<vmem>>
      %dma_wait3A_1025 = arith.constant 0 : i32
      %dma_wait3A_1026 = tpu.memref_slice %arg4[%select_n3A_305, %select_n3A_321, %dma_wait3A_1025] : memref<64x2048x128xf32, #tpu.memory_space<hbm>> -> memref<1x256x128xf32, #tpu.memory_space<hbm>>
      %dma_wait3A_1027 = tpu.memref_squeeze %dma_wait3A_1026 : memref<1x256x128xf32, #tpu.memory_space<hbm>> -> memref<256x128xf32, #tpu.memory_space<hbm>>
      %dma_wait3A_1028 = arith.constant 0 : i32
      %dma_wait3A_1029 = tpu.memref_slice %arg4[%select_n3A_305, %select_n3A_321, %dma_wait3A_1028] : memref<64x2048x128xf32, #tpu.memory_space<hbm>> -> memref<1x256x128xf32, #tpu.memory_space<hbm>>
      %dma_wait3A_1030 = tpu.memref_squeeze %dma_wait3A_1029 : memref<1x256x128xf32, #tpu.memory_space<hbm>> -> memref<256x128xf32, #tpu.memory_space<hbm>>
      %dma_wait3A_1031 = arith.constant 0 : i32
      %dma_wait3A_1032 = arith.constant 0 : i32
      %dma_wait3A_1033 = tpu.memref_slice %arg7[%run_scoped3A_322, %dma_wait3A_1031, %dma_wait3A_1032] : memref<2x256x128xf32, #tpu.memory_space<vmem>> -> memref<1x256x128xf32, #tpu.memory_space<vmem>>
      %dma_wait3A_1034 = tpu.memref_squeeze %dma_wait3A_1033 : memref<1x256x128xf32, #tpu.memory_space<vmem>> -> memref<256x128xf32, #tpu.memory_space<vmem>>
      tpu.wait_dma2 semaphore(%run_scoped3A_1006 : memref<!tpu.dma_semaphore, #tpu.memory_space<semaphore_mem>>) src(%dma_wait3A_1034 : memref<256x128xf32, #tpu.memory_space<vmem>>) dst(%dma_wait3A_1030 : memref<256x128xf32, #tpu.memory_space<hbm>>)
      tpu.yield
    }) : () -> ()
    %dma_start3A_323 = arith.constant 0 : i32
    %dma_start3A_324 = arith.constant 0 : i32
    %dma_start3A_325 = arith.constant 0 : i32
    %dma_start3A_326 = tpu.memref_slice %arg7[%dma_start3A_323, %dma_start3A_324, %dma_start3A_325] : memref<2x256x128xf32, #tpu.memory_space<vmem>> -> memref<1x256x128xf32, #tpu.memory_space<vmem>>
    %dma_start3A_327 = tpu.memref_squeeze %dma_start3A_326 : memref<1x256x128xf32, #tpu.memory_space<vmem>> -> memref<256x128xf32, #tpu.memory_space<vmem>>
    %dma_start3A_328 = arith.constant 1536 : i32
    %dma_start3A_329 = tpu.memref_slice %arg6[%dma_start3A_328] : memref<4096xi32, #tpu.memory_space<vmem>> -> memref<256xi32, #tpu.memory_space<vmem>>
    %dma_start3A_330 = arith.constant 0 : i32
    %dma_start3A_331 = arith.constant 0 : i32
    %dma_start3A_332 = tpu.memref_slice %arg2[%dma_start3A_330, %dma_start3A_331] : memref<8192x128xf32, #tpu.memory_space<hbm>> -> memref<8192x128xf32, #tpu.memory_space<hbm>>
    tpu.enqueue_indirect_dma source(%dma_start3A_332 : memref<8192x128xf32, #tpu.memory_space<hbm>>) target(%dma_start3A_327 : memref<256x128xf32, #tpu.memory_space<vmem>>) offsets(%dma_start3A_329 : memref<256xi32, #tpu.memory_space<vmem>>) semaphore(%arg8 : memref<!tpu.dma_semaphore, #tpu.memory_space<semaphore_mem>>)
    %dma_wait3A_333 = arith.constant 1 : i32
    %dma_wait3A_334 = arith.constant 0 : i32
    %dma_wait3A_335 = arith.constant 0 : i32
    %dma_wait3A_336 = tpu.memref_slice %arg7[%dma_wait3A_333, %dma_wait3A_334, %dma_wait3A_335] : memref<2x256x128xf32, #tpu.memory_space<vmem>> -> memref<1x256x128xf32, #tpu.memory_space<vmem>>
    %dma_wait3A_337 = tpu.memref_squeeze %dma_wait3A_336 : memref<1x256x128xf32, #tpu.memory_space<vmem>> -> memref<256x128xf32, #tpu.memory_space<vmem>>
    %dma_wait3A_338 = arith.constant 1280 : i32
    %dma_wait3A_339 = tpu.memref_slice %arg6[%dma_wait3A_338] : memref<4096xi32, #tpu.memory_space<vmem>> -> memref<256xi32, #tpu.memory_space<vmem>>
    %dma_wait3A_340 = arith.constant 0 : i32
    %dma_wait3A_341 = arith.constant 0 : i32
    %dma_wait3A_342 = tpu.memref_slice %arg2[%dma_wait3A_340, %dma_wait3A_341] : memref<8192x128xf32, #tpu.memory_space<hbm>> -> memref<8192x128xf32, #tpu.memory_space<hbm>>
    tpu.wait_indirect_dma semaphore(%arg9 : memref<!tpu.dma_semaphore, #tpu.memory_space<semaphore_mem>>) src(%dma_wait3A_342 : memref<8192x128xf32, #tpu.memory_space<hbm>>) dst(%dma_wait3A_337 : memref<256x128xf32, #tpu.memory_space<vmem>>)
    %add3A_343 = arith.constant 1280 : i32
    %add3A_344 = arith.addi %mul3A_4, %add3A_343 : i32
    %jit3A_345 = arith.constant 2048 : i32
    %div3A_346 = arith.divsi %add3A_344, %jit3A_345 : i32
    %sign3A_347 = arith.constant 0 : i32
    %sign3A_348 = arith.cmpi sgt, %add3A_344, %sign3A_347 : i32
    %sign3A_349 = arith.extui %sign3A_348 : i1 to i32
    %sign3A_350 = arith.constant 0 : i32
    %sign3A_351 = arith.cmpi slt, %add3A_344, %sign3A_350 : i32
    %sign3A_352 = arith.extui %sign3A_351 : i1 to i32
    %sign3A_353 = arith.subi %sign3A_349, %sign3A_352 : i32
    %sign3A_354 = arith.constant 0 : i32
    %sign3A_355 = arith.cmpi sgt, %jit3A_345, %sign3A_354 : i32
    %sign3A_356 = arith.extui %sign3A_355 : i1 to i32
    %sign3A_357 = arith.constant 0 : i32
    %sign3A_358 = arith.cmpi slt, %jit3A_345, %sign3A_357 : i32
    %sign3A_359 = arith.extui %sign3A_358 : i1 to i32
    %sign3A_360 = arith.subi %sign3A_356, %sign3A_359 : i32
    %ne3A_361 = arith.cmpi ne, %sign3A_353, %sign3A_360 : i32
    %rem3A_362 = arith.remsi %add3A_344, %jit3A_345 : i32
    %ne3A_363 = arith.constant 0 : i32
    %ne3A_364 = arith.cmpi ne, %rem3A_362, %ne3A_363 : i32
    %and3A_365 = arith.andi %ne3A_361, %ne3A_364 : i1
    %sub3A_366 = arith.constant 1 : i32
    %sub3A_367 = arith.subi %div3A_346, %sub3A_366 : i32
    %select_n3A_368 = arith.select %and3A_365, %sub3A_367, %div3A_346 : i32
    %jit3A_369 = arith.constant 2048 : i32
    %eq3A_370 = arith.constant 0 : i32
    %eq3A_371 = arith.cmpi eq, %jit3A_369, %eq3A_370 : i32
    %jit3A_372 = arith.constant 1 : i32
    %select_n3A_373 = arith.select %eq3A_371, %jit3A_372, %jit3A_369 : i32
    %rem3A_374 = arith.remsi %add3A_344, %select_n3A_373 : i32
    %ne3A_375 = arith.constant 0 : i32
    %ne3A_376 = arith.cmpi ne, %rem3A_374, %ne3A_375 : i32
    %lt3A_377 = arith.constant 0 : i32
    %lt3A_378 = arith.cmpi slt, %rem3A_374, %lt3A_377 : i32
    %lt3A_379 = arith.constant 0 : i32
    %lt3A_380 = arith.cmpi slt, %select_n3A_373, %lt3A_379 : i32
    %ne3A_381 = arith.xori %lt3A_378, %lt3A_380 : i1
    %and3A_382 = arith.andi %ne3A_381, %ne3A_376 : i1
    %add3A_383 = arith.addi %rem3A_374, %select_n3A_373 : i32
    %select_n3A_384 = arith.select %and3A_382, %add3A_383, %rem3A_374 : i32
    %run_scoped3A_385 = arith.constant 1 : i32
    "tpu.region"() ({
      %run_scoped3A_1006 = tpu.sem_alloc : memref<!tpu.dma_semaphore, #tpu.memory_space<semaphore_mem>>
      %dma_start3A_1007 = arith.constant 0 : i32
      %dma_start3A_1008 = arith.constant 0 : i32
      %dma_start3A_1009 = tpu.memref_slice %arg7[%run_scoped3A_385, %dma_start3A_1007, %dma_start3A_1008] : memref<2x256x128xf32, #tpu.memory_space<vmem>> -> memref<1x256x128xf32, #tpu.memory_space<vmem>>
      %dma_start3A_1010 = tpu.memref_squeeze %dma_start3A_1009 : memref<1x256x128xf32, #tpu.memory_space<vmem>> -> memref<256x128xf32, #tpu.memory_space<vmem>>
      %dma_start3A_1011 = arith.constant 0 : i32
      %dma_start3A_1012 = tpu.memref_slice %arg4[%select_n3A_368, %select_n3A_384, %dma_start3A_1011] : memref<64x2048x128xf32, #tpu.memory_space<hbm>> -> memref<1x256x128xf32, #tpu.memory_space<hbm>>
      %dma_start3A_1013 = tpu.memref_squeeze %dma_start3A_1012 : memref<1x256x128xf32, #tpu.memory_space<hbm>> -> memref<256x128xf32, #tpu.memory_space<hbm>>
      %dma_start3A_1014 = arith.constant 0 : i32
      %dma_start3A_1015 = tpu.memref_slice %arg4[%select_n3A_368, %select_n3A_384, %dma_start3A_1014] : memref<64x2048x128xf32, #tpu.memory_space<hbm>> -> memref<1x256x128xf32, #tpu.memory_space<hbm>>
      %dma_start3A_1016 = tpu.memref_squeeze %dma_start3A_1015 : memref<1x256x128xf32, #tpu.memory_space<hbm>> -> memref<256x128xf32, #tpu.memory_space<hbm>>
      %dma_start3A_1017 = arith.constant 0 : i32
      %dma_start3A_1018 = arith.constant 0 : i32
      %dma_start3A_1019 = tpu.memref_slice %arg7[%run_scoped3A_385, %dma_start3A_1017, %dma_start3A_1018] : memref<2x256x128xf32, #tpu.memory_space<vmem>> -> memref<1x256x128xf32, #tpu.memory_space<vmem>>
      %dma_start3A_1020 = tpu.memref_squeeze %dma_start3A_1019 : memref<1x256x128xf32, #tpu.memory_space<vmem>> -> memref<256x128xf32, #tpu.memory_space<vmem>>
      tpu.enqueue_dma source(%dma_start3A_1020 : memref<256x128xf32, #tpu.memory_space<vmem>>) target(%dma_start3A_1016 : memref<256x128xf32, #tpu.memory_space<hbm>>) target_semaphore(%run_scoped3A_1006 : memref<!tpu.dma_semaphore, #tpu.memory_space<semaphore_mem>>)
      %dma_wait3A_1021 = arith.constant 0 : i32
      %dma_wait3A_1022 = arith.constant 0 : i32
      %dma_wait3A_1023 = tpu.memref_slice %arg7[%run_scoped3A_385, %dma_wait3A_1021, %dma_wait3A_1022] : memref<2x256x128xf32, #tpu.memory_space<vmem>> -> memref<1x256x128xf32, #tpu.memory_space<vmem>>
      %dma_wait3A_1024 = tpu.memref_squeeze %dma_wait3A_1023 : memref<1x256x128xf32, #tpu.memory_space<vmem>> -> memref<256x128xf32, #tpu.memory_space<vmem>>
      %dma_wait3A_1025 = arith.constant 0 : i32
      %dma_wait3A_1026 = tpu.memref_slice %arg4[%select_n3A_368, %select_n3A_384, %dma_wait3A_1025] : memref<64x2048x128xf32, #tpu.memory_space<hbm>> -> memref<1x256x128xf32, #tpu.memory_space<hbm>>
      %dma_wait3A_1027 = tpu.memref_squeeze %dma_wait3A_1026 : memref<1x256x128xf32, #tpu.memory_space<hbm>> -> memref<256x128xf32, #tpu.memory_space<hbm>>
      %dma_wait3A_1028 = arith.constant 0 : i32
      %dma_wait3A_1029 = tpu.memref_slice %arg4[%select_n3A_368, %select_n3A_384, %dma_wait3A_1028] : memref<64x2048x128xf32, #tpu.memory_space<hbm>> -> memref<1x256x128xf32, #tpu.memory_space<hbm>>
      %dma_wait3A_1030 = tpu.memref_squeeze %dma_wait3A_1029 : memref<1x256x128xf32, #tpu.memory_space<hbm>> -> memref<256x128xf32, #tpu.memory_space<hbm>>
      %dma_wait3A_1031 = arith.constant 0 : i32
      %dma_wait3A_1032 = arith.constant 0 : i32
      %dma_wait3A_1033 = tpu.memref_slice %arg7[%run_scoped3A_385, %dma_wait3A_1031, %dma_wait3A_1032] : memref<2x256x128xf32, #tpu.memory_space<vmem>> -> memref<1x256x128xf32, #tpu.memory_space<vmem>>
      %dma_wait3A_1034 = tpu.memref_squeeze %dma_wait3A_1033 : memref<1x256x128xf32, #tpu.memory_space<vmem>> -> memref<256x128xf32, #tpu.memory_space<vmem>>
      tpu.wait_dma2 semaphore(%run_scoped3A_1006 : memref<!tpu.dma_semaphore, #tpu.memory_space<semaphore_mem>>) src(%dma_wait3A_1034 : memref<256x128xf32, #tpu.memory_space<vmem>>) dst(%dma_wait3A_1030 : memref<256x128xf32, #tpu.memory_space<hbm>>)
      tpu.yield
    }) : () -> ()
    %dma_start3A_386 = arith.constant 1 : i32
    %dma_start3A_387 = arith.constant 0 : i32
    %dma_start3A_388 = arith.constant 0 : i32
    %dma_start3A_389 = tpu.memref_slice %arg7[%dma_start3A_386, %dma_start3A_387, %dma_start3A_388] : memref<2x256x128xf32, #tpu.memory_space<vmem>> -> memref<1x256x128xf32, #tpu.memory_space<vmem>>
    %dma_start3A_390 = tpu.memref_squeeze %dma_start3A_389 : memref<1x256x128xf32, #tpu.memory_space<vmem>> -> memref<256x128xf32, #tpu.memory_space<vmem>>
    %dma_start3A_391 = arith.constant 1792 : i32
    %dma_start3A_392 = tpu.memref_slice %arg6[%dma_start3A_391] : memref<4096xi32, #tpu.memory_space<vmem>> -> memref<256xi32, #tpu.memory_space<vmem>>
    %dma_start3A_393 = arith.constant 0 : i32
    %dma_start3A_394 = arith.constant 0 : i32
    %dma_start3A_395 = tpu.memref_slice %arg2[%dma_start3A_393, %dma_start3A_394] : memref<8192x128xf32, #tpu.memory_space<hbm>> -> memref<8192x128xf32, #tpu.memory_space<hbm>>
    tpu.enqueue_indirect_dma source(%dma_start3A_395 : memref<8192x128xf32, #tpu.memory_space<hbm>>) target(%dma_start3A_390 : memref<256x128xf32, #tpu.memory_space<vmem>>) offsets(%dma_start3A_392 : memref<256xi32, #tpu.memory_space<vmem>>) semaphore(%arg9 : memref<!tpu.dma_semaphore, #tpu.memory_space<semaphore_mem>>)
    %dma_wait3A_396 = arith.constant 0 : i32
    %dma_wait3A_397 = arith.constant 0 : i32
    %dma_wait3A_398 = arith.constant 0 : i32
    %dma_wait3A_399 = tpu.memref_slice %arg7[%dma_wait3A_396, %dma_wait3A_397, %dma_wait3A_398] : memref<2x256x128xf32, #tpu.memory_space<vmem>> -> memref<1x256x128xf32, #tpu.memory_space<vmem>>
    %dma_wait3A_400 = tpu.memref_squeeze %dma_wait3A_399 : memref<1x256x128xf32, #tpu.memory_space<vmem>> -> memref<256x128xf32, #tpu.memory_space<vmem>>
    %dma_wait3A_401 = arith.constant 1536 : i32
    %dma_wait3A_402 = tpu.memref_slice %arg6[%dma_wait3A_401] : memref<4096xi32, #tpu.memory_space<vmem>> -> memref<256xi32, #tpu.memory_space<vmem>>
    %dma_wait3A_403 = arith.constant 0 : i32
    %dma_wait3A_404 = arith.constant 0 : i32
    %dma_wait3A_405 = tpu.memref_slice %arg2[%dma_wait3A_403, %dma_wait3A_404] : memref<8192x128xf32, #tpu.memory_space<hbm>> -> memref<8192x128xf32, #tpu.memory_space<hbm>>
    tpu.wait_indirect_dma semaphore(%arg8 : memref<!tpu.dma_semaphore, #tpu.memory_space<semaphore_mem>>) src(%dma_wait3A_405 : memref<8192x128xf32, #tpu.memory_space<hbm>>) dst(%dma_wait3A_400 : memref<256x128xf32, #tpu.memory_space<vmem>>)
    %add3A_406 = arith.constant 1536 : i32
    %add3A_407 = arith.addi %mul3A_4, %add3A_406 : i32
    %jit3A_408 = arith.constant 2048 : i32
    %div3A_409 = arith.divsi %add3A_407, %jit3A_408 : i32
    %sign3A_410 = arith.constant 0 : i32
    %sign3A_411 = arith.cmpi sgt, %add3A_407, %sign3A_410 : i32
    %sign3A_412 = arith.extui %sign3A_411 : i1 to i32
    %sign3A_413 = arith.constant 0 : i32
    %sign3A_414 = arith.cmpi slt, %add3A_407, %sign3A_413 : i32
    %sign3A_415 = arith.extui %sign3A_414 : i1 to i32
    %sign3A_416 = arith.subi %sign3A_412, %sign3A_415 : i32
    %sign3A_417 = arith.constant 0 : i32
    %sign3A_418 = arith.cmpi sgt, %jit3A_408, %sign3A_417 : i32
    %sign3A_419 = arith.extui %sign3A_418 : i1 to i32
    %sign3A_420 = arith.constant 0 : i32
    %sign3A_421 = arith.cmpi slt, %jit3A_408, %sign3A_420 : i32
    %sign3A_422 = arith.extui %sign3A_421 : i1 to i32
    %sign3A_423 = arith.subi %sign3A_419, %sign3A_422 : i32
    %ne3A_424 = arith.cmpi ne, %sign3A_416, %sign3A_423 : i32
    %rem3A_425 = arith.remsi %add3A_407, %jit3A_408 : i32
    %ne3A_426 = arith.constant 0 : i32
    %ne3A_427 = arith.cmpi ne, %rem3A_425, %ne3A_426 : i32
    %and3A_428 = arith.andi %ne3A_424, %ne3A_427 : i1
    %sub3A_429 = arith.constant 1 : i32
    %sub3A_430 = arith.subi %div3A_409, %sub3A_429 : i32
    %select_n3A_431 = arith.select %and3A_428, %sub3A_430, %div3A_409 : i32
    %jit3A_432 = arith.constant 2048 : i32
    %eq3A_433 = arith.constant 0 : i32
    %eq3A_434 = arith.cmpi eq, %jit3A_432, %eq3A_433 : i32
    %jit3A_435 = arith.constant 1 : i32
    %select_n3A_436 = arith.select %eq3A_434, %jit3A_435, %jit3A_432 : i32
    %rem3A_437 = arith.remsi %add3A_407, %select_n3A_436 : i32
    %ne3A_438 = arith.constant 0 : i32
    %ne3A_439 = arith.cmpi ne, %rem3A_437, %ne3A_438 : i32
    %lt3A_440 = arith.constant 0 : i32
    %lt3A_441 = arith.cmpi slt, %rem3A_437, %lt3A_440 : i32
    %lt3A_442 = arith.constant 0 : i32
    %lt3A_443 = arith.cmpi slt, %select_n3A_436, %lt3A_442 : i32
    %ne3A_444 = arith.xori %lt3A_441, %lt3A_443 : i1
    %and3A_445 = arith.andi %ne3A_444, %ne3A_439 : i1
    %add3A_446 = arith.addi %rem3A_437, %select_n3A_436 : i32
    %select_n3A_447 = arith.select %and3A_445, %add3A_446, %rem3A_437 : i32
    %run_scoped3A_448 = arith.constant 0 : i32
    "tpu.region"() ({
      %run_scoped3A_1006 = tpu.sem_alloc : memref<!tpu.dma_semaphore, #tpu.memory_space<semaphore_mem>>
      %dma_start3A_1007 = arith.constant 0 : i32
      %dma_start3A_1008 = arith.constant 0 : i32
      %dma_start3A_1009 = tpu.memref_slice %arg7[%run_scoped3A_448, %dma_start3A_1007, %dma_start3A_1008] : memref<2x256x128xf32, #tpu.memory_space<vmem>> -> memref<1x256x128xf32, #tpu.memory_space<vmem>>
      %dma_start3A_1010 = tpu.memref_squeeze %dma_start3A_1009 : memref<1x256x128xf32, #tpu.memory_space<vmem>> -> memref<256x128xf32, #tpu.memory_space<vmem>>
      %dma_start3A_1011 = arith.constant 0 : i32
      %dma_start3A_1012 = tpu.memref_slice %arg4[%select_n3A_431, %select_n3A_447, %dma_start3A_1011] : memref<64x2048x128xf32, #tpu.memory_space<hbm>> -> memref<1x256x128xf32, #tpu.memory_space<hbm>>
      %dma_start3A_1013 = tpu.memref_squeeze %dma_start3A_1012 : memref<1x256x128xf32, #tpu.memory_space<hbm>> -> memref<256x128xf32, #tpu.memory_space<hbm>>
      %dma_start3A_1014 = arith.constant 0 : i32
      %dma_start3A_1015 = tpu.memref_slice %arg4[%select_n3A_431, %select_n3A_447, %dma_start3A_1014] : memref<64x2048x128xf32, #tpu.memory_space<hbm>> -> memref<1x256x128xf32, #tpu.memory_space<hbm>>
      %dma_start3A_1016 = tpu.memref_squeeze %dma_start3A_1015 : memref<1x256x128xf32, #tpu.memory_space<hbm>> -> memref<256x128xf32, #tpu.memory_space<hbm>>
      %dma_start3A_1017 = arith.constant 0 : i32
      %dma_start3A_1018 = arith.constant 0 : i32
      %dma_start3A_1019 = tpu.memref_slice %arg7[%run_scoped3A_448, %dma_start3A_1017, %dma_start3A_1018] : memref<2x256x128xf32, #tpu.memory_space<vmem>> -> memref<1x256x128xf32, #tpu.memory_space<vmem>>
      %dma_start3A_1020 = tpu.memref_squeeze %dma_start3A_1019 : memref<1x256x128xf32, #tpu.memory_space<vmem>> -> memref<256x128xf32, #tpu.memory_space<vmem>>
      tpu.enqueue_dma source(%dma_start3A_1020 : memref<256x128xf32, #tpu.memory_space<vmem>>) target(%dma_start3A_1016 : memref<256x128xf32, #tpu.memory_space<hbm>>) target_semaphore(%run_scoped3A_1006 : memref<!tpu.dma_semaphore, #tpu.memory_space<semaphore_mem>>)
      %dma_wait3A_1021 = arith.constant 0 : i32
      %dma_wait3A_1022 = arith.constant 0 : i32
      %dma_wait3A_1023 = tpu.memref_slice %arg7[%run_scoped3A_448, %dma_wait3A_1021, %dma_wait3A_1022] : memref<2x256x128xf32, #tpu.memory_space<vmem>> -> memref<1x256x128xf32, #tpu.memory_space<vmem>>
      %dma_wait3A_1024 = tpu.memref_squeeze %dma_wait3A_1023 : memref<1x256x128xf32, #tpu.memory_space<vmem>> -> memref<256x128xf32, #tpu.memory_space<vmem>>
      %dma_wait3A_1025 = arith.constant 0 : i32
      %dma_wait3A_1026 = tpu.memref_slice %arg4[%select_n3A_431, %select_n3A_447, %dma_wait3A_1025] : memref<64x2048x128xf32, #tpu.memory_space<hbm>> -> memref<1x256x128xf32, #tpu.memory_space<hbm>>
      %dma_wait3A_1027 = tpu.memref_squeeze %dma_wait3A_1026 : memref<1x256x128xf32, #tpu.memory_space<hbm>> -> memref<256x128xf32, #tpu.memory_space<hbm>>
      %dma_wait3A_1028 = arith.constant 0 : i32
      %dma_wait3A_1029 = tpu.memref_slice %arg4[%select_n3A_431, %select_n3A_447, %dma_wait3A_1028] : memref<64x2048x128xf32, #tpu.memory_space<hbm>> -> memref<1x256x128xf32, #tpu.memory_space<hbm>>
      %dma_wait3A_1030 = tpu.memref_squeeze %dma_wait3A_1029 : memref<1x256x128xf32, #tpu.memory_space<hbm>> -> memref<256x128xf32, #tpu.memory_space<hbm>>
      %dma_wait3A_1031 = arith.constant 0 : i32
      %dma_wait3A_1032 = arith.constant 0 : i32
      %dma_wait3A_1033 = tpu.memref_slice %arg7[%run_scoped3A_448, %dma_wait3A_1031, %dma_wait3A_1032] : memref<2x256x128xf32, #tpu.memory_space<vmem>> -> memref<1x256x128xf32, #tpu.memory_space<vmem>>
      %dma_wait3A_1034 = tpu.memref_squeeze %dma_wait3A_1033 : memref<1x256x128xf32, #tpu.memory_space<vmem>> -> memref<256x128xf32, #tpu.memory_space<vmem>>
      tpu.wait_dma2 semaphore(%run_scoped3A_1006 : memref<!tpu.dma_semaphore, #tpu.memory_space<semaphore_mem>>) src(%dma_wait3A_1034 : memref<256x128xf32, #tpu.memory_space<vmem>>) dst(%dma_wait3A_1030 : memref<256x128xf32, #tpu.memory_space<hbm>>)
      tpu.yield
    }) : () -> ()
    %dma_start3A_449 = arith.constant 0 : i32
    %dma_start3A_450 = arith.constant 0 : i32
    %dma_start3A_451 = arith.constant 0 : i32
    %dma_start3A_452 = tpu.memref_slice %arg7[%dma_start3A_449, %dma_start3A_450, %dma_start3A_451] : memref<2x256x128xf32, #tpu.memory_space<vmem>> -> memref<1x256x128xf32, #tpu.memory_space<vmem>>
    %dma_start3A_453 = tpu.memref_squeeze %dma_start3A_452 : memref<1x256x128xf32, #tpu.memory_space<vmem>> -> memref<256x128xf32, #tpu.memory_space<vmem>>
    %dma_start3A_454 = arith.constant 2048 : i32
    %dma_start3A_455 = tpu.memref_slice %arg6[%dma_start3A_454] : memref<4096xi32, #tpu.memory_space<vmem>> -> memref<256xi32, #tpu.memory_space<vmem>>
    %dma_start3A_456 = arith.constant 0 : i32
    %dma_start3A_457 = arith.constant 0 : i32
    %dma_start3A_458 = tpu.memref_slice %arg2[%dma_start3A_456, %dma_start3A_457] : memref<8192x128xf32, #tpu.memory_space<hbm>> -> memref<8192x128xf32, #tpu.memory_space<hbm>>
    tpu.enqueue_indirect_dma source(%dma_start3A_458 : memref<8192x128xf32, #tpu.memory_space<hbm>>) target(%dma_start3A_453 : memref<256x128xf32, #tpu.memory_space<vmem>>) offsets(%dma_start3A_455 : memref<256xi32, #tpu.memory_space<vmem>>) semaphore(%arg8 : memref<!tpu.dma_semaphore, #tpu.memory_space<semaphore_mem>>)
    %dma_wait3A_459 = arith.constant 1 : i32
    %dma_wait3A_460 = arith.constant 0 : i32
    %dma_wait3A_461 = arith.constant 0 : i32
    %dma_wait3A_462 = tpu.memref_slice %arg7[%dma_wait3A_459, %dma_wait3A_460, %dma_wait3A_461] : memref<2x256x128xf32, #tpu.memory_space<vmem>> -> memref<1x256x128xf32, #tpu.memory_space<vmem>>
    %dma_wait3A_463 = tpu.memref_squeeze %dma_wait3A_462 : memref<1x256x128xf32, #tpu.memory_space<vmem>> -> memref<256x128xf32, #tpu.memory_space<vmem>>
    %dma_wait3A_464 = arith.constant 1792 : i32
    %dma_wait3A_465 = tpu.memref_slice %arg6[%dma_wait3A_464] : memref<4096xi32, #tpu.memory_space<vmem>> -> memref<256xi32, #tpu.memory_space<vmem>>
    %dma_wait3A_466 = arith.constant 0 : i32
    %dma_wait3A_467 = arith.constant 0 : i32
    %dma_wait3A_468 = tpu.memref_slice %arg2[%dma_wait3A_466, %dma_wait3A_467] : memref<8192x128xf32, #tpu.memory_space<hbm>> -> memref<8192x128xf32, #tpu.memory_space<hbm>>
    tpu.wait_indirect_dma semaphore(%arg9 : memref<!tpu.dma_semaphore, #tpu.memory_space<semaphore_mem>>) src(%dma_wait3A_468 : memref<8192x128xf32, #tpu.memory_space<hbm>>) dst(%dma_wait3A_463 : memref<256x128xf32, #tpu.memory_space<vmem>>)
    %add3A_469 = arith.constant 1792 : i32
    %add3A_470 = arith.addi %mul3A_4, %add3A_469 : i32
    %jit3A_471 = arith.constant 2048 : i32
    %div3A_472 = arith.divsi %add3A_470, %jit3A_471 : i32
    %sign3A_473 = arith.constant 0 : i32
    %sign3A_474 = arith.cmpi sgt, %add3A_470, %sign3A_473 : i32
    %sign3A_475 = arith.extui %sign3A_474 : i1 to i32
    %sign3A_476 = arith.constant 0 : i32
    %sign3A_477 = arith.cmpi slt, %add3A_470, %sign3A_476 : i32
    %sign3A_478 = arith.extui %sign3A_477 : i1 to i32
    %sign3A_479 = arith.subi %sign3A_475, %sign3A_478 : i32
    %sign3A_480 = arith.constant 0 : i32
    %sign3A_481 = arith.cmpi sgt, %jit3A_471, %sign3A_480 : i32
    %sign3A_482 = arith.extui %sign3A_481 : i1 to i32
    %sign3A_483 = arith.constant 0 : i32
    %sign3A_484 = arith.cmpi slt, %jit3A_471, %sign3A_483 : i32
    %sign3A_485 = arith.extui %sign3A_484 : i1 to i32
    %sign3A_486 = arith.subi %sign3A_482, %sign3A_485 : i32
    %ne3A_487 = arith.cmpi ne, %sign3A_479, %sign3A_486 : i32
    %rem3A_488 = arith.remsi %add3A_470, %jit3A_471 : i32
    %ne3A_489 = arith.constant 0 : i32
    %ne3A_490 = arith.cmpi ne, %rem3A_488, %ne3A_489 : i32
    %and3A_491 = arith.andi %ne3A_487, %ne3A_490 : i1
    %sub3A_492 = arith.constant 1 : i32
    %sub3A_493 = arith.subi %div3A_472, %sub3A_492 : i32
    %select_n3A_494 = arith.select %and3A_491, %sub3A_493, %div3A_472 : i32
    %jit3A_495 = arith.constant 2048 : i32
    %eq3A_496 = arith.constant 0 : i32
    %eq3A_497 = arith.cmpi eq, %jit3A_495, %eq3A_496 : i32
    %jit3A_498 = arith.constant 1 : i32
    %select_n3A_499 = arith.select %eq3A_497, %jit3A_498, %jit3A_495 : i32
    %rem3A_500 = arith.remsi %add3A_470, %select_n3A_499 : i32
    %ne3A_501 = arith.constant 0 : i32
    %ne3A_502 = arith.cmpi ne, %rem3A_500, %ne3A_501 : i32
    %lt3A_503 = arith.constant 0 : i32
    %lt3A_504 = arith.cmpi slt, %rem3A_500, %lt3A_503 : i32
    %lt3A_505 = arith.constant 0 : i32
    %lt3A_506 = arith.cmpi slt, %select_n3A_499, %lt3A_505 : i32
    %ne3A_507 = arith.xori %lt3A_504, %lt3A_506 : i1
    %and3A_508 = arith.andi %ne3A_507, %ne3A_502 : i1
    %add3A_509 = arith.addi %rem3A_500, %select_n3A_499 : i32
    %select_n3A_510 = arith.select %and3A_508, %add3A_509, %rem3A_500 : i32
    %run_scoped3A_511 = arith.constant 1 : i32
    "tpu.region"() ({
      %run_scoped3A_1006 = tpu.sem_alloc : memref<!tpu.dma_semaphore, #tpu.memory_space<semaphore_mem>>
      %dma_start3A_1007 = arith.constant 0 : i32
      %dma_start3A_1008 = arith.constant 0 : i32
      %dma_start3A_1009 = tpu.memref_slice %arg7[%run_scoped3A_511, %dma_start3A_1007, %dma_start3A_1008] : memref<2x256x128xf32, #tpu.memory_space<vmem>> -> memref<1x256x128xf32, #tpu.memory_space<vmem>>
      %dma_start3A_1010 = tpu.memref_squeeze %dma_start3A_1009 : memref<1x256x128xf32, #tpu.memory_space<vmem>> -> memref<256x128xf32, #tpu.memory_space<vmem>>
      %dma_start3A_1011 = arith.constant 0 : i32
      %dma_start3A_1012 = tpu.memref_slice %arg4[%select_n3A_494, %select_n3A_510, %dma_start3A_1011] : memref<64x2048x128xf32, #tpu.memory_space<hbm>> -> memref<1x256x128xf32, #tpu.memory_space<hbm>>
      %dma_start3A_1013 = tpu.memref_squeeze %dma_start3A_1012 : memref<1x256x128xf32, #tpu.memory_space<hbm>> -> memref<256x128xf32, #tpu.memory_space<hbm>>
      %dma_start3A_1014 = arith.constant 0 : i32
      %dma_start3A_1015 = tpu.memref_slice %arg4[%select_n3A_494, %select_n3A_510, %dma_start3A_1014] : memref<64x2048x128xf32, #tpu.memory_space<hbm>> -> memref<1x256x128xf32, #tpu.memory_space<hbm>>
      %dma_start3A_1016 = tpu.memref_squeeze %dma_start3A_1015 : memref<1x256x128xf32, #tpu.memory_space<hbm>> -> memref<256x128xf32, #tpu.memory_space<hbm>>
      %dma_start3A_1017 = arith.constant 0 : i32
      %dma_start3A_1018 = arith.constant 0 : i32
      %dma_start3A_1019 = tpu.memref_slice %arg7[%run_scoped3A_511, %dma_start3A_1017, %dma_start3A_1018] : memref<2x256x128xf32, #tpu.memory_space<vmem>> -> memref<1x256x128xf32, #tpu.memory_space<vmem>>
      %dma_start3A_1020 = tpu.memref_squeeze %dma_start3A_1019 : memref<1x256x128xf32, #tpu.memory_space<vmem>> -> memref<256x128xf32, #tpu.memory_space<vmem>>
      tpu.enqueue_dma source(%dma_start3A_1020 : memref<256x128xf32, #tpu.memory_space<vmem>>) target(%dma_start3A_1016 : memref<256x128xf32, #tpu.memory_space<hbm>>) target_semaphore(%run_scoped3A_1006 : memref<!tpu.dma_semaphore, #tpu.memory_space<semaphore_mem>>)
      %dma_wait3A_1021 = arith.constant 0 : i32
      %dma_wait3A_1022 = arith.constant 0 : i32
      %dma_wait3A_1023 = tpu.memref_slice %arg7[%run_scoped3A_511, %dma_wait3A_1021, %dma_wait3A_1022] : memref<2x256x128xf32, #tpu.memory_space<vmem>> -> memref<1x256x128xf32, #tpu.memory_space<vmem>>
      %dma_wait3A_1024 = tpu.memref_squeeze %dma_wait3A_1023 : memref<1x256x128xf32, #tpu.memory_space<vmem>> -> memref<256x128xf32, #tpu.memory_space<vmem>>
      %dma_wait3A_1025 = arith.constant 0 : i32
      %dma_wait3A_1026 = tpu.memref_slice %arg4[%select_n3A_494, %select_n3A_510, %dma_wait3A_1025] : memref<64x2048x128xf32, #tpu.memory_space<hbm>> -> memref<1x256x128xf32, #tpu.memory_space<hbm>>
      %dma_wait3A_1027 = tpu.memref_squeeze %dma_wait3A_1026 : memref<1x256x128xf32, #tpu.memory_space<hbm>> -> memref<256x128xf32, #tpu.memory_space<hbm>>
      %dma_wait3A_1028 = arith.constant 0 : i32
      %dma_wait3A_1029 = tpu.memref_slice %arg4[%select_n3A_494, %select_n3A_510, %dma_wait3A_1028] : memref<64x2048x128xf32, #tpu.memory_space<hbm>> -> memref<1x256x128xf32, #tpu.memory_space<hbm>>
      %dma_wait3A_1030 = tpu.memref_squeeze %dma_wait3A_1029 : memref<1x256x128xf32, #tpu.memory_space<hbm>> -> memref<256x128xf32, #tpu.memory_space<hbm>>
      %dma_wait3A_1031 = arith.constant 0 : i32
      %dma_wait3A_1032 = arith.constant 0 : i32
      %dma_wait3A_1033 = tpu.memref_slice %arg7[%run_scoped3A_511, %dma_wait3A_1031, %dma_wait3A_1032] : memref<2x256x128xf32, #tpu.memory_space<vmem>> -> memref<1x256x128xf32, #tpu.memory_space<vmem>>
      %dma_wait3A_1034 = tpu.memref_squeeze %dma_wait3A_1033 : memref<1x256x128xf32, #tpu.memory_space<vmem>> -> memref<256x128xf32, #tpu.memory_space<vmem>>
      tpu.wait_dma2 semaphore(%run_scoped3A_1006 : memref<!tpu.dma_semaphore, #tpu.memory_space<semaphore_mem>>) src(%dma_wait3A_1034 : memref<256x128xf32, #tpu.memory_space<vmem>>) dst(%dma_wait3A_1030 : memref<256x128xf32, #tpu.memory_space<hbm>>)
      tpu.yield
    }) : () -> ()
    %dma_start3A_512 = arith.constant 1 : i32
    %dma_start3A_513 = arith.constant 0 : i32
    %dma_start3A_514 = arith.constant 0 : i32
    %dma_start3A_515 = tpu.memref_slice %arg7[%dma_start3A_512, %dma_start3A_513, %dma_start3A_514] : memref<2x256x128xf32, #tpu.memory_space<vmem>> -> memref<1x256x128xf32, #tpu.memory_space<vmem>>
    %dma_start3A_516 = tpu.memref_squeeze %dma_start3A_515 : memref<1x256x128xf32, #tpu.memory_space<vmem>> -> memref<256x128xf32, #tpu.memory_space<vmem>>
    %dma_start3A_517 = arith.constant 2304 : i32
    %dma_start3A_518 = tpu.memref_slice %arg6[%dma_start3A_517] : memref<4096xi32, #tpu.memory_space<vmem>> -> memref<256xi32, #tpu.memory_space<vmem>>
    %dma_start3A_519 = arith.constant 0 : i32
    %dma_start3A_520 = arith.constant 0 : i32
    %dma_start3A_521 = tpu.memref_slice %arg2[%dma_start3A_519, %dma_start3A_520] : memref<8192x128xf32, #tpu.memory_space<hbm>> -> memref<8192x128xf32, #tpu.memory_space<hbm>>
    tpu.enqueue_indirect_dma source(%dma_start3A_521 : memref<8192x128xf32, #tpu.memory_space<hbm>>) target(%dma_start3A_516 : memref<256x128xf32, #tpu.memory_space<vmem>>) offsets(%dma_start3A_518 : memref<256xi32, #tpu.memory_space<vmem>>) semaphore(%arg9 : memref<!tpu.dma_semaphore, #tpu.memory_space<semaphore_mem>>)
    %dma_wait3A_522 = arith.constant 0 : i32
    %dma_wait3A_523 = arith.constant 0 : i32
    %dma_wait3A_524 = arith.constant 0 : i32
    %dma_wait3A_525 = tpu.memref_slice %arg7[%dma_wait3A_522, %dma_wait3A_523, %dma_wait3A_524] : memref<2x256x128xf32, #tpu.memory_space<vmem>> -> memref<1x256x128xf32, #tpu.memory_space<vmem>>
    %dma_wait3A_526 = tpu.memref_squeeze %dma_wait3A_525 : memref<1x256x128xf32, #tpu.memory_space<vmem>> -> memref<256x128xf32, #tpu.memory_space<vmem>>
    %dma_wait3A_527 = arith.constant 2048 : i32
    %dma_wait3A_528 = tpu.memref_slice %arg6[%dma_wait3A_527] : memref<4096xi32, #tpu.memory_space<vmem>> -> memref<256xi32, #tpu.memory_space<vmem>>
    %dma_wait3A_529 = arith.constant 0 : i32
    %dma_wait3A_530 = arith.constant 0 : i32
    %dma_wait3A_531 = tpu.memref_slice %arg2[%dma_wait3A_529, %dma_wait3A_530] : memref<8192x128xf32, #tpu.memory_space<hbm>> -> memref<8192x128xf32, #tpu.memory_space<hbm>>
    tpu.wait_indirect_dma semaphore(%arg8 : memref<!tpu.dma_semaphore, #tpu.memory_space<semaphore_mem>>) src(%dma_wait3A_531 : memref<8192x128xf32, #tpu.memory_space<hbm>>) dst(%dma_wait3A_526 : memref<256x128xf32, #tpu.memory_space<vmem>>)
    %add3A_532 = arith.constant 2048 : i32
    %add3A_533 = arith.addi %mul3A_4, %add3A_532 : i32
    %jit3A_534 = arith.constant 2048 : i32
    %div3A_535 = arith.divsi %add3A_533, %jit3A_534 : i32
    %sign3A_536 = arith.constant 0 : i32
    %sign3A_537 = arith.cmpi sgt, %add3A_533, %sign3A_536 : i32
    %sign3A_538 = arith.extui %sign3A_537 : i1 to i32
    %sign3A_539 = arith.constant 0 : i32
    %sign3A_540 = arith.cmpi slt, %add3A_533, %sign3A_539 : i32
    %sign3A_541 = arith.extui %sign3A_540 : i1 to i32
    %sign3A_542 = arith.subi %sign3A_538, %sign3A_541 : i32
    %sign3A_543 = arith.constant 0 : i32
    %sign3A_544 = arith.cmpi sgt, %jit3A_534, %sign3A_543 : i32
    %sign3A_545 = arith.extui %sign3A_544 : i1 to i32
    %sign3A_546 = arith.constant 0 : i32
    %sign3A_547 = arith.cmpi slt, %jit3A_534, %sign3A_546 : i32
    %sign3A_548 = arith.extui %sign3A_547 : i1 to i32
    %sign3A_549 = arith.subi %sign3A_545, %sign3A_548 : i32
    %ne3A_550 = arith.cmpi ne, %sign3A_542, %sign3A_549 : i32
    %rem3A_551 = arith.remsi %add3A_533, %jit3A_534 : i32
    %ne3A_552 = arith.constant 0 : i32
    %ne3A_553 = arith.cmpi ne, %rem3A_551, %ne3A_552 : i32
    %and3A_554 = arith.andi %ne3A_550, %ne3A_553 : i1
    %sub3A_555 = arith.constant 1 : i32
    %sub3A_556 = arith.subi %div3A_535, %sub3A_555 : i32
    %select_n3A_557 = arith.select %and3A_554, %sub3A_556, %div3A_535 : i32
    %jit3A_558 = arith.constant 2048 : i32
    %eq3A_559 = arith.constant 0 : i32
    %eq3A_560 = arith.cmpi eq, %jit3A_558, %eq3A_559 : i32
    %jit3A_561 = arith.constant 1 : i32
    %select_n3A_562 = arith.select %eq3A_560, %jit3A_561, %jit3A_558 : i32
    %rem3A_563 = arith.remsi %add3A_533, %select_n3A_562 : i32
    %ne3A_564 = arith.constant 0 : i32
    %ne3A_565 = arith.cmpi ne, %rem3A_563, %ne3A_564 : i32
    %lt3A_566 = arith.constant 0 : i32
    %lt3A_567 = arith.cmpi slt, %rem3A_563, %lt3A_566 : i32
    %lt3A_568 = arith.constant 0 : i32
    %lt3A_569 = arith.cmpi slt, %select_n3A_562, %lt3A_568 : i32
    %ne3A_570 = arith.xori %lt3A_567, %lt3A_569 : i1
    %and3A_571 = arith.andi %ne3A_570, %ne3A_565 : i1
    %add3A_572 = arith.addi %rem3A_563, %select_n3A_562 : i32
    %select_n3A_573 = arith.select %and3A_571, %add3A_572, %rem3A_563 : i32
    %run_scoped3A_574 = arith.constant 0 : i32
    "tpu.region"() ({
      %run_scoped3A_1006 = tpu.sem_alloc : memref<!tpu.dma_semaphore, #tpu.memory_space<semaphore_mem>>
      %dma_start3A_1007 = arith.constant 0 : i32
      %dma_start3A_1008 = arith.constant 0 : i32
      %dma_start3A_1009 = tpu.memref_slice %arg7[%run_scoped3A_574, %dma_start3A_1007, %dma_start3A_1008] : memref<2x256x128xf32, #tpu.memory_space<vmem>> -> memref<1x256x128xf32, #tpu.memory_space<vmem>>
      %dma_start3A_1010 = tpu.memref_squeeze %dma_start3A_1009 : memref<1x256x128xf32, #tpu.memory_space<vmem>> -> memref<256x128xf32, #tpu.memory_space<vmem>>
      %dma_start3A_1011 = arith.constant 0 : i32
      %dma_start3A_1012 = tpu.memref_slice %arg4[%select_n3A_557, %select_n3A_573, %dma_start3A_1011] : memref<64x2048x128xf32, #tpu.memory_space<hbm>> -> memref<1x256x128xf32, #tpu.memory_space<hbm>>
      %dma_start3A_1013 = tpu.memref_squeeze %dma_start3A_1012 : memref<1x256x128xf32, #tpu.memory_space<hbm>> -> memref<256x128xf32, #tpu.memory_space<hbm>>
      %dma_start3A_1014 = arith.constant 0 : i32
      %dma_start3A_1015 = tpu.memref_slice %arg4[%select_n3A_557, %select_n3A_573, %dma_start3A_1014] : memref<64x2048x128xf32, #tpu.memory_space<hbm>> -> memref<1x256x128xf32, #tpu.memory_space<hbm>>
      %dma_start3A_1016 = tpu.memref_squeeze %dma_start3A_1015 : memref<1x256x128xf32, #tpu.memory_space<hbm>> -> memref<256x128xf32, #tpu.memory_space<hbm>>
      %dma_start3A_1017 = arith.constant 0 : i32
      %dma_start3A_1018 = arith.constant 0 : i32
      %dma_start3A_1019 = tpu.memref_slice %arg7[%run_scoped3A_574, %dma_start3A_1017, %dma_start3A_1018] : memref<2x256x128xf32, #tpu.memory_space<vmem>> -> memref<1x256x128xf32, #tpu.memory_space<vmem>>
      %dma_start3A_1020 = tpu.memref_squeeze %dma_start3A_1019 : memref<1x256x128xf32, #tpu.memory_space<vmem>> -> memref<256x128xf32, #tpu.memory_space<vmem>>
      tpu.enqueue_dma source(%dma_start3A_1020 : memref<256x128xf32, #tpu.memory_space<vmem>>) target(%dma_start3A_1016 : memref<256x128xf32, #tpu.memory_space<hbm>>) target_semaphore(%run_scoped3A_1006 : memref<!tpu.dma_semaphore, #tpu.memory_space<semaphore_mem>>)
      %dma_wait3A_1021 = arith.constant 0 : i32
      %dma_wait3A_1022 = arith.constant 0 : i32
      %dma_wait3A_1023 = tpu.memref_slice %arg7[%run_scoped3A_574, %dma_wait3A_1021, %dma_wait3A_1022] : memref<2x256x128xf32, #tpu.memory_space<vmem>> -> memref<1x256x128xf32, #tpu.memory_space<vmem>>
      %dma_wait3A_1024 = tpu.memref_squeeze %dma_wait3A_1023 : memref<1x256x128xf32, #tpu.memory_space<vmem>> -> memref<256x128xf32, #tpu.memory_space<vmem>>
      %dma_wait3A_1025 = arith.constant 0 : i32
      %dma_wait3A_1026 = tpu.memref_slice %arg4[%select_n3A_557, %select_n3A_573, %dma_wait3A_1025] : memref<64x2048x128xf32, #tpu.memory_space<hbm>> -> memref<1x256x128xf32, #tpu.memory_space<hbm>>
      %dma_wait3A_1027 = tpu.memref_squeeze %dma_wait3A_1026 : memref<1x256x128xf32, #tpu.memory_space<hbm>> -> memref<256x128xf32, #tpu.memory_space<hbm>>
      %dma_wait3A_1028 = arith.constant 0 : i32
      %dma_wait3A_1029 = tpu.memref_slice %arg4[%select_n3A_557, %select_n3A_573, %dma_wait3A_1028] : memref<64x2048x128xf32, #tpu.memory_space<hbm>> -> memref<1x256x128xf32, #tpu.memory_space<hbm>>
      %dma_wait3A_1030 = tpu.memref_squeeze %dma_wait3A_1029 : memref<1x256x128xf32, #tpu.memory_space<hbm>> -> memref<256x128xf32, #tpu.memory_space<hbm>>
      %dma_wait3A_1031 = arith.constant 0 : i32
      %dma_wait3A_1032 = arith.constant 0 : i32
      %dma_wait3A_1033 = tpu.memref_slice %arg7[%run_scoped3A_574, %dma_wait3A_1031, %dma_wait3A_1032] : memref<2x256x128xf32, #tpu.memory_space<vmem>> -> memref<1x256x128xf32, #tpu.memory_space<vmem>>
      %dma_wait3A_1034 = tpu.memref_squeeze %dma_wait3A_1033 : memref<1x256x128xf32, #tpu.memory_space<vmem>> -> memref<256x128xf32, #tpu.memory_space<vmem>>
      tpu.wait_dma2 semaphore(%run_scoped3A_1006 : memref<!tpu.dma_semaphore, #tpu.memory_space<semaphore_mem>>) src(%dma_wait3A_1034 : memref<256x128xf32, #tpu.memory_space<vmem>>) dst(%dma_wait3A_1030 : memref<256x128xf32, #tpu.memory_space<hbm>>)
      tpu.yield
    }) : () -> ()
    %dma_start3A_575 = arith.constant 0 : i32
    %dma_start3A_576 = arith.constant 0 : i32
    %dma_start3A_577 = arith.constant 0 : i32
    %dma_start3A_578 = tpu.memref_slice %arg7[%dma_start3A_575, %dma_start3A_576, %dma_start3A_577] : memref<2x256x128xf32, #tpu.memory_space<vmem>> -> memref<1x256x128xf32, #tpu.memory_space<vmem>>
    %dma_start3A_579 = tpu.memref_squeeze %dma_start3A_578 : memref<1x256x128xf32, #tpu.memory_space<vmem>> -> memref<256x128xf32, #tpu.memory_space<vmem>>
    %dma_start3A_580 = arith.constant 2560 : i32
    %dma_start3A_581 = tpu.memref_slice %arg6[%dma_start3A_580] : memref<4096xi32, #tpu.memory_space<vmem>> -> memref<256xi32, #tpu.memory_space<vmem>>
    %dma_start3A_582 = arith.constant 0 : i32
    %dma_start3A_583 = arith.constant 0 : i32
    %dma_start3A_584 = tpu.memref_slice %arg2[%dma_start3A_582, %dma_start3A_583] : memref<8192x128xf32, #tpu.memory_space<hbm>> -> memref<8192x128xf32, #tpu.memory_space<hbm>>
    tpu.enqueue_indirect_dma source(%dma_start3A_584 : memref<8192x128xf32, #tpu.memory_space<hbm>>) target(%dma_start3A_579 : memref<256x128xf32, #tpu.memory_space<vmem>>) offsets(%dma_start3A_581 : memref<256xi32, #tpu.memory_space<vmem>>) semaphore(%arg8 : memref<!tpu.dma_semaphore, #tpu.memory_space<semaphore_mem>>)
    %dma_wait3A_585 = arith.constant 1 : i32
    %dma_wait3A_586 = arith.constant 0 : i32
    %dma_wait3A_587 = arith.constant 0 : i32
    %dma_wait3A_588 = tpu.memref_slice %arg7[%dma_wait3A_585, %dma_wait3A_586, %dma_wait3A_587] : memref<2x256x128xf32, #tpu.memory_space<vmem>> -> memref<1x256x128xf32, #tpu.memory_space<vmem>>
    %dma_wait3A_589 = tpu.memref_squeeze %dma_wait3A_588 : memref<1x256x128xf32, #tpu.memory_space<vmem>> -> memref<256x128xf32, #tpu.memory_space<vmem>>
    %dma_wait3A_590 = arith.constant 2304 : i32
    %dma_wait3A_591 = tpu.memref_slice %arg6[%dma_wait3A_590] : memref<4096xi32, #tpu.memory_space<vmem>> -> memref<256xi32, #tpu.memory_space<vmem>>
    %dma_wait3A_592 = arith.constant 0 : i32
    %dma_wait3A_593 = arith.constant 0 : i32
    %dma_wait3A_594 = tpu.memref_slice %arg2[%dma_wait3A_592, %dma_wait3A_593] : memref<8192x128xf32, #tpu.memory_space<hbm>> -> memref<8192x128xf32, #tpu.memory_space<hbm>>
    tpu.wait_indirect_dma semaphore(%arg9 : memref<!tpu.dma_semaphore, #tpu.memory_space<semaphore_mem>>) src(%dma_wait3A_594 : memref<8192x128xf32, #tpu.memory_space<hbm>>) dst(%dma_wait3A_589 : memref<256x128xf32, #tpu.memory_space<vmem>>)
    %add3A_595 = arith.constant 2304 : i32
    %add3A_596 = arith.addi %mul3A_4, %add3A_595 : i32
    %jit3A_597 = arith.constant 2048 : i32
    %div3A_598 = arith.divsi %add3A_596, %jit3A_597 : i32
    %sign3A_599 = arith.constant 0 : i32
    %sign3A_600 = arith.cmpi sgt, %add3A_596, %sign3A_599 : i32
    %sign3A_601 = arith.extui %sign3A_600 : i1 to i32
    %sign3A_602 = arith.constant 0 : i32
    %sign3A_603 = arith.cmpi slt, %add3A_596, %sign3A_602 : i32
    %sign3A_604 = arith.extui %sign3A_603 : i1 to i32
    %sign3A_605 = arith.subi %sign3A_601, %sign3A_604 : i32
    %sign3A_606 = arith.constant 0 : i32
    %sign3A_607 = arith.cmpi sgt, %jit3A_597, %sign3A_606 : i32
    %sign3A_608 = arith.extui %sign3A_607 : i1 to i32
    %sign3A_609 = arith.constant 0 : i32
    %sign3A_610 = arith.cmpi slt, %jit3A_597, %sign3A_609 : i32
    %sign3A_611 = arith.extui %sign3A_610 : i1 to i32
    %sign3A_612 = arith.subi %sign3A_608, %sign3A_611 : i32
    %ne3A_613 = arith.cmpi ne, %sign3A_605, %sign3A_612 : i32
    %rem3A_614 = arith.remsi %add3A_596, %jit3A_597 : i32
    %ne3A_615 = arith.constant 0 : i32
    %ne3A_616 = arith.cmpi ne, %rem3A_614, %ne3A_615 : i32
    %and3A_617 = arith.andi %ne3A_613, %ne3A_616 : i1
    %sub3A_618 = arith.constant 1 : i32
    %sub3A_619 = arith.subi %div3A_598, %sub3A_618 : i32
    %select_n3A_620 = arith.select %and3A_617, %sub3A_619, %div3A_598 : i32
    %jit3A_621 = arith.constant 2048 : i32
    %eq3A_622 = arith.constant 0 : i32
    %eq3A_623 = arith.cmpi eq, %jit3A_621, %eq3A_622 : i32
    %jit3A_624 = arith.constant 1 : i32
    %select_n3A_625 = arith.select %eq3A_623, %jit3A_624, %jit3A_621 : i32
    %rem3A_626 = arith.remsi %add3A_596, %select_n3A_625 : i32
    %ne3A_627 = arith.constant 0 : i32
    %ne3A_628 = arith.cmpi ne, %rem3A_626, %ne3A_627 : i32
    %lt3A_629 = arith.constant 0 : i32
    %lt3A_630 = arith.cmpi slt, %rem3A_626, %lt3A_629 : i32
    %lt3A_631 = arith.constant 0 : i32
    %lt3A_632 = arith.cmpi slt, %select_n3A_625, %lt3A_631 : i32
    %ne3A_633 = arith.xori %lt3A_630, %lt3A_632 : i1
    %and3A_634 = arith.andi %ne3A_633, %ne3A_628 : i1
    %add3A_635 = arith.addi %rem3A_626, %select_n3A_625 : i32
    %select_n3A_636 = arith.select %and3A_634, %add3A_635, %rem3A_626 : i32
    %run_scoped3A_637 = arith.constant 1 : i32
    "tpu.region"() ({
      %run_scoped3A_1006 = tpu.sem_alloc : memref<!tpu.dma_semaphore, #tpu.memory_space<semaphore_mem>>
      %dma_start3A_1007 = arith.constant 0 : i32
      %dma_start3A_1008 = arith.constant 0 : i32
      %dma_start3A_1009 = tpu.memref_slice %arg7[%run_scoped3A_637, %dma_start3A_1007, %dma_start3A_1008] : memref<2x256x128xf32, #tpu.memory_space<vmem>> -> memref<1x256x128xf32, #tpu.memory_space<vmem>>
      %dma_start3A_1010 = tpu.memref_squeeze %dma_start3A_1009 : memref<1x256x128xf32, #tpu.memory_space<vmem>> -> memref<256x128xf32, #tpu.memory_space<vmem>>
      %dma_start3A_1011 = arith.constant 0 : i32
      %dma_start3A_1012 = tpu.memref_slice %arg4[%select_n3A_620, %select_n3A_636, %dma_start3A_1011] : memref<64x2048x128xf32, #tpu.memory_space<hbm>> -> memref<1x256x128xf32, #tpu.memory_space<hbm>>
      %dma_start3A_1013 = tpu.memref_squeeze %dma_start3A_1012 : memref<1x256x128xf32, #tpu.memory_space<hbm>> -> memref<256x128xf32, #tpu.memory_space<hbm>>
      %dma_start3A_1014 = arith.constant 0 : i32
      %dma_start3A_1015 = tpu.memref_slice %arg4[%select_n3A_620, %select_n3A_636, %dma_start3A_1014] : memref<64x2048x128xf32, #tpu.memory_space<hbm>> -> memref<1x256x128xf32, #tpu.memory_space<hbm>>
      %dma_start3A_1016 = tpu.memref_squeeze %dma_start3A_1015 : memref<1x256x128xf32, #tpu.memory_space<hbm>> -> memref<256x128xf32, #tpu.memory_space<hbm>>
      %dma_start3A_1017 = arith.constant 0 : i32
      %dma_start3A_1018 = arith.constant 0 : i32
      %dma_start3A_1019 = tpu.memref_slice %arg7[%run_scoped3A_637, %dma_start3A_1017, %dma_start3A_1018] : memref<2x256x128xf32, #tpu.memory_space<vmem>> -> memref<1x256x128xf32, #tpu.memory_space<vmem>>
      %dma_start3A_1020 = tpu.memref_squeeze %dma_start3A_1019 : memref<1x256x128xf32, #tpu.memory_space<vmem>> -> memref<256x128xf32, #tpu.memory_space<vmem>>
      tpu.enqueue_dma source(%dma_start3A_1020 : memref<256x128xf32, #tpu.memory_space<vmem>>) target(%dma_start3A_1016 : memref<256x128xf32, #tpu.memory_space<hbm>>) target_semaphore(%run_scoped3A_1006 : memref<!tpu.dma_semaphore, #tpu.memory_space<semaphore_mem>>)
      %dma_wait3A_1021 = arith.constant 0 : i32
      %dma_wait3A_1022 = arith.constant 0 : i32
      %dma_wait3A_1023 = tpu.memref_slice %arg7[%run_scoped3A_637, %dma_wait3A_1021, %dma_wait3A_1022] : memref<2x256x128xf32, #tpu.memory_space<vmem>> -> memref<1x256x128xf32, #tpu.memory_space<vmem>>
      %dma_wait3A_1024 = tpu.memref_squeeze %dma_wait3A_1023 : memref<1x256x128xf32, #tpu.memory_space<vmem>> -> memref<256x128xf32, #tpu.memory_space<vmem>>
      %dma_wait3A_1025 = arith.constant 0 : i32
      %dma_wait3A_1026 = tpu.memref_slice %arg4[%select_n3A_620, %select_n3A_636, %dma_wait3A_1025] : memref<64x2048x128xf32, #tpu.memory_space<hbm>> -> memref<1x256x128xf32, #tpu.memory_space<hbm>>
      %dma_wait3A_1027 = tpu.memref_squeeze %dma_wait3A_1026 : memref<1x256x128xf32, #tpu.memory_space<hbm>> -> memref<256x128xf32, #tpu.memory_space<hbm>>
      %dma_wait3A_1028 = arith.constant 0 : i32
      %dma_wait3A_1029 = tpu.memref_slice %arg4[%select_n3A_620, %select_n3A_636, %dma_wait3A_1028] : memref<64x2048x128xf32, #tpu.memory_space<hbm>> -> memref<1x256x128xf32, #tpu.memory_space<hbm>>
      %dma_wait3A_1030 = tpu.memref_squeeze %dma_wait3A_1029 : memref<1x256x128xf32, #tpu.memory_space<hbm>> -> memref<256x128xf32, #tpu.memory_space<hbm>>
      %dma_wait3A_1031 = arith.constant 0 : i32
      %dma_wait3A_1032 = arith.constant 0 : i32
      %dma_wait3A_1033 = tpu.memref_slice %arg7[%run_scoped3A_637, %dma_wait3A_1031, %dma_wait3A_1032] : memref<2x256x128xf32, #tpu.memory_space<vmem>> -> memref<1x256x128xf32, #tpu.memory_space<vmem>>
      %dma_wait3A_1034 = tpu.memref_squeeze %dma_wait3A_1033 : memref<1x256x128xf32, #tpu.memory_space<vmem>> -> memref<256x128xf32, #tpu.memory_space<vmem>>
      tpu.wait_dma2 semaphore(%run_scoped3A_1006 : memref<!tpu.dma_semaphore, #tpu.memory_space<semaphore_mem>>) src(%dma_wait3A_1034 : memref<256x128xf32, #tpu.memory_space<vmem>>) dst(%dma_wait3A_1030 : memref<256x128xf32, #tpu.memory_space<hbm>>)
      tpu.yield
    }) : () -> ()
    %dma_start3A_638 = arith.constant 1 : i32
    %dma_start3A_639 = arith.constant 0 : i32
    %dma_start3A_640 = arith.constant 0 : i32
    %dma_start3A_641 = tpu.memref_slice %arg7[%dma_start3A_638, %dma_start3A_639, %dma_start3A_640] : memref<2x256x128xf32, #tpu.memory_space<vmem>> -> memref<1x256x128xf32, #tpu.memory_space<vmem>>
    %dma_start3A_642 = tpu.memref_squeeze %dma_start3A_641 : memref<1x256x128xf32, #tpu.memory_space<vmem>> -> memref<256x128xf32, #tpu.memory_space<vmem>>
    %dma_start3A_643 = arith.constant 2816 : i32
    %dma_start3A_644 = tpu.memref_slice %arg6[%dma_start3A_643] : memref<4096xi32, #tpu.memory_space<vmem>> -> memref<256xi32, #tpu.memory_space<vmem>>
    %dma_start3A_645 = arith.constant 0 : i32
    %dma_start3A_646 = arith.constant 0 : i32
    %dma_start3A_647 = tpu.memref_slice %arg2[%dma_start3A_645, %dma_start3A_646] : memref<8192x128xf32, #tpu.memory_space<hbm>> -> memref<8192x128xf32, #tpu.memory_space<hbm>>
    tpu.enqueue_indirect_dma source(%dma_start3A_647 : memref<8192x128xf32, #tpu.memory_space<hbm>>) target(%dma_start3A_642 : memref<256x128xf32, #tpu.memory_space<vmem>>) offsets(%dma_start3A_644 : memref<256xi32, #tpu.memory_space<vmem>>) semaphore(%arg9 : memref<!tpu.dma_semaphore, #tpu.memory_space<semaphore_mem>>)
    %dma_wait3A_648 = arith.constant 0 : i32
    %dma_wait3A_649 = arith.constant 0 : i32
    %dma_wait3A_650 = arith.constant 0 : i32
    %dma_wait3A_651 = tpu.memref_slice %arg7[%dma_wait3A_648, %dma_wait3A_649, %dma_wait3A_650] : memref<2x256x128xf32, #tpu.memory_space<vmem>> -> memref<1x256x128xf32, #tpu.memory_space<vmem>>
    %dma_wait3A_652 = tpu.memref_squeeze %dma_wait3A_651 : memref<1x256x128xf32, #tpu.memory_space<vmem>> -> memref<256x128xf32, #tpu.memory_space<vmem>>
    %dma_wait3A_653 = arith.constant 2560 : i32
    %dma_wait3A_654 = tpu.memref_slice %arg6[%dma_wait3A_653] : memref<4096xi32, #tpu.memory_space<vmem>> -> memref<256xi32, #tpu.memory_space<vmem>>
    %dma_wait3A_655 = arith.constant 0 : i32
    %dma_wait3A_656 = arith.constant 0 : i32
    %dma_wait3A_657 = tpu.memref_slice %arg2[%dma_wait3A_655, %dma_wait3A_656] : memref<8192x128xf32, #tpu.memory_space<hbm>> -> memref<8192x128xf32, #tpu.memory_space<hbm>>
    tpu.wait_indirect_dma semaphore(%arg8 : memref<!tpu.dma_semaphore, #tpu.memory_space<semaphore_mem>>) src(%dma_wait3A_657 : memref<8192x128xf32, #tpu.memory_space<hbm>>) dst(%dma_wait3A_652 : memref<256x128xf32, #tpu.memory_space<vmem>>)
    %add3A_658 = arith.constant 2560 : i32
    %add3A_659 = arith.addi %mul3A_4, %add3A_658 : i32
    %jit3A_660 = arith.constant 2048 : i32
    %div3A_661 = arith.divsi %add3A_659, %jit3A_660 : i32
    %sign3A_662 = arith.constant 0 : i32
    %sign3A_663 = arith.cmpi sgt, %add3A_659, %sign3A_662 : i32
    %sign3A_664 = arith.extui %sign3A_663 : i1 to i32
    %sign3A_665 = arith.constant 0 : i32
    %sign3A_666 = arith.cmpi slt, %add3A_659, %sign3A_665 : i32
    %sign3A_667 = arith.extui %sign3A_666 : i1 to i32
    %sign3A_668 = arith.subi %sign3A_664, %sign3A_667 : i32
    %sign3A_669 = arith.constant 0 : i32
    %sign3A_670 = arith.cmpi sgt, %jit3A_660, %sign3A_669 : i32
    %sign3A_671 = arith.extui %sign3A_670 : i1 to i32
    %sign3A_672 = arith.constant 0 : i32
    %sign3A_673 = arith.cmpi slt, %jit3A_660, %sign3A_672 : i32
    %sign3A_674 = arith.extui %sign3A_673 : i1 to i32
    %sign3A_675 = arith.subi %sign3A_671, %sign3A_674 : i32
    %ne3A_676 = arith.cmpi ne, %sign3A_668, %sign3A_675 : i32
    %rem3A_677 = arith.remsi %add3A_659, %jit3A_660 : i32
    %ne3A_678 = arith.constant 0 : i32
    %ne3A_679 = arith.cmpi ne, %rem3A_677, %ne3A_678 : i32
    %and3A_680 = arith.andi %ne3A_676, %ne3A_679 : i1
    %sub3A_681 = arith.constant 1 : i32
    %sub3A_682 = arith.subi %div3A_661, %sub3A_681 : i32
    %select_n3A_683 = arith.select %and3A_680, %sub3A_682, %div3A_661 : i32
    %jit3A_684 = arith.constant 2048 : i32
    %eq3A_685 = arith.constant 0 : i32
    %eq3A_686 = arith.cmpi eq, %jit3A_684, %eq3A_685 : i32
    %jit3A_687 = arith.constant 1 : i32
    %select_n3A_688 = arith.select %eq3A_686, %jit3A_687, %jit3A_684 : i32
    %rem3A_689 = arith.remsi %add3A_659, %select_n3A_688 : i32
    %ne3A_690 = arith.constant 0 : i32
    %ne3A_691 = arith.cmpi ne, %rem3A_689, %ne3A_690 : i32
    %lt3A_692 = arith.constant 0 : i32
    %lt3A_693 = arith.cmpi slt, %rem3A_689, %lt3A_692 : i32
    %lt3A_694 = arith.constant 0 : i32
    %lt3A_695 = arith.cmpi slt, %select_n3A_688, %lt3A_694 : i32
    %ne3A_696 = arith.xori %lt3A_693, %lt3A_695 : i1
    %and3A_697 = arith.andi %ne3A_696, %ne3A_691 : i1
    %add3A_698 = arith.addi %rem3A_689, %select_n3A_688 : i32
    %select_n3A_699 = arith.select %and3A_697, %add3A_698, %rem3A_689 : i32
    %run_scoped3A_700 = arith.constant 0 : i32
    "tpu.region"() ({
      %run_scoped3A_1006 = tpu.sem_alloc : memref<!tpu.dma_semaphore, #tpu.memory_space<semaphore_mem>>
      %dma_start3A_1007 = arith.constant 0 : i32
      %dma_start3A_1008 = arith.constant 0 : i32
      %dma_start3A_1009 = tpu.memref_slice %arg7[%run_scoped3A_700, %dma_start3A_1007, %dma_start3A_1008] : memref<2x256x128xf32, #tpu.memory_space<vmem>> -> memref<1x256x128xf32, #tpu.memory_space<vmem>>
      %dma_start3A_1010 = tpu.memref_squeeze %dma_start3A_1009 : memref<1x256x128xf32, #tpu.memory_space<vmem>> -> memref<256x128xf32, #tpu.memory_space<vmem>>
      %dma_start3A_1011 = arith.constant 0 : i32
      %dma_start3A_1012 = tpu.memref_slice %arg4[%select_n3A_683, %select_n3A_699, %dma_start3A_1011] : memref<64x2048x128xf32, #tpu.memory_space<hbm>> -> memref<1x256x128xf32, #tpu.memory_space<hbm>>
      %dma_start3A_1013 = tpu.memref_squeeze %dma_start3A_1012 : memref<1x256x128xf32, #tpu.memory_space<hbm>> -> memref<256x128xf32, #tpu.memory_space<hbm>>
      %dma_start3A_1014 = arith.constant 0 : i32
      %dma_start3A_1015 = tpu.memref_slice %arg4[%select_n3A_683, %select_n3A_699, %dma_start3A_1014] : memref<64x2048x128xf32, #tpu.memory_space<hbm>> -> memref<1x256x128xf32, #tpu.memory_space<hbm>>
      %dma_start3A_1016 = tpu.memref_squeeze %dma_start3A_1015 : memref<1x256x128xf32, #tpu.memory_space<hbm>> -> memref<256x128xf32, #tpu.memory_space<hbm>>
      %dma_start3A_1017 = arith.constant 0 : i32
      %dma_start3A_1018 = arith.constant 0 : i32
      %dma_start3A_1019 = tpu.memref_slice %arg7[%run_scoped3A_700, %dma_start3A_1017, %dma_start3A_1018] : memref<2x256x128xf32, #tpu.memory_space<vmem>> -> memref<1x256x128xf32, #tpu.memory_space<vmem>>
      %dma_start3A_1020 = tpu.memref_squeeze %dma_start3A_1019 : memref<1x256x128xf32, #tpu.memory_space<vmem>> -> memref<256x128xf32, #tpu.memory_space<vmem>>
      tpu.enqueue_dma source(%dma_start3A_1020 : memref<256x128xf32, #tpu.memory_space<vmem>>) target(%dma_start3A_1016 : memref<256x128xf32, #tpu.memory_space<hbm>>) target_semaphore(%run_scoped3A_1006 : memref<!tpu.dma_semaphore, #tpu.memory_space<semaphore_mem>>)
      %dma_wait3A_1021 = arith.constant 0 : i32
      %dma_wait3A_1022 = arith.constant 0 : i32
      %dma_wait3A_1023 = tpu.memref_slice %arg7[%run_scoped3A_700, %dma_wait3A_1021, %dma_wait3A_1022] : memref<2x256x128xf32, #tpu.memory_space<vmem>> -> memref<1x256x128xf32, #tpu.memory_space<vmem>>
      %dma_wait3A_1024 = tpu.memref_squeeze %dma_wait3A_1023 : memref<1x256x128xf32, #tpu.memory_space<vmem>> -> memref<256x128xf32, #tpu.memory_space<vmem>>
      %dma_wait3A_1025 = arith.constant 0 : i32
      %dma_wait3A_1026 = tpu.memref_slice %arg4[%select_n3A_683, %select_n3A_699, %dma_wait3A_1025] : memref<64x2048x128xf32, #tpu.memory_space<hbm>> -> memref<1x256x128xf32, #tpu.memory_space<hbm>>
      %dma_wait3A_1027 = tpu.memref_squeeze %dma_wait3A_1026 : memref<1x256x128xf32, #tpu.memory_space<hbm>> -> memref<256x128xf32, #tpu.memory_space<hbm>>
      %dma_wait3A_1028 = arith.constant 0 : i32
      %dma_wait3A_1029 = tpu.memref_slice %arg4[%select_n3A_683, %select_n3A_699, %dma_wait3A_1028] : memref<64x2048x128xf32, #tpu.memory_space<hbm>> -> memref<1x256x128xf32, #tpu.memory_space<hbm>>
      %dma_wait3A_1030 = tpu.memref_squeeze %dma_wait3A_1029 : memref<1x256x128xf32, #tpu.memory_space<hbm>> -> memref<256x128xf32, #tpu.memory_space<hbm>>
      %dma_wait3A_1031 = arith.constant 0 : i32
      %dma_wait3A_1032 = arith.constant 0 : i32
      %dma_wait3A_1033 = tpu.memref_slice %arg7[%run_scoped3A_700, %dma_wait3A_1031, %dma_wait3A_1032] : memref<2x256x128xf32, #tpu.memory_space<vmem>> -> memref<1x256x128xf32, #tpu.memory_space<vmem>>
      %dma_wait3A_1034 = tpu.memref_squeeze %dma_wait3A_1033 : memref<1x256x128xf32, #tpu.memory_space<vmem>> -> memref<256x128xf32, #tpu.memory_space<vmem>>
      tpu.wait_dma2 semaphore(%run_scoped3A_1006 : memref<!tpu.dma_semaphore, #tpu.memory_space<semaphore_mem>>) src(%dma_wait3A_1034 : memref<256x128xf32, #tpu.memory_space<vmem>>) dst(%dma_wait3A_1030 : memref<256x128xf32, #tpu.memory_space<hbm>>)
      tpu.yield
    }) : () -> ()
    %dma_start3A_701 = arith.constant 0 : i32
    %dma_start3A_702 = arith.constant 0 : i32
    %dma_start3A_703 = arith.constant 0 : i32
    %dma_start3A_704 = tpu.memref_slice %arg7[%dma_start3A_701, %dma_start3A_702, %dma_start3A_703] : memref<2x256x128xf32, #tpu.memory_space<vmem>> -> memref<1x256x128xf32, #tpu.memory_space<vmem>>
    %dma_start3A_705 = tpu.memref_squeeze %dma_start3A_704 : memref<1x256x128xf32, #tpu.memory_space<vmem>> -> memref<256x128xf32, #tpu.memory_space<vmem>>
    %dma_start3A_706 = arith.constant 3072 : i32
    %dma_start3A_707 = tpu.memref_slice %arg6[%dma_start3A_706] : memref<4096xi32, #tpu.memory_space<vmem>> -> memref<256xi32, #tpu.memory_space<vmem>>
    %dma_start3A_708 = arith.constant 0 : i32
    %dma_start3A_709 = arith.constant 0 : i32
    %dma_start3A_710 = tpu.memref_slice %arg2[%dma_start3A_708, %dma_start3A_709] : memref<8192x128xf32, #tpu.memory_space<hbm>> -> memref<8192x128xf32, #tpu.memory_space<hbm>>
    tpu.enqueue_indirect_dma source(%dma_start3A_710 : memref<8192x128xf32, #tpu.memory_space<hbm>>) target(%dma_start3A_705 : memref<256x128xf32, #tpu.memory_space<vmem>>) offsets(%dma_start3A_707 : memref<256xi32, #tpu.memory_space<vmem>>) semaphore(%arg8 : memref<!tpu.dma_semaphore, #tpu.memory_space<semaphore_mem>>)
    %dma_wait3A_711 = arith.constant 1 : i32
    %dma_wait3A_712 = arith.constant 0 : i32
    %dma_wait3A_713 = arith.constant 0 : i32
    %dma_wait3A_714 = tpu.memref_slice %arg7[%dma_wait3A_711, %dma_wait3A_712, %dma_wait3A_713] : memref<2x256x128xf32, #tpu.memory_space<vmem>> -> memref<1x256x128xf32, #tpu.memory_space<vmem>>
    %dma_wait3A_715 = tpu.memref_squeeze %dma_wait3A_714 : memref<1x256x128xf32, #tpu.memory_space<vmem>> -> memref<256x128xf32, #tpu.memory_space<vmem>>
    %dma_wait3A_716 = arith.constant 2816 : i32
    %dma_wait3A_717 = tpu.memref_slice %arg6[%dma_wait3A_716] : memref<4096xi32, #tpu.memory_space<vmem>> -> memref<256xi32, #tpu.memory_space<vmem>>
    %dma_wait3A_718 = arith.constant 0 : i32
    %dma_wait3A_719 = arith.constant 0 : i32
    %dma_wait3A_720 = tpu.memref_slice %arg2[%dma_wait3A_718, %dma_wait3A_719] : memref<8192x128xf32, #tpu.memory_space<hbm>> -> memref<8192x128xf32, #tpu.memory_space<hbm>>
    tpu.wait_indirect_dma semaphore(%arg9 : memref<!tpu.dma_semaphore, #tpu.memory_space<semaphore_mem>>) src(%dma_wait3A_720 : memref<8192x128xf32, #tpu.memory_space<hbm>>) dst(%dma_wait3A_715 : memref<256x128xf32, #tpu.memory_space<vmem>>)
    %add3A_721 = arith.constant 2816 : i32
    %add3A_722 = arith.addi %mul3A_4, %add3A_721 : i32
    %jit3A_723 = arith.constant 2048 : i32
    %div3A_724 = arith.divsi %add3A_722, %jit3A_723 : i32
    %sign3A_725 = arith.constant 0 : i32
    %sign3A_726 = arith.cmpi sgt, %add3A_722, %sign3A_725 : i32
    %sign3A_727 = arith.extui %sign3A_726 : i1 to i32
    %sign3A_728 = arith.constant 0 : i32
    %sign3A_729 = arith.cmpi slt, %add3A_722, %sign3A_728 : i32
    %sign3A_730 = arith.extui %sign3A_729 : i1 to i32
    %sign3A_731 = arith.subi %sign3A_727, %sign3A_730 : i32
    %sign3A_732 = arith.constant 0 : i32
    %sign3A_733 = arith.cmpi sgt, %jit3A_723, %sign3A_732 : i32
    %sign3A_734 = arith.extui %sign3A_733 : i1 to i32
    %sign3A_735 = arith.constant 0 : i32
    %sign3A_736 = arith.cmpi slt, %jit3A_723, %sign3A_735 : i32
    %sign3A_737 = arith.extui %sign3A_736 : i1 to i32
    %sign3A_738 = arith.subi %sign3A_734, %sign3A_737 : i32
    %ne3A_739 = arith.cmpi ne, %sign3A_731, %sign3A_738 : i32
    %rem3A_740 = arith.remsi %add3A_722, %jit3A_723 : i32
    %ne3A_741 = arith.constant 0 : i32
    %ne3A_742 = arith.cmpi ne, %rem3A_740, %ne3A_741 : i32
    %and3A_743 = arith.andi %ne3A_739, %ne3A_742 : i1
    %sub3A_744 = arith.constant 1 : i32
    %sub3A_745 = arith.subi %div3A_724, %sub3A_744 : i32
    %select_n3A_746 = arith.select %and3A_743, %sub3A_745, %div3A_724 : i32
    %jit3A_747 = arith.constant 2048 : i32
    %eq3A_748 = arith.constant 0 : i32
    %eq3A_749 = arith.cmpi eq, %jit3A_747, %eq3A_748 : i32
    %jit3A_750 = arith.constant 1 : i32
    %select_n3A_751 = arith.select %eq3A_749, %jit3A_750, %jit3A_747 : i32
    %rem3A_752 = arith.remsi %add3A_722, %select_n3A_751 : i32
    %ne3A_753 = arith.constant 0 : i32
    %ne3A_754 = arith.cmpi ne, %rem3A_752, %ne3A_753 : i32
    %lt3A_755 = arith.constant 0 : i32
    %lt3A_756 = arith.cmpi slt, %rem3A_752, %lt3A_755 : i32
    %lt3A_757 = arith.constant 0 : i32
    %lt3A_758 = arith.cmpi slt, %select_n3A_751, %lt3A_757 : i32
    %ne3A_759 = arith.xori %lt3A_756, %lt3A_758 : i1
    %and3A_760 = arith.andi %ne3A_759, %ne3A_754 : i1
    %add3A_761 = arith.addi %rem3A_752, %select_n3A_751 : i32
    %select_n3A_762 = arith.select %and3A_760, %add3A_761, %rem3A_752 : i32
    %run_scoped3A_763 = arith.constant 1 : i32
    "tpu.region"() ({
      %run_scoped3A_1006 = tpu.sem_alloc : memref<!tpu.dma_semaphore, #tpu.memory_space<semaphore_mem>>
      %dma_start3A_1007 = arith.constant 0 : i32
      %dma_start3A_1008 = arith.constant 0 : i32
      %dma_start3A_1009 = tpu.memref_slice %arg7[%run_scoped3A_763, %dma_start3A_1007, %dma_start3A_1008] : memref<2x256x128xf32, #tpu.memory_space<vmem>> -> memref<1x256x128xf32, #tpu.memory_space<vmem>>
      %dma_start3A_1010 = tpu.memref_squeeze %dma_start3A_1009 : memref<1x256x128xf32, #tpu.memory_space<vmem>> -> memref<256x128xf32, #tpu.memory_space<vmem>>
      %dma_start3A_1011 = arith.constant 0 : i32
      %dma_start3A_1012 = tpu.memref_slice %arg4[%select_n3A_746, %select_n3A_762, %dma_start3A_1011] : memref<64x2048x128xf32, #tpu.memory_space<hbm>> -> memref<1x256x128xf32, #tpu.memory_space<hbm>>
      %dma_start3A_1013 = tpu.memref_squeeze %dma_start3A_1012 : memref<1x256x128xf32, #tpu.memory_space<hbm>> -> memref<256x128xf32, #tpu.memory_space<hbm>>
      %dma_start3A_1014 = arith.constant 0 : i32
      %dma_start3A_1015 = tpu.memref_slice %arg4[%select_n3A_746, %select_n3A_762, %dma_start3A_1014] : memref<64x2048x128xf32, #tpu.memory_space<hbm>> -> memref<1x256x128xf32, #tpu.memory_space<hbm>>
      %dma_start3A_1016 = tpu.memref_squeeze %dma_start3A_1015 : memref<1x256x128xf32, #tpu.memory_space<hbm>> -> memref<256x128xf32, #tpu.memory_space<hbm>>
      %dma_start3A_1017 = arith.constant 0 : i32
      %dma_start3A_1018 = arith.constant 0 : i32
      %dma_start3A_1019 = tpu.memref_slice %arg7[%run_scoped3A_763, %dma_start3A_1017, %dma_start3A_1018] : memref<2x256x128xf32, #tpu.memory_space<vmem>> -> memref<1x256x128xf32, #tpu.memory_space<vmem>>
      %dma_start3A_1020 = tpu.memref_squeeze %dma_start3A_1019 : memref<1x256x128xf32, #tpu.memory_space<vmem>> -> memref<256x128xf32, #tpu.memory_space<vmem>>
      tpu.enqueue_dma source(%dma_start3A_1020 : memref<256x128xf32, #tpu.memory_space<vmem>>) target(%dma_start3A_1016 : memref<256x128xf32, #tpu.memory_space<hbm>>) target_semaphore(%run_scoped3A_1006 : memref<!tpu.dma_semaphore, #tpu.memory_space<semaphore_mem>>)
      %dma_wait3A_1021 = arith.constant 0 : i32
      %dma_wait3A_1022 = arith.constant 0 : i32
      %dma_wait3A_1023 = tpu.memref_slice %arg7[%run_scoped3A_763, %dma_wait3A_1021, %dma_wait3A_1022] : memref<2x256x128xf32, #tpu.memory_space<vmem>> -> memref<1x256x128xf32, #tpu.memory_space<vmem>>
      %dma_wait3A_1024 = tpu.memref_squeeze %dma_wait3A_1023 : memref<1x256x128xf32, #tpu.memory_space<vmem>> -> memref<256x128xf32, #tpu.memory_space<vmem>>
      %dma_wait3A_1025 = arith.constant 0 : i32
      %dma_wait3A_1026 = tpu.memref_slice %arg4[%select_n3A_746, %select_n3A_762, %dma_wait3A_1025] : memref<64x2048x128xf32, #tpu.memory_space<hbm>> -> memref<1x256x128xf32, #tpu.memory_space<hbm>>
      %dma_wait3A_1027 = tpu.memref_squeeze %dma_wait3A_1026 : memref<1x256x128xf32, #tpu.memory_space<hbm>> -> memref<256x128xf32, #tpu.memory_space<hbm>>
      %dma_wait3A_1028 = arith.constant 0 : i32
      %dma_wait3A_1029 = tpu.memref_slice %arg4[%select_n3A_746, %select_n3A_762, %dma_wait3A_1028] : memref<64x2048x128xf32, #tpu.memory_space<hbm>> -> memref<1x256x128xf32, #tpu.memory_space<hbm>>
      %dma_wait3A_1030 = tpu.memref_squeeze %dma_wait3A_1029 : memref<1x256x128xf32, #tpu.memory_space<hbm>> -> memref<256x128xf32, #tpu.memory_space<hbm>>
      %dma_wait3A_1031 = arith.constant 0 : i32
      %dma_wait3A_1032 = arith.constant 0 : i32
      %dma_wait3A_1033 = tpu.memref_slice %arg7[%run_scoped3A_763, %dma_wait3A_1031, %dma_wait3A_1032] : memref<2x256x128xf32, #tpu.memory_space<vmem>> -> memref<1x256x128xf32, #tpu.memory_space<vmem>>
      %dma_wait3A_1034 = tpu.memref_squeeze %dma_wait3A_1033 : memref<1x256x128xf32, #tpu.memory_space<vmem>> -> memref<256x128xf32, #tpu.memory_space<vmem>>
      tpu.wait_dma2 semaphore(%run_scoped3A_1006 : memref<!tpu.dma_semaphore, #tpu.memory_space<semaphore_mem>>) src(%dma_wait3A_1034 : memref<256x128xf32, #tpu.memory_space<vmem>>) dst(%dma_wait3A_1030 : memref<256x128xf32, #tpu.memory_space<hbm>>)
      tpu.yield
    }) : () -> ()
    %dma_start3A_764 = arith.constant 1 : i32
    %dma_start3A_765 = arith.constant 0 : i32
    %dma_start3A_766 = arith.constant 0 : i32
    %dma_start3A_767 = tpu.memref_slice %arg7[%dma_start3A_764, %dma_start3A_765, %dma_start3A_766] : memref<2x256x128xf32, #tpu.memory_space<vmem>> -> memref<1x256x128xf32, #tpu.memory_space<vmem>>
    %dma_start3A_768 = tpu.memref_squeeze %dma_start3A_767 : memref<1x256x128xf32, #tpu.memory_space<vmem>> -> memref<256x128xf32, #tpu.memory_space<vmem>>
    %dma_start3A_769 = arith.constant 3328 : i32
    %dma_start3A_770 = tpu.memref_slice %arg6[%dma_start3A_769] : memref<4096xi32, #tpu.memory_space<vmem>> -> memref<256xi32, #tpu.memory_space<vmem>>
    %dma_start3A_771 = arith.constant 0 : i32
    %dma_start3A_772 = arith.constant 0 : i32
    %dma_start3A_773 = tpu.memref_slice %arg2[%dma_start3A_771, %dma_start3A_772] : memref<8192x128xf32, #tpu.memory_space<hbm>> -> memref<8192x128xf32, #tpu.memory_space<hbm>>
    tpu.enqueue_indirect_dma source(%dma_start3A_773 : memref<8192x128xf32, #tpu.memory_space<hbm>>) target(%dma_start3A_768 : memref<256x128xf32, #tpu.memory_space<vmem>>) offsets(%dma_start3A_770 : memref<256xi32, #tpu.memory_space<vmem>>) semaphore(%arg9 : memref<!tpu.dma_semaphore, #tpu.memory_space<semaphore_mem>>)
    %dma_wait3A_774 = arith.constant 0 : i32
    %dma_wait3A_775 = arith.constant 0 : i32
    %dma_wait3A_776 = arith.constant 0 : i32
    %dma_wait3A_777 = tpu.memref_slice %arg7[%dma_wait3A_774, %dma_wait3A_775, %dma_wait3A_776] : memref<2x256x128xf32, #tpu.memory_space<vmem>> -> memref<1x256x128xf32, #tpu.memory_space<vmem>>
    %dma_wait3A_778 = tpu.memref_squeeze %dma_wait3A_777 : memref<1x256x128xf32, #tpu.memory_space<vmem>> -> memref<256x128xf32, #tpu.memory_space<vmem>>
    %dma_wait3A_779 = arith.constant 3072 : i32
    %dma_wait3A_780 = tpu.memref_slice %arg6[%dma_wait3A_779] : memref<4096xi32, #tpu.memory_space<vmem>> -> memref<256xi32, #tpu.memory_space<vmem>>
    %dma_wait3A_781 = arith.constant 0 : i32
    %dma_wait3A_782 = arith.constant 0 : i32
    %dma_wait3A_783 = tpu.memref_slice %arg2[%dma_wait3A_781, %dma_wait3A_782] : memref<8192x128xf32, #tpu.memory_space<hbm>> -> memref<8192x128xf32, #tpu.memory_space<hbm>>
    tpu.wait_indirect_dma semaphore(%arg8 : memref<!tpu.dma_semaphore, #tpu.memory_space<semaphore_mem>>) src(%dma_wait3A_783 : memref<8192x128xf32, #tpu.memory_space<hbm>>) dst(%dma_wait3A_778 : memref<256x128xf32, #tpu.memory_space<vmem>>)
    %add3A_784 = arith.constant 3072 : i32
    %add3A_785 = arith.addi %mul3A_4, %add3A_784 : i32
    %jit3A_786 = arith.constant 2048 : i32
    %div3A_787 = arith.divsi %add3A_785, %jit3A_786 : i32
    %sign3A_788 = arith.constant 0 : i32
    %sign3A_789 = arith.cmpi sgt, %add3A_785, %sign3A_788 : i32
    %sign3A_790 = arith.extui %sign3A_789 : i1 to i32
    %sign3A_791 = arith.constant 0 : i32
    %sign3A_792 = arith.cmpi slt, %add3A_785, %sign3A_791 : i32
    %sign3A_793 = arith.extui %sign3A_792 : i1 to i32
    %sign3A_794 = arith.subi %sign3A_790, %sign3A_793 : i32
    %sign3A_795 = arith.constant 0 : i32
    %sign3A_796 = arith.cmpi sgt, %jit3A_786, %sign3A_795 : i32
    %sign3A_797 = arith.extui %sign3A_796 : i1 to i32
    %sign3A_798 = arith.constant 0 : i32
    %sign3A_799 = arith.cmpi slt, %jit3A_786, %sign3A_798 : i32
    %sign3A_800 = arith.extui %sign3A_799 : i1 to i32
    %sign3A_801 = arith.subi %sign3A_797, %sign3A_800 : i32
    %ne3A_802 = arith.cmpi ne, %sign3A_794, %sign3A_801 : i32
    %rem3A_803 = arith.remsi %add3A_785, %jit3A_786 : i32
    %ne3A_804 = arith.constant 0 : i32
    %ne3A_805 = arith.cmpi ne, %rem3A_803, %ne3A_804 : i32
    %and3A_806 = arith.andi %ne3A_802, %ne3A_805 : i1
    %sub3A_807 = arith.constant 1 : i32
    %sub3A_808 = arith.subi %div3A_787, %sub3A_807 : i32
    %select_n3A_809 = arith.select %and3A_806, %sub3A_808, %div3A_787 : i32
    %jit3A_810 = arith.constant 2048 : i32
    %eq3A_811 = arith.constant 0 : i32
    %eq3A_812 = arith.cmpi eq, %jit3A_810, %eq3A_811 : i32
    %jit3A_813 = arith.constant 1 : i32
    %select_n3A_814 = arith.select %eq3A_812, %jit3A_813, %jit3A_810 : i32
    %rem3A_815 = arith.remsi %add3A_785, %select_n3A_814 : i32
    %ne3A_816 = arith.constant 0 : i32
    %ne3A_817 = arith.cmpi ne, %rem3A_815, %ne3A_816 : i32
    %lt3A_818 = arith.constant 0 : i32
    %lt3A_819 = arith.cmpi slt, %rem3A_815, %lt3A_818 : i32
    %lt3A_820 = arith.constant 0 : i32
    %lt3A_821 = arith.cmpi slt, %select_n3A_814, %lt3A_820 : i32
    %ne3A_822 = arith.xori %lt3A_819, %lt3A_821 : i1
    %and3A_823 = arith.andi %ne3A_822, %ne3A_817 : i1
    %add3A_824 = arith.addi %rem3A_815, %select_n3A_814 : i32
    %select_n3A_825 = arith.select %and3A_823, %add3A_824, %rem3A_815 : i32
    %run_scoped3A_826 = arith.constant 0 : i32
    "tpu.region"() ({
      %run_scoped3A_1006 = tpu.sem_alloc : memref<!tpu.dma_semaphore, #tpu.memory_space<semaphore_mem>>
      %dma_start3A_1007 = arith.constant 0 : i32
      %dma_start3A_1008 = arith.constant 0 : i32
      %dma_start3A_1009 = tpu.memref_slice %arg7[%run_scoped3A_826, %dma_start3A_1007, %dma_start3A_1008] : memref<2x256x128xf32, #tpu.memory_space<vmem>> -> memref<1x256x128xf32, #tpu.memory_space<vmem>>
      %dma_start3A_1010 = tpu.memref_squeeze %dma_start3A_1009 : memref<1x256x128xf32, #tpu.memory_space<vmem>> -> memref<256x128xf32, #tpu.memory_space<vmem>>
      %dma_start3A_1011 = arith.constant 0 : i32
      %dma_start3A_1012 = tpu.memref_slice %arg4[%select_n3A_809, %select_n3A_825, %dma_start3A_1011] : memref<64x2048x128xf32, #tpu.memory_space<hbm>> -> memref<1x256x128xf32, #tpu.memory_space<hbm>>
      %dma_start3A_1013 = tpu.memref_squeeze %dma_start3A_1012 : memref<1x256x128xf32, #tpu.memory_space<hbm>> -> memref<256x128xf32, #tpu.memory_space<hbm>>
      %dma_start3A_1014 = arith.constant 0 : i32
      %dma_start3A_1015 = tpu.memref_slice %arg4[%select_n3A_809, %select_n3A_825, %dma_start3A_1014] : memref<64x2048x128xf32, #tpu.memory_space<hbm>> -> memref<1x256x128xf32, #tpu.memory_space<hbm>>
      %dma_start3A_1016 = tpu.memref_squeeze %dma_start3A_1015 : memref<1x256x128xf32, #tpu.memory_space<hbm>> -> memref<256x128xf32, #tpu.memory_space<hbm>>
      %dma_start3A_1017 = arith.constant 0 : i32
      %dma_start3A_1018 = arith.constant 0 : i32
      %dma_start3A_1019 = tpu.memref_slice %arg7[%run_scoped3A_826, %dma_start3A_1017, %dma_start3A_1018] : memref<2x256x128xf32, #tpu.memory_space<vmem>> -> memref<1x256x128xf32, #tpu.memory_space<vmem>>
      %dma_start3A_1020 = tpu.memref_squeeze %dma_start3A_1019 : memref<1x256x128xf32, #tpu.memory_space<vmem>> -> memref<256x128xf32, #tpu.memory_space<vmem>>
      tpu.enqueue_dma source(%dma_start3A_1020 : memref<256x128xf32, #tpu.memory_space<vmem>>) target(%dma_start3A_1016 : memref<256x128xf32, #tpu.memory_space<hbm>>) target_semaphore(%run_scoped3A_1006 : memref<!tpu.dma_semaphore, #tpu.memory_space<semaphore_mem>>)
      %dma_wait3A_1021 = arith.constant 0 : i32
      %dma_wait3A_1022 = arith.constant 0 : i32
      %dma_wait3A_1023 = tpu.memref_slice %arg7[%run_scoped3A_826, %dma_wait3A_1021, %dma_wait3A_1022] : memref<2x256x128xf32, #tpu.memory_space<vmem>> -> memref<1x256x128xf32, #tpu.memory_space<vmem>>
      %dma_wait3A_1024 = tpu.memref_squeeze %dma_wait3A_1023 : memref<1x256x128xf32, #tpu.memory_space<vmem>> -> memref<256x128xf32, #tpu.memory_space<vmem>>
      %dma_wait3A_1025 = arith.constant 0 : i32
      %dma_wait3A_1026 = tpu.memref_slice %arg4[%select_n3A_809, %select_n3A_825, %dma_wait3A_1025] : memref<64x2048x128xf32, #tpu.memory_space<hbm>> -> memref<1x256x128xf32, #tpu.memory_space<hbm>>
      %dma_wait3A_1027 = tpu.memref_squeeze %dma_wait3A_1026 : memref<1x256x128xf32, #tpu.memory_space<hbm>> -> memref<256x128xf32, #tpu.memory_space<hbm>>
      %dma_wait3A_1028 = arith.constant 0 : i32
      %dma_wait3A_1029 = tpu.memref_slice %arg4[%select_n3A_809, %select_n3A_825, %dma_wait3A_1028] : memref<64x2048x128xf32, #tpu.memory_space<hbm>> -> memref<1x256x128xf32, #tpu.memory_space<hbm>>
      %dma_wait3A_1030 = tpu.memref_squeeze %dma_wait3A_1029 : memref<1x256x128xf32, #tpu.memory_space<hbm>> -> memref<256x128xf32, #tpu.memory_space<hbm>>
      %dma_wait3A_1031 = arith.constant 0 : i32
      %dma_wait3A_1032 = arith.constant 0 : i32
      %dma_wait3A_1033 = tpu.memref_slice %arg7[%run_scoped3A_826, %dma_wait3A_1031, %dma_wait3A_1032] : memref<2x256x128xf32, #tpu.memory_space<vmem>> -> memref<1x256x128xf32, #tpu.memory_space<vmem>>
      %dma_wait3A_1034 = tpu.memref_squeeze %dma_wait3A_1033 : memref<1x256x128xf32, #tpu.memory_space<vmem>> -> memref<256x128xf32, #tpu.memory_space<vmem>>
      tpu.wait_dma2 semaphore(%run_scoped3A_1006 : memref<!tpu.dma_semaphore, #tpu.memory_space<semaphore_mem>>) src(%dma_wait3A_1034 : memref<256x128xf32, #tpu.memory_space<vmem>>) dst(%dma_wait3A_1030 : memref<256x128xf32, #tpu.memory_space<hbm>>)
      tpu.yield
    }) : () -> ()
    %dma_start3A_827 = arith.constant 0 : i32
    %dma_start3A_828 = arith.constant 0 : i32
    %dma_start3A_829 = arith.constant 0 : i32
    %dma_start3A_830 = tpu.memref_slice %arg7[%dma_start3A_827, %dma_start3A_828, %dma_start3A_829] : memref<2x256x128xf32, #tpu.memory_space<vmem>> -> memref<1x256x128xf32, #tpu.memory_space<vmem>>
    %dma_start3A_831 = tpu.memref_squeeze %dma_start3A_830 : memref<1x256x128xf32, #tpu.memory_space<vmem>> -> memref<256x128xf32, #tpu.memory_space<vmem>>
    %dma_start3A_832 = arith.constant 3584 : i32
    %dma_start3A_833 = tpu.memref_slice %arg6[%dma_start3A_832] : memref<4096xi32, #tpu.memory_space<vmem>> -> memref<256xi32, #tpu.memory_space<vmem>>
    %dma_start3A_834 = arith.constant 0 : i32
    %dma_start3A_835 = arith.constant 0 : i32
    %dma_start3A_836 = tpu.memref_slice %arg2[%dma_start3A_834, %dma_start3A_835] : memref<8192x128xf32, #tpu.memory_space<hbm>> -> memref<8192x128xf32, #tpu.memory_space<hbm>>
    tpu.enqueue_indirect_dma source(%dma_start3A_836 : memref<8192x128xf32, #tpu.memory_space<hbm>>) target(%dma_start3A_831 : memref<256x128xf32, #tpu.memory_space<vmem>>) offsets(%dma_start3A_833 : memref<256xi32, #tpu.memory_space<vmem>>) semaphore(%arg8 : memref<!tpu.dma_semaphore, #tpu.memory_space<semaphore_mem>>)
    %dma_wait3A_837 = arith.constant 1 : i32
    %dma_wait3A_838 = arith.constant 0 : i32
    %dma_wait3A_839 = arith.constant 0 : i32
    %dma_wait3A_840 = tpu.memref_slice %arg7[%dma_wait3A_837, %dma_wait3A_838, %dma_wait3A_839] : memref<2x256x128xf32, #tpu.memory_space<vmem>> -> memref<1x256x128xf32, #tpu.memory_space<vmem>>
    %dma_wait3A_841 = tpu.memref_squeeze %dma_wait3A_840 : memref<1x256x128xf32, #tpu.memory_space<vmem>> -> memref<256x128xf32, #tpu.memory_space<vmem>>
    %dma_wait3A_842 = arith.constant 3328 : i32
    %dma_wait3A_843 = tpu.memref_slice %arg6[%dma_wait3A_842] : memref<4096xi32, #tpu.memory_space<vmem>> -> memref<256xi32, #tpu.memory_space<vmem>>
    %dma_wait3A_844 = arith.constant 0 : i32
    %dma_wait3A_845 = arith.constant 0 : i32
    %dma_wait3A_846 = tpu.memref_slice %arg2[%dma_wait3A_844, %dma_wait3A_845] : memref<8192x128xf32, #tpu.memory_space<hbm>> -> memref<8192x128xf32, #tpu.memory_space<hbm>>
    tpu.wait_indirect_dma semaphore(%arg9 : memref<!tpu.dma_semaphore, #tpu.memory_space<semaphore_mem>>) src(%dma_wait3A_846 : memref<8192x128xf32, #tpu.memory_space<hbm>>) dst(%dma_wait3A_841 : memref<256x128xf32, #tpu.memory_space<vmem>>)
    %add3A_847 = arith.constant 3328 : i32
    %add3A_848 = arith.addi %mul3A_4, %add3A_847 : i32
    %jit3A_849 = arith.constant 2048 : i32
    %div3A_850 = arith.divsi %add3A_848, %jit3A_849 : i32
    %sign3A_851 = arith.constant 0 : i32
    %sign3A_852 = arith.cmpi sgt, %add3A_848, %sign3A_851 : i32
    %sign3A_853 = arith.extui %sign3A_852 : i1 to i32
    %sign3A_854 = arith.constant 0 : i32
    %sign3A_855 = arith.cmpi slt, %add3A_848, %sign3A_854 : i32
    %sign3A_856 = arith.extui %sign3A_855 : i1 to i32
    %sign3A_857 = arith.subi %sign3A_853, %sign3A_856 : i32
    %sign3A_858 = arith.constant 0 : i32
    %sign3A_859 = arith.cmpi sgt, %jit3A_849, %sign3A_858 : i32
    %sign3A_860 = arith.extui %sign3A_859 : i1 to i32
    %sign3A_861 = arith.constant 0 : i32
    %sign3A_862 = arith.cmpi slt, %jit3A_849, %sign3A_861 : i32
    %sign3A_863 = arith.extui %sign3A_862 : i1 to i32
    %sign3A_864 = arith.subi %sign3A_860, %sign3A_863 : i32
    %ne3A_865 = arith.cmpi ne, %sign3A_857, %sign3A_864 : i32
    %rem3A_866 = arith.remsi %add3A_848, %jit3A_849 : i32
    %ne3A_867 = arith.constant 0 : i32
    %ne3A_868 = arith.cmpi ne, %rem3A_866, %ne3A_867 : i32
    %and3A_869 = arith.andi %ne3A_865, %ne3A_868 : i1
    %sub3A_870 = arith.constant 1 : i32
    %sub3A_871 = arith.subi %div3A_850, %sub3A_870 : i32
    %select_n3A_872 = arith.select %and3A_869, %sub3A_871, %div3A_850 : i32
    %jit3A_873 = arith.constant 2048 : i32
    %eq3A_874 = arith.constant 0 : i32
    %eq3A_875 = arith.cmpi eq, %jit3A_873, %eq3A_874 : i32
    %jit3A_876 = arith.constant 1 : i32
    %select_n3A_877 = arith.select %eq3A_875, %jit3A_876, %jit3A_873 : i32
    %rem3A_878 = arith.remsi %add3A_848, %select_n3A_877 : i32
    %ne3A_879 = arith.constant 0 : i32
    %ne3A_880 = arith.cmpi ne, %rem3A_878, %ne3A_879 : i32
    %lt3A_881 = arith.constant 0 : i32
    %lt3A_882 = arith.cmpi slt, %rem3A_878, %lt3A_881 : i32
    %lt3A_883 = arith.constant 0 : i32
    %lt3A_884 = arith.cmpi slt, %select_n3A_877, %lt3A_883 : i32
    %ne3A_885 = arith.xori %lt3A_882, %lt3A_884 : i1
    %and3A_886 = arith.andi %ne3A_885, %ne3A_880 : i1
    %add3A_887 = arith.addi %rem3A_878, %select_n3A_877 : i32
    %select_n3A_888 = arith.select %and3A_886, %add3A_887, %rem3A_878 : i32
    %run_scoped3A_889 = arith.constant 1 : i32
    "tpu.region"() ({
      %run_scoped3A_1006 = tpu.sem_alloc : memref<!tpu.dma_semaphore, #tpu.memory_space<semaphore_mem>>
      %dma_start3A_1007 = arith.constant 0 : i32
      %dma_start3A_1008 = arith.constant 0 : i32
      %dma_start3A_1009 = tpu.memref_slice %arg7[%run_scoped3A_889, %dma_start3A_1007, %dma_start3A_1008] : memref<2x256x128xf32, #tpu.memory_space<vmem>> -> memref<1x256x128xf32, #tpu.memory_space<vmem>>
      %dma_start3A_1010 = tpu.memref_squeeze %dma_start3A_1009 : memref<1x256x128xf32, #tpu.memory_space<vmem>> -> memref<256x128xf32, #tpu.memory_space<vmem>>
      %dma_start3A_1011 = arith.constant 0 : i32
      %dma_start3A_1012 = tpu.memref_slice %arg4[%select_n3A_872, %select_n3A_888, %dma_start3A_1011] : memref<64x2048x128xf32, #tpu.memory_space<hbm>> -> memref<1x256x128xf32, #tpu.memory_space<hbm>>
      %dma_start3A_1013 = tpu.memref_squeeze %dma_start3A_1012 : memref<1x256x128xf32, #tpu.memory_space<hbm>> -> memref<256x128xf32, #tpu.memory_space<hbm>>
      %dma_start3A_1014 = arith.constant 0 : i32
      %dma_start3A_1015 = tpu.memref_slice %arg4[%select_n3A_872, %select_n3A_888, %dma_start3A_1014] : memref<64x2048x128xf32, #tpu.memory_space<hbm>> -> memref<1x256x128xf32, #tpu.memory_space<hbm>>
      %dma_start3A_1016 = tpu.memref_squeeze %dma_start3A_1015 : memref<1x256x128xf32, #tpu.memory_space<hbm>> -> memref<256x128xf32, #tpu.memory_space<hbm>>
      %dma_start3A_1017 = arith.constant 0 : i32
      %dma_start3A_1018 = arith.constant 0 : i32
      %dma_start3A_1019 = tpu.memref_slice %arg7[%run_scoped3A_889, %dma_start3A_1017, %dma_start3A_1018] : memref<2x256x128xf32, #tpu.memory_space<vmem>> -> memref<1x256x128xf32, #tpu.memory_space<vmem>>
      %dma_start3A_1020 = tpu.memref_squeeze %dma_start3A_1019 : memref<1x256x128xf32, #tpu.memory_space<vmem>> -> memref<256x128xf32, #tpu.memory_space<vmem>>
      tpu.enqueue_dma source(%dma_start3A_1020 : memref<256x128xf32, #tpu.memory_space<vmem>>) target(%dma_start3A_1016 : memref<256x128xf32, #tpu.memory_space<hbm>>) target_semaphore(%run_scoped3A_1006 : memref<!tpu.dma_semaphore, #tpu.memory_space<semaphore_mem>>)
      %dma_wait3A_1021 = arith.constant 0 : i32
      %dma_wait3A_1022 = arith.constant 0 : i32
      %dma_wait3A_1023 = tpu.memref_slice %arg7[%run_scoped3A_889, %dma_wait3A_1021, %dma_wait3A_1022] : memref<2x256x128xf32, #tpu.memory_space<vmem>> -> memref<1x256x128xf32, #tpu.memory_space<vmem>>
      %dma_wait3A_1024 = tpu.memref_squeeze %dma_wait3A_1023 : memref<1x256x128xf32, #tpu.memory_space<vmem>> -> memref<256x128xf32, #tpu.memory_space<vmem>>
      %dma_wait3A_1025 = arith.constant 0 : i32
      %dma_wait3A_1026 = tpu.memref_slice %arg4[%select_n3A_872, %select_n3A_888, %dma_wait3A_1025] : memref<64x2048x128xf32, #tpu.memory_space<hbm>> -> memref<1x256x128xf32, #tpu.memory_space<hbm>>
      %dma_wait3A_1027 = tpu.memref_squeeze %dma_wait3A_1026 : memref<1x256x128xf32, #tpu.memory_space<hbm>> -> memref<256x128xf32, #tpu.memory_space<hbm>>
      %dma_wait3A_1028 = arith.constant 0 : i32
      %dma_wait3A_1029 = tpu.memref_slice %arg4[%select_n3A_872, %select_n3A_888, %dma_wait3A_1028] : memref<64x2048x128xf32, #tpu.memory_space<hbm>> -> memref<1x256x128xf32, #tpu.memory_space<hbm>>
      %dma_wait3A_1030 = tpu.memref_squeeze %dma_wait3A_1029 : memref<1x256x128xf32, #tpu.memory_space<hbm>> -> memref<256x128xf32, #tpu.memory_space<hbm>>
      %dma_wait3A_1031 = arith.constant 0 : i32
      %dma_wait3A_1032 = arith.constant 0 : i32
      %dma_wait3A_1033 = tpu.memref_slice %arg7[%run_scoped3A_889, %dma_wait3A_1031, %dma_wait3A_1032] : memref<2x256x128xf32, #tpu.memory_space<vmem>> -> memref<1x256x128xf32, #tpu.memory_space<vmem>>
      %dma_wait3A_1034 = tpu.memref_squeeze %dma_wait3A_1033 : memref<1x256x128xf32, #tpu.memory_space<vmem>> -> memref<256x128xf32, #tpu.memory_space<vmem>>
      tpu.wait_dma2 semaphore(%run_scoped3A_1006 : memref<!tpu.dma_semaphore, #tpu.memory_space<semaphore_mem>>) src(%dma_wait3A_1034 : memref<256x128xf32, #tpu.memory_space<vmem>>) dst(%dma_wait3A_1030 : memref<256x128xf32, #tpu.memory_space<hbm>>)
      tpu.yield
    }) : () -> ()
    %dma_start3A_890 = arith.constant 1 : i32
    %dma_start3A_891 = arith.constant 0 : i32
    %dma_start3A_892 = arith.constant 0 : i32
    %dma_start3A_893 = tpu.memref_slice %arg7[%dma_start3A_890, %dma_start3A_891, %dma_start3A_892] : memref<2x256x128xf32, #tpu.memory_space<vmem>> -> memref<1x256x128xf32, #tpu.memory_space<vmem>>
    %dma_start3A_894 = tpu.memref_squeeze %dma_start3A_893 : memref<1x256x128xf32, #tpu.memory_space<vmem>> -> memref<256x128xf32, #tpu.memory_space<vmem>>
    %dma_start3A_895 = arith.constant 3840 : i32
    %dma_start3A_896 = tpu.memref_slice %arg6[%dma_start3A_895] : memref<4096xi32, #tpu.memory_space<vmem>> -> memref<256xi32, #tpu.memory_space<vmem>>
    %dma_start3A_897 = arith.constant 0 : i32
    %dma_start3A_898 = arith.constant 0 : i32
    %dma_start3A_899 = tpu.memref_slice %arg2[%dma_start3A_897, %dma_start3A_898] : memref<8192x128xf32, #tpu.memory_space<hbm>> -> memref<8192x128xf32, #tpu.memory_space<hbm>>
    tpu.enqueue_indirect_dma source(%dma_start3A_899 : memref<8192x128xf32, #tpu.memory_space<hbm>>) target(%dma_start3A_894 : memref<256x128xf32, #tpu.memory_space<vmem>>) offsets(%dma_start3A_896 : memref<256xi32, #tpu.memory_space<vmem>>) semaphore(%arg9 : memref<!tpu.dma_semaphore, #tpu.memory_space<semaphore_mem>>)
    %dma_wait3A_900 = arith.constant 0 : i32
    %dma_wait3A_901 = arith.constant 0 : i32
    %dma_wait3A_902 = arith.constant 0 : i32
    %dma_wait3A_903 = tpu.memref_slice %arg7[%dma_wait3A_900, %dma_wait3A_901, %dma_wait3A_902] : memref<2x256x128xf32, #tpu.memory_space<vmem>> -> memref<1x256x128xf32, #tpu.memory_space<vmem>>
    %dma_wait3A_904 = tpu.memref_squeeze %dma_wait3A_903 : memref<1x256x128xf32, #tpu.memory_space<vmem>> -> memref<256x128xf32, #tpu.memory_space<vmem>>
    %dma_wait3A_905 = arith.constant 3584 : i32
    %dma_wait3A_906 = tpu.memref_slice %arg6[%dma_wait3A_905] : memref<4096xi32, #tpu.memory_space<vmem>> -> memref<256xi32, #tpu.memory_space<vmem>>
    %dma_wait3A_907 = arith.constant 0 : i32
    %dma_wait3A_908 = arith.constant 0 : i32
    %dma_wait3A_909 = tpu.memref_slice %arg2[%dma_wait3A_907, %dma_wait3A_908] : memref<8192x128xf32, #tpu.memory_space<hbm>> -> memref<8192x128xf32, #tpu.memory_space<hbm>>
    tpu.wait_indirect_dma semaphore(%arg8 : memref<!tpu.dma_semaphore, #tpu.memory_space<semaphore_mem>>) src(%dma_wait3A_909 : memref<8192x128xf32, #tpu.memory_space<hbm>>) dst(%dma_wait3A_904 : memref<256x128xf32, #tpu.memory_space<vmem>>)
    %add3A_910 = arith.constant 3584 : i32
    %add3A_911 = arith.addi %mul3A_4, %add3A_910 : i32
    %jit3A_912 = arith.constant 2048 : i32
    %div3A_913 = arith.divsi %add3A_911, %jit3A_912 : i32
    %sign3A_914 = arith.constant 0 : i32
    %sign3A_915 = arith.cmpi sgt, %add3A_911, %sign3A_914 : i32
    %sign3A_916 = arith.extui %sign3A_915 : i1 to i32
    %sign3A_917 = arith.constant 0 : i32
    %sign3A_918 = arith.cmpi slt, %add3A_911, %sign3A_917 : i32
    %sign3A_919 = arith.extui %sign3A_918 : i1 to i32
    %sign3A_920 = arith.subi %sign3A_916, %sign3A_919 : i32
    %sign3A_921 = arith.constant 0 : i32
    %sign3A_922 = arith.cmpi sgt, %jit3A_912, %sign3A_921 : i32
    %sign3A_923 = arith.extui %sign3A_922 : i1 to i32
    %sign3A_924 = arith.constant 0 : i32
    %sign3A_925 = arith.cmpi slt, %jit3A_912, %sign3A_924 : i32
    %sign3A_926 = arith.extui %sign3A_925 : i1 to i32
    %sign3A_927 = arith.subi %sign3A_923, %sign3A_926 : i32
    %ne3A_928 = arith.cmpi ne, %sign3A_920, %sign3A_927 : i32
    %rem3A_929 = arith.remsi %add3A_911, %jit3A_912 : i32
    %ne3A_930 = arith.constant 0 : i32
    %ne3A_931 = arith.cmpi ne, %rem3A_929, %ne3A_930 : i32
    %and3A_932 = arith.andi %ne3A_928, %ne3A_931 : i1
    %sub3A_933 = arith.constant 1 : i32
    %sub3A_934 = arith.subi %div3A_913, %sub3A_933 : i32
    %select_n3A_935 = arith.select %and3A_932, %sub3A_934, %div3A_913 : i32
    %jit3A_936 = arith.constant 2048 : i32
    %eq3A_937 = arith.constant 0 : i32
    %eq3A_938 = arith.cmpi eq, %jit3A_936, %eq3A_937 : i32
    %jit3A_939 = arith.constant 1 : i32
    %select_n3A_940 = arith.select %eq3A_938, %jit3A_939, %jit3A_936 : i32
    %rem3A_941 = arith.remsi %add3A_911, %select_n3A_940 : i32
    %ne3A_942 = arith.constant 0 : i32
    %ne3A_943 = arith.cmpi ne, %rem3A_941, %ne3A_942 : i32
    %lt3A_944 = arith.constant 0 : i32
    %lt3A_945 = arith.cmpi slt, %rem3A_941, %lt3A_944 : i32
    %lt3A_946 = arith.constant 0 : i32
    %lt3A_947 = arith.cmpi slt, %select_n3A_940, %lt3A_946 : i32
    %ne3A_948 = arith.xori %lt3A_945, %lt3A_947 : i1
    %and3A_949 = arith.andi %ne3A_948, %ne3A_943 : i1
    %add3A_950 = arith.addi %rem3A_941, %select_n3A_940 : i32
    %select_n3A_951 = arith.select %and3A_949, %add3A_950, %rem3A_941 : i32
    %run_scoped3A_952 = arith.constant 0 : i32
    "tpu.region"() ({
      %run_scoped3A_1006 = tpu.sem_alloc : memref<!tpu.dma_semaphore, #tpu.memory_space<semaphore_mem>>
      %dma_start3A_1007 = arith.constant 0 : i32
      %dma_start3A_1008 = arith.constant 0 : i32
      %dma_start3A_1009 = tpu.memref_slice %arg7[%run_scoped3A_952, %dma_start3A_1007, %dma_start3A_1008] : memref<2x256x128xf32, #tpu.memory_space<vmem>> -> memref<1x256x128xf32, #tpu.memory_space<vmem>>
      %dma_start3A_1010 = tpu.memref_squeeze %dma_start3A_1009 : memref<1x256x128xf32, #tpu.memory_space<vmem>> -> memref<256x128xf32, #tpu.memory_space<vmem>>
      %dma_start3A_1011 = arith.constant 0 : i32
      %dma_start3A_1012 = tpu.memref_slice %arg4[%select_n3A_935, %select_n3A_951, %dma_start3A_1011] : memref<64x2048x128xf32, #tpu.memory_space<hbm>> -> memref<1x256x128xf32, #tpu.memory_space<hbm>>
      %dma_start3A_1013 = tpu.memref_squeeze %dma_start3A_1012 : memref<1x256x128xf32, #tpu.memory_space<hbm>> -> memref<256x128xf32, #tpu.memory_space<hbm>>
      %dma_start3A_1014 = arith.constant 0 : i32
      %dma_start3A_1015 = tpu.memref_slice %arg4[%select_n3A_935, %select_n3A_951, %dma_start3A_1014] : memref<64x2048x128xf32, #tpu.memory_space<hbm>> -> memref<1x256x128xf32, #tpu.memory_space<hbm>>
      %dma_start3A_1016 = tpu.memref_squeeze %dma_start3A_1015 : memref<1x256x128xf32, #tpu.memory_space<hbm>> -> memref<256x128xf32, #tpu.memory_space<hbm>>
      %dma_start3A_1017 = arith.constant 0 : i32
      %dma_start3A_1018 = arith.constant 0 : i32
      %dma_start3A_1019 = tpu.memref_slice %arg7[%run_scoped3A_952, %dma_start3A_1017, %dma_start3A_1018] : memref<2x256x128xf32, #tpu.memory_space<vmem>> -> memref<1x256x128xf32, #tpu.memory_space<vmem>>
      %dma_start3A_1020 = tpu.memref_squeeze %dma_start3A_1019 : memref<1x256x128xf32, #tpu.memory_space<vmem>> -> memref<256x128xf32, #tpu.memory_space<vmem>>
      tpu.enqueue_dma source(%dma_start3A_1020 : memref<256x128xf32, #tpu.memory_space<vmem>>) target(%dma_start3A_1016 : memref<256x128xf32, #tpu.memory_space<hbm>>) target_semaphore(%run_scoped3A_1006 : memref<!tpu.dma_semaphore, #tpu.memory_space<semaphore_mem>>)
      %dma_wait3A_1021 = arith.constant 0 : i32
      %dma_wait3A_1022 = arith.constant 0 : i32
      %dma_wait3A_1023 = tpu.memref_slice %arg7[%run_scoped3A_952, %dma_wait3A_1021, %dma_wait3A_1022] : memref<2x256x128xf32, #tpu.memory_space<vmem>> -> memref<1x256x128xf32, #tpu.memory_space<vmem>>
      %dma_wait3A_1024 = tpu.memref_squeeze %dma_wait3A_1023 : memref<1x256x128xf32, #tpu.memory_space<vmem>> -> memref<256x128xf32, #tpu.memory_space<vmem>>
      %dma_wait3A_1025 = arith.constant 0 : i32
      %dma_wait3A_1026 = tpu.memref_slice %arg4[%select_n3A_935, %select_n3A_951, %dma_wait3A_1025] : memref<64x2048x128xf32, #tpu.memory_space<hbm>> -> memref<1x256x128xf32, #tpu.memory_space<hbm>>
      %dma_wait3A_1027 = tpu.memref_squeeze %dma_wait3A_1026 : memref<1x256x128xf32, #tpu.memory_space<hbm>> -> memref<256x128xf32, #tpu.memory_space<hbm>>
      %dma_wait3A_1028 = arith.constant 0 : i32
      %dma_wait3A_1029 = tpu.memref_slice %arg4[%select_n3A_935, %select_n3A_951, %dma_wait3A_1028] : memref<64x2048x128xf32, #tpu.memory_space<hbm>> -> memref<1x256x128xf32, #tpu.memory_space<hbm>>
      %dma_wait3A_1030 = tpu.memref_squeeze %dma_wait3A_1029 : memref<1x256x128xf32, #tpu.memory_space<hbm>> -> memref<256x128xf32, #tpu.memory_space<hbm>>
      %dma_wait3A_1031 = arith.constant 0 : i32
      %dma_wait3A_1032 = arith.constant 0 : i32
      %dma_wait3A_1033 = tpu.memref_slice %arg7[%run_scoped3A_952, %dma_wait3A_1031, %dma_wait3A_1032] : memref<2x256x128xf32, #tpu.memory_space<vmem>> -> memref<1x256x128xf32, #tpu.memory_space<vmem>>
      %dma_wait3A_1034 = tpu.memref_squeeze %dma_wait3A_1033 : memref<1x256x128xf32, #tpu.memory_space<vmem>> -> memref<256x128xf32, #tpu.memory_space<vmem>>
      tpu.wait_dma2 semaphore(%run_scoped3A_1006 : memref<!tpu.dma_semaphore, #tpu.memory_space<semaphore_mem>>) src(%dma_wait3A_1034 : memref<256x128xf32, #tpu.memory_space<vmem>>) dst(%dma_wait3A_1030 : memref<256x128xf32, #tpu.memory_space<hbm>>)
      tpu.yield
    }) : () -> ()
    %dma_wait3A_953 = arith.constant 1 : i32
    %dma_wait3A_954 = arith.constant 0 : i32
    %dma_wait3A_955 = arith.constant 0 : i32
    %dma_wait3A_956 = tpu.memref_slice %arg7[%dma_wait3A_953, %dma_wait3A_954, %dma_wait3A_955] : memref<2x256x128xf32, #tpu.memory_space<vmem>> -> memref<1x256x128xf32, #tpu.memory_space<vmem>>
    %dma_wait3A_957 = tpu.memref_squeeze %dma_wait3A_956 : memref<1x256x128xf32, #tpu.memory_space<vmem>> -> memref<256x128xf32, #tpu.memory_space<vmem>>
    %dma_wait3A_958 = arith.constant 3840 : i32
    %dma_wait3A_959 = tpu.memref_slice %arg6[%dma_wait3A_958] : memref<4096xi32, #tpu.memory_space<vmem>> -> memref<256xi32, #tpu.memory_space<vmem>>
    %dma_wait3A_960 = arith.constant 0 : i32
    %dma_wait3A_961 = arith.constant 0 : i32
    %dma_wait3A_962 = tpu.memref_slice %arg2[%dma_wait3A_960, %dma_wait3A_961] : memref<8192x128xf32, #tpu.memory_space<hbm>> -> memref<8192x128xf32, #tpu.memory_space<hbm>>
    tpu.wait_indirect_dma semaphore(%arg9 : memref<!tpu.dma_semaphore, #tpu.memory_space<semaphore_mem>>) src(%dma_wait3A_962 : memref<8192x128xf32, #tpu.memory_space<hbm>>) dst(%dma_wait3A_957 : memref<256x128xf32, #tpu.memory_space<vmem>>)
    %add3A_963 = arith.constant 3840 : i32
    %add3A_964 = arith.addi %mul3A_4, %add3A_963 : i32
    %jit3A_965 = arith.constant 2048 : i32
    %div3A_966 = arith.divsi %add3A_964, %jit3A_965 : i32
    %sign3A_967 = arith.constant 0 : i32
    %sign3A_968 = arith.cmpi sgt, %add3A_964, %sign3A_967 : i32
    %sign3A_969 = arith.extui %sign3A_968 : i1 to i32
    %sign3A_970 = arith.constant 0 : i32
    %sign3A_971 = arith.cmpi slt, %add3A_964, %sign3A_970 : i32
    %sign3A_972 = arith.extui %sign3A_971 : i1 to i32
    %sign3A_973 = arith.subi %sign3A_969, %sign3A_972 : i32
    %sign3A_974 = arith.constant 0 : i32
    %sign3A_975 = arith.cmpi sgt, %jit3A_965, %sign3A_974 : i32
    %sign3A_976 = arith.extui %sign3A_975 : i1 to i32
    %sign3A_977 = arith.constant 0 : i32
    %sign3A_978 = arith.cmpi slt, %jit3A_965, %sign3A_977 : i32
    %sign3A_979 = arith.extui %sign3A_978 : i1 to i32
    %sign3A_980 = arith.subi %sign3A_976, %sign3A_979 : i32
    %ne3A_981 = arith.cmpi ne, %sign3A_973, %sign3A_980 : i32
    %rem3A_982 = arith.remsi %add3A_964, %jit3A_965 : i32
    %ne3A_983 = arith.constant 0 : i32
    %ne3A_984 = arith.cmpi ne, %rem3A_982, %ne3A_983 : i32
    %and3A_985 = arith.andi %ne3A_981, %ne3A_984 : i1
    %sub3A_986 = arith.constant 1 : i32
    %sub3A_987 = arith.subi %div3A_966, %sub3A_986 : i32
    %select_n3A_988 = arith.select %and3A_985, %sub3A_987, %div3A_966 : i32
    %jit3A_989 = arith.constant 2048 : i32
    %eq3A_990 = arith.constant 0 : i32
    %eq3A_991 = arith.cmpi eq, %jit3A_989, %eq3A_990 : i32
    %jit3A_992 = arith.constant 1 : i32
    %select_n3A_993 = arith.select %eq3A_991, %jit3A_992, %jit3A_989 : i32
    %rem3A_994 = arith.remsi %add3A_964, %select_n3A_993 : i32
    %ne3A_995 = arith.constant 0 : i32
    %ne3A_996 = arith.cmpi ne, %rem3A_994, %ne3A_995 : i32
    %lt3A_997 = arith.constant 0 : i32
    %lt3A_998 = arith.cmpi slt, %rem3A_994, %lt3A_997 : i32
    %lt3A_999 = arith.constant 0 : i32
    %lt3A_1000 = arith.cmpi slt, %select_n3A_993, %lt3A_999 : i32
    %ne3A_1001 = arith.xori %lt3A_998, %lt3A_1000 : i1
    %and3A_1002 = arith.andi %ne3A_1001, %ne3A_996 : i1
    %add3A_1003 = arith.addi %rem3A_994, %select_n3A_993 : i32
    %select_n3A_1004 = arith.select %and3A_1002, %add3A_1003, %rem3A_994 : i32
    %run_scoped3A_1005 = arith.constant 1 : i32
    "tpu.region"() ({
      %run_scoped3A_1006 = tpu.sem_alloc : memref<!tpu.dma_semaphore, #tpu.memory_space<semaphore_mem>>
      %dma_start3A_1007 = arith.constant 0 : i32
      %dma_start3A_1008 = arith.constant 0 : i32
      %dma_start3A_1009 = tpu.memref_slice %arg7[%run_scoped3A_1005, %dma_start3A_1007, %dma_start3A_1008] : memref<2x256x128xf32, #tpu.memory_space<vmem>> -> memref<1x256x128xf32, #tpu.memory_space<vmem>>
      %dma_start3A_1010 = tpu.memref_squeeze %dma_start3A_1009 : memref<1x256x128xf32, #tpu.memory_space<vmem>> -> memref<256x128xf32, #tpu.memory_space<vmem>>
      %dma_start3A_1011 = arith.constant 0 : i32
      %dma_start3A_1012 = tpu.memref_slice %arg4[%select_n3A_988, %select_n3A_1004, %dma_start3A_1011] : memref<64x2048x128xf32, #tpu.memory_space<hbm>> -> memref<1x256x128xf32, #tpu.memory_space<hbm>>
      %dma_start3A_1013 = tpu.memref_squeeze %dma_start3A_1012 : memref<1x256x128xf32, #tpu.memory_space<hbm>> -> memref<256x128xf32, #tpu.memory_space<hbm>>
      %dma_start3A_1014 = arith.constant 0 : i32
      %dma_start3A_1015 = tpu.memref_slice %arg4[%select_n3A_988, %select_n3A_1004, %dma_start3A_1014] : memref<64x2048x128xf32, #tpu.memory_space<hbm>> -> memref<1x256x128xf32, #tpu.memory_space<hbm>>
      %dma_start3A_1016 = tpu.memref_squeeze %dma_start3A_1015 : memref<1x256x128xf32, #tpu.memory_space<hbm>> -> memref<256x128xf32, #tpu.memory_space<hbm>>
      %dma_start3A_1017 = arith.constant 0 : i32
      %dma_start3A_1018 = arith.constant 0 : i32
      %dma_start3A_1019 = tpu.memref_slice %arg7[%run_scoped3A_1005, %dma_start3A_1017, %dma_start3A_1018] : memref<2x256x128xf32, #tpu.memory_space<vmem>> -> memref<1x256x128xf32, #tpu.memory_space<vmem>>
      %dma_start3A_1020 = tpu.memref_squeeze %dma_start3A_1019 : memref<1x256x128xf32, #tpu.memory_space<vmem>> -> memref<256x128xf32, #tpu.memory_space<vmem>>
      tpu.enqueue_dma source(%dma_start3A_1020 : memref<256x128xf32, #tpu.memory_space<vmem>>) target(%dma_start3A_1016 : memref<256x128xf32, #tpu.memory_space<hbm>>) target_semaphore(%run_scoped3A_1006 : memref<!tpu.dma_semaphore, #tpu.memory_space<semaphore_mem>>)
      %dma_wait3A_1021 = arith.constant 0 : i32
      %dma_wait3A_1022 = arith.constant 0 : i32
      %dma_wait3A_1023 = tpu.memref_slice %arg7[%run_scoped3A_1005, %dma_wait3A_1021, %dma_wait3A_1022] : memref<2x256x128xf32, #tpu.memory_space<vmem>> -> memref<1x256x128xf32, #tpu.memory_space<vmem>>
      %dma_wait3A_1024 = tpu.memref_squeeze %dma_wait3A_1023 : memref<1x256x128xf32, #tpu.memory_space<vmem>> -> memref<256x128xf32, #tpu.memory_space<vmem>>
      %dma_wait3A_1025 = arith.constant 0 : i32
      %dma_wait3A_1026 = tpu.memref_slice %arg4[%select_n3A_988, %select_n3A_1004, %dma_wait3A_1025] : memref<64x2048x128xf32, #tpu.memory_space<hbm>> -> memref<1x256x128xf32, #tpu.memory_space<hbm>>
      %dma_wait3A_1027 = tpu.memref_squeeze %dma_wait3A_1026 : memref<1x256x128xf32, #tpu.memory_space<hbm>> -> memref<256x128xf32, #tpu.memory_space<hbm>>
      %dma_wait3A_1028 = arith.constant 0 : i32
      %dma_wait3A_1029 = tpu.memref_slice %arg4[%select_n3A_988, %select_n3A_1004, %dma_wait3A_1028] : memref<64x2048x128xf32, #tpu.memory_space<hbm>> -> memref<1x256x128xf32, #tpu.memory_space<hbm>>
      %dma_wait3A_1030 = tpu.memref_squeeze %dma_wait3A_1029 : memref<1x256x128xf32, #tpu.memory_space<hbm>> -> memref<256x128xf32, #tpu.memory_space<hbm>>
      %dma_wait3A_1031 = arith.constant 0 : i32
      %dma_wait3A_1032 = arith.constant 0 : i32
      %dma_wait3A_1033 = tpu.memref_slice %arg7[%run_scoped3A_1005, %dma_wait3A_1031, %dma_wait3A_1032] : memref<2x256x128xf32, #tpu.memory_space<vmem>> -> memref<1x256x128xf32, #tpu.memory_space<vmem>>
      %dma_wait3A_1034 = tpu.memref_squeeze %dma_wait3A_1033 : memref<1x256x128xf32, #tpu.memory_space<vmem>> -> memref<256x128xf32, #tpu.memory_space<vmem>>
      tpu.wait_dma2 semaphore(%run_scoped3A_1006 : memref<!tpu.dma_semaphore, #tpu.memory_space<semaphore_mem>>) src(%dma_wait3A_1034 : memref<256x128xf32, #tpu.memory_space<vmem>>) dst(%dma_wait3A_1030 : memref<256x128xf32, #tpu.memory_space<hbm>>)
      tpu.yield
    }) : () -> ()
    return
  }
}

module attributes {stable_mosaic.version = 14 : i64} {
  func.func @_pre_body(%arg0: i32, %arg1: memref<1x128x2048xf32, #tpu.memory_space<vmem>>, %arg2: memref<128x128xf32, #tpu.memory_space<vmem>>, %arg3: memref<1x128xf32, #tpu.memory_space<vmem>>, %arg4: memref<1x2048x128xf32, #tpu.memory_space<vmem>>, %arg5: memref<1x1x2048xf32, #tpu.memory_space<vmem>>) attributes {dimension_semantics = [#tpu.dimension_semantics<arbitrary>], iteration_bounds = array<i64: 4>, scalar_prefetch = 0 : i64, scratch_operands = 0 : i64, tpu.core_type = #tpu.core_type<tc>, window_params = [{transform_indices = @transform_0, window_bounds = array<i64: 1, 128, 2048>}, {pipeline_mode = #tpu.pipeline_mode<synchronous>, transform_indices = @transform_1, window_bounds = array<i64: 128, 128>}, {pipeline_mode = #tpu.pipeline_mode<synchronous>, transform_indices = @transform_2, window_bounds = array<i64: 1, 128>}, {transform_indices = @transform_3, window_bounds = array<i64: 1, 2048, 128>}, {transform_indices = @transform_4, window_bounds = array<i64: 1, 1, 2048>}]} {
    %get3A = arith.constant 0 : index
    %get3A_0 = arith.constant 0 : index
    %get3A_1 = arith.constant 0 : index
    %get3A_2 = vector.load %arg1[%get3A, %get3A_0, %get3A_1] : memref<1x128x2048xf32, #tpu.memory_space<vmem>>, vector<1x128x2048xf32>
    %get3A_3 = vector.shape_cast %get3A_2 : vector<1x128x2048xf32> to vector<128x2048xf32>
    %get3A_4 = arith.constant 0 : index
    %get3A_5 = arith.constant 0 : index
    %get3A_6 = vector.load %arg2[%get3A_4, %get3A_5] : memref<128x128xf32, #tpu.memory_space<vmem>>, vector<128x128xf32>
    %dot_general3A = arith.constant dense<0.000000e+00> : vector<2048x128xf32>
    %dot_general3A_7 = tpu.matmul %get3A_3, %get3A_6, %dot_general3A {dimension_numbers = #tpu.dot_dimension_numbers<[0], [1], [1], [0], [0, 1, 1, 0], [], []>, precision = #tpu.contract_precision<fp32>, transpose_lhs_hint = false} : vector<128x2048xf32>, vector<128x128xf32>, vector<2048x128xf32> -> vector<2048x128xf32>
    %get3A_8 = arith.constant 0 : index
    %get3A_9 = arith.constant 0 : index
    %get3A_10 = vector.load %arg3[%get3A_8, %get3A_9] : memref<1x128xf32, #tpu.memory_space<vmem>>, vector<1x128xf32>
    %add3A = vector.broadcast %get3A_10 : vector<1x128xf32> to vector<2048x128xf32>
    %add3A_11 = arith.addf %dot_general3A_7, %add3A : vector<2048x128xf32>
    %swap3A = arith.constant 0 : index
    %swap3A_12 = arith.constant 0 : index
    %swap3A_13 = arith.constant 0 : index
    %swap3A_14 = vector.load %arg4[%swap3A, %swap3A_12, %swap3A_13] : memref<1x2048x128xf32, #tpu.memory_space<vmem>>, vector<1x2048x128xf32>
    %swap3A_15 = vector.shape_cast %swap3A_14 : vector<1x2048x128xf32> to vector<2048x128xf32>
    %swap3A_16 = vector.shape_cast %add3A_11 : vector<2048x128xf32> to vector<1x2048x128xf32>
    tpu.vector_store %arg4[%swap3A, %swap3A_12, %swap3A_13], %swap3A_16 {strides = array<i32>} : memref<1x2048x128xf32, #tpu.memory_space<vmem>>, vector<1x2048x128xf32>,
    %mul3A = arith.mulf %get3A_3, %get3A_3 : vector<128x2048xf32>
    %reduce_sum3A = arith.constant dense<0.000000e+00> : vector<2048xf32>
    %reduce_sum3A_17 = vector.multi_reduction <add>, %mul3A, %reduce_sum3A [0] : vector<128x2048xf32> to vector<2048xf32>
    %broadcast_in_dim3A = vector.shape_cast %reduce_sum3A_17 : vector<2048xf32> to vector<1x2048xf32>
    %swap3A_18 = arith.constant 0 : index
    %swap3A_19 = arith.constant 0 : index
    %swap3A_20 = arith.constant 0 : index
    %swap3A_21 = vector.load %arg5[%swap3A_18, %swap3A_19, %swap3A_20] : memref<1x1x2048xf32, #tpu.memory_space<vmem>>, vector<1x1x2048xf32>
    %swap3A_22 = vector.shape_cast %swap3A_21 : vector<1x1x2048xf32> to vector<1x2048xf32>
    %swap3A_23 = vector.shape_cast %broadcast_in_dim3A : vector<1x2048xf32> to vector<1x1x2048xf32>
    tpu.vector_store %arg5[%swap3A_18, %swap3A_19, %swap3A_20], %swap3A_23 {strides = array<i32>} : memref<1x1x2048xf32, #tpu.memory_space<vmem>>, vector<1x1x2048xf32>,
    return
  }
  func.func @transform_0(%arg0: i32) -> (i32, i32, i32) {
    %c0_i32 = arith.constant 0 : i32
    %c0_i32_0 = arith.constant 0 : i32
    %c0_i32_1 = arith.constant 0 : i32
    return %arg0, %c0_i32, %c0_i32_0 : i32, i32, i32
  }
  func.func @transform_1(%arg0: i32) -> (i32, i32) {
    %c0_i32 = arith.constant 0 : i32
    %c0_i32_0 = arith.constant 0 : i32
    %c0_i32_1 = arith.constant 0 : i32
    return %c0_i32, %c0_i32_0 : i32, i32
  }
  func.func @transform_2(%arg0: i32) -> (i32, i32) {
    %c0_i32 = arith.constant 0 : i32
    %c0_i32_0 = arith.constant 0 : i32
    %c0_i32_1 = arith.constant 0 : i32
    return %c0_i32, %c0_i32_0 : i32, i32
  }
  func.func @transform_3(%arg0: i32) -> (i32, i32, i32) {
    %c0_i32 = arith.constant 0 : i32
    %c0_i32_0 = arith.constant 0 : i32
    %c0_i32_1 = arith.constant 0 : i32
    return %arg0, %c0_i32, %c0_i32_0 : i32, i32, i32
  }
  func.func @transform_4(%arg0: i32) -> (i32, i32, i32) {
    %c0_i32 = arith.constant 0 : i32
    %c0_i32_0 = arith.constant 0 : i32
    %c0_i32_1 = arith.constant 0 : i32
    return %arg0, %c0_i32, %c0_i32_0 : i32, i32, i32
  }
}

module attributes {stable_mosaic.version = 14 : i64} {
  func.func @_knn_body(%arg0: i32, %arg1: i32, %arg2: memref<1x128x256xf32, #tpu.memory_space<vmem>>, %arg3: memref<1x128x2048xf32, #tpu.memory_space<vmem>>, %arg4: memref<1x1x2048xf32, #tpu.memory_space<vmem>>, %arg5: memref<1x256x16xi32, #tpu.memory_space<vmem>>) attributes {dimension_semantics = [#tpu.dimension_semantics<arbitrary>, #tpu.dimension_semantics<arbitrary>], iteration_bounds = array<i64: 4, 8>, scalar_prefetch = 0 : i64, scratch_operands = 0 : i64, tpu.core_type = #tpu.core_type<tc>, window_params = [{transform_indices = @transform_0, window_bounds = array<i64: 1, 128, 256>}, {transform_indices = @transform_1, window_bounds = array<i64: 1, 128, 2048>}, {transform_indices = @transform_2, window_bounds = array<i64: 1, 1, 2048>}, {transform_indices = @transform_3, window_bounds = array<i64: 1, 256, 16>}]} {
    %get3A = arith.constant 0 : index
    %get3A_0 = arith.constant 0 : index
    %get3A_1 = arith.constant 0 : index
    %get3A_2 = vector.load %arg2[%get3A, %get3A_0, %get3A_1] : memref<1x128x256xf32, #tpu.memory_space<vmem>>, vector<1x128x256xf32>
    %get3A_3 = vector.shape_cast %get3A_2 : vector<1x128x256xf32> to vector<128x256xf32>
    %get3A_4 = arith.constant 0 : index
    %get3A_5 = arith.constant 0 : index
    %get3A_6 = arith.constant 0 : index
    %get3A_7 = vector.load %arg3[%get3A_4, %get3A_5, %get3A_6] : memref<1x128x2048xf32, #tpu.memory_space<vmem>>, vector<1x128x2048xf32>
    %get3A_8 = vector.shape_cast %get3A_7 : vector<1x128x2048xf32> to vector<128x2048xf32>
    %convert_element_type3A = arith.truncf %get3A_3 : vector<128x256xf32> to vector<128x256xbf16>
    %convert_element_type3A_9 = arith.truncf %get3A_8 : vector<128x2048xf32> to vector<128x2048xbf16>
    %dot_general3A = arith.constant dense<0.000000e+00> : vector<256x2048xf32>
    %dot_general3A_10 = tpu.matmul %convert_element_type3A, %convert_element_type3A_9, %dot_general3A {dimension_numbers = #tpu.dot_dimension_numbers<[0], [0], [1], [1], [0, 1, 1, 1], [], []>, transpose_lhs_hint = false} : vector<128x256xbf16>, vector<128x2048xbf16>, vector<256x2048xf32> -> vector<256x2048xf32>
    %broadcast_in_dim3A = arith.constant 1.000000e+00 : f32
    %broadcast_in_dim3A_11 = vector.broadcast %broadcast_in_dim3A : f32 to vector<128x1xf32>
    %mul3A = arith.mulf %get3A_3, %get3A_3 : vector<128x256xf32>
    %dot_general3A_12 = arith.constant dense<0.000000e+00> : vector<256x1xf32>
    %dot_general3A_13 = tpu.matmul %mul3A, %broadcast_in_dim3A_11, %dot_general3A_12 {dimension_numbers = #tpu.dot_dimension_numbers<[0], [0], [1], [1], [0, 1, 1, 1], [], []>, precision = #tpu.contract_precision<fp32>, transpose_lhs_hint = false} : vector<128x256xf32>, vector<128x1xf32>, vector<256x1xf32> -> vector<256x1xf32>
    %get3A_14 = arith.constant 0 : index
    %get3A_15 = arith.constant 0 : index
    %get3A_16 = arith.constant 0 : index
    %get3A_17 = vector.load %arg4[%get3A_14, %get3A_15, %get3A_16] : memref<1x1x2048xf32, #tpu.memory_space<vmem>>, vector<1x1x2048xf32>
    %get3A_18 = vector.shape_cast %get3A_17 : vector<1x1x2048xf32> to vector<1x2048xf32>
    %neg3A = arith.constant 0.000000e+00 : f32
    %neg3A_19 = vector.broadcast %neg3A : f32 to vector<1x2048xf32>
    %neg3A_20 = arith.subf %neg3A_19, %get3A_18 : vector<1x2048xf32>
    %mul3A_21 = arith.constant -2.000000e+00 : f32
    %mul3A_22 = vector.broadcast %mul3A_21 : f32 to vector<256x2048xf32>
    %mul3A_23 = arith.mulf %mul3A_22, %dot_general3A_10 : vector<256x2048xf32>
    %sub3A = vector.broadcast %neg3A_20 : vector<1x2048xf32> to vector<256x2048xf32>
    %sub3A_24 = arith.subf %sub3A, %mul3A_23 : vector<256x2048xf32>
    %sub3A_25 = vector.broadcast %dot_general3A_13 : vector<256x1xf32> to vector<256x2048xf32>
    %sub3A_26 = arith.subf %sub3A_24, %sub3A_25 : vector<256x2048xf32>
    %iota3A = tpu.iota {dimensions = array<i32: 1>} : vector<256x2048xi32>
    %mul3A_27 = arith.constant 2048 : i32
    %mul3A_28 = arith.muli %arg0, %mul3A_27 : i32
    %reduce_max3A = arith.constant dense<0xFF800000> : vector<256xf32>
    %reduce_max3A_29 = vector.multi_reduction <maximumf>, %sub3A_26, %reduce_max3A [1] : vector<256x2048xf32> to vector<256xf32>
    %broadcast_in_dim3A_30 = vector.shape_cast %reduce_max3A_29 : vector<256xf32> to vector<256x1xf32>
    %eq3A = vector.broadcast %broadcast_in_dim3A_30 : vector<256x1xf32> to vector<256x2048xf32>
    %eq3A_31 = arith.cmpf oeq, %sub3A_26, %eq3A : vector<256x2048xf32>
    %jit3A = arith.constant 2048 : i32
    %broadcast_in_dim3A_32 = vector.broadcast %jit3A : i32 to vector<256x2048xi32>
    %select_n3A = arith.select %eq3A_31, %iota3A, %broadcast_in_dim3A_32 : vector<256x2048xi1>, vector<256x2048xi32>
    %reduce_min3A = arith.constant dense<2147483647> : vector<256xi32>
    %reduce_min3A_33 = vector.multi_reduction <minsi>, %select_n3A, %reduce_min3A [1] : vector<256x2048xi32> to vector<256xi32>
    %broadcast_in_dim3A_34 = vector.shape_cast %reduce_min3A_33 : vector<256xi32> to vector<256x1xi32>
    %add3A = vector.broadcast %mul3A_28 : i32 to vector<256x1xi32>
    %add3A_35 = arith.addi %broadcast_in_dim3A_34, %add3A : vector<256x1xi32>
    %eq3A_36 = vector.broadcast %broadcast_in_dim3A_34 : vector<256x1xi32> to vector<256x2048xi32>
    %eq3A_37 = arith.cmpi eq, %iota3A, %eq3A_36 : vector<256x2048xi32>
    %jit3A_38 = arith.constant 0xFF800000 : f32
    %broadcast_in_dim3A_39 = vector.broadcast %jit3A_38 : f32 to vector<256x2048xf32>
    %select_n3A_40 = arith.select %eq3A_37, %broadcast_in_dim3A_39, %sub3A_26 : vector<256x2048xi1>, vector<256x2048xf32>
    %reduce_max3A_41 = arith.constant dense<0xFF800000> : vector<256xf32>
    %reduce_max3A_42 = vector.multi_reduction <maximumf>, %select_n3A_40, %reduce_max3A_41 [1] : vector<256x2048xf32> to vector<256xf32>
    %broadcast_in_dim3A_43 = vector.shape_cast %reduce_max3A_42 : vector<256xf32> to vector<256x1xf32>
    %eq3A_44 = vector.broadcast %broadcast_in_dim3A_43 : vector<256x1xf32> to vector<256x2048xf32>
    %eq3A_45 = arith.cmpf oeq, %select_n3A_40, %eq3A_44 : vector<256x2048xf32>
    %jit3A_46 = arith.constant 2048 : i32
    %broadcast_in_dim3A_47 = vector.broadcast %jit3A_46 : i32 to vector<256x2048xi32>
    %select_n3A_48 = arith.select %eq3A_45, %iota3A, %broadcast_in_dim3A_47 : vector<256x2048xi1>, vector<256x2048xi32>
    %reduce_min3A_49 = arith.constant dense<2147483647> : vector<256xi32>
    %reduce_min3A_50 = vector.multi_reduction <minsi>, %select_n3A_48, %reduce_min3A_49 [1] : vector<256x2048xi32> to vector<256xi32>
    %broadcast_in_dim3A_51 = vector.shape_cast %reduce_min3A_50 : vector<256xi32> to vector<256x1xi32>
    %add3A_52 = vector.broadcast %mul3A_28 : i32 to vector<256x1xi32>
    %add3A_53 = arith.addi %broadcast_in_dim3A_51, %add3A_52 : vector<256x1xi32>
    %eq3A_54 = vector.broadcast %broadcast_in_dim3A_51 : vector<256x1xi32> to vector<256x2048xi32>
    %eq3A_55 = arith.cmpi eq, %iota3A, %eq3A_54 : vector<256x2048xi32>
    %jit3A_56 = arith.constant 0xFF800000 : f32
    %broadcast_in_dim3A_57 = vector.broadcast %jit3A_56 : f32 to vector<256x2048xf32>
    %select_n3A_58 = arith.select %eq3A_55, %broadcast_in_dim3A_57, %select_n3A_40 : vector<256x2048xi1>, vector<256x2048xf32>
    %reduce_max3A_59 = arith.constant dense<0xFF800000> : vector<256xf32>
    %reduce_max3A_60 = vector.multi_reduction <maximumf>, %select_n3A_58, %reduce_max3A_59 [1] : vector<256x2048xf32> to vector<256xf32>
    %broadcast_in_dim3A_61 = vector.shape_cast %reduce_max3A_60 : vector<256xf32> to vector<256x1xf32>
    %eq3A_62 = vector.broadcast %broadcast_in_dim3A_61 : vector<256x1xf32> to vector<256x2048xf32>
    %eq3A_63 = arith.cmpf oeq, %select_n3A_58, %eq3A_62 : vector<256x2048xf32>
    %jit3A_64 = arith.constant 2048 : i32
    %broadcast_in_dim3A_65 = vector.broadcast %jit3A_64 : i32 to vector<256x2048xi32>
    %select_n3A_66 = arith.select %eq3A_63, %iota3A, %broadcast_in_dim3A_65 : vector<256x2048xi1>, vector<256x2048xi32>
    %reduce_min3A_67 = arith.constant dense<2147483647> : vector<256xi32>
    %reduce_min3A_68 = vector.multi_reduction <minsi>, %select_n3A_66, %reduce_min3A_67 [1] : vector<256x2048xi32> to vector<256xi32>
    %broadcast_in_dim3A_69 = vector.shape_cast %reduce_min3A_68 : vector<256xi32> to vector<256x1xi32>
    %add3A_70 = vector.broadcast %mul3A_28 : i32 to vector<256x1xi32>
    %add3A_71 = arith.addi %broadcast_in_dim3A_69, %add3A_70 : vector<256x1xi32>
    %eq3A_72 = vector.broadcast %broadcast_in_dim3A_69 : vector<256x1xi32> to vector<256x2048xi32>
    %eq3A_73 = arith.cmpi eq, %iota3A, %eq3A_72 : vector<256x2048xi32>
    %jit3A_74 = arith.constant 0xFF800000 : f32
    %broadcast_in_dim3A_75 = vector.broadcast %jit3A_74 : f32 to vector<256x2048xf32>
    %select_n3A_76 = arith.select %eq3A_73, %broadcast_in_dim3A_75, %select_n3A_58 : vector<256x2048xi1>, vector<256x2048xf32>
    %reduce_max3A_77 = arith.constant dense<0xFF800000> : vector<256xf32>
    %reduce_max3A_78 = vector.multi_reduction <maximumf>, %select_n3A_76, %reduce_max3A_77 [1] : vector<256x2048xf32> to vector<256xf32>
    %broadcast_in_dim3A_79 = vector.shape_cast %reduce_max3A_78 : vector<256xf32> to vector<256x1xf32>
    %eq3A_80 = vector.broadcast %broadcast_in_dim3A_79 : vector<256x1xf32> to vector<256x2048xf32>
    %eq3A_81 = arith.cmpf oeq, %select_n3A_76, %eq3A_80 : vector<256x2048xf32>
    %jit3A_82 = arith.constant 2048 : i32
    %broadcast_in_dim3A_83 = vector.broadcast %jit3A_82 : i32 to vector<256x2048xi32>
    %select_n3A_84 = arith.select %eq3A_81, %iota3A, %broadcast_in_dim3A_83 : vector<256x2048xi1>, vector<256x2048xi32>
    %reduce_min3A_85 = arith.constant dense<2147483647> : vector<256xi32>
    %reduce_min3A_86 = vector.multi_reduction <minsi>, %select_n3A_84, %reduce_min3A_85 [1] : vector<256x2048xi32> to vector<256xi32>
    %broadcast_in_dim3A_87 = vector.shape_cast %reduce_min3A_86 : vector<256xi32> to vector<256x1xi32>
    %add3A_88 = vector.broadcast %mul3A_28 : i32 to vector<256x1xi32>
    %add3A_89 = arith.addi %broadcast_in_dim3A_87, %add3A_88 : vector<256x1xi32>
    %eq3A_90 = vector.broadcast %broadcast_in_dim3A_87 : vector<256x1xi32> to vector<256x2048xi32>
    %eq3A_91 = arith.cmpi eq, %iota3A, %eq3A_90 : vector<256x2048xi32>
    %jit3A_92 = arith.constant 0xFF800000 : f32
    %broadcast_in_dim3A_93 = vector.broadcast %jit3A_92 : f32 to vector<256x2048xf32>
    %select_n3A_94 = arith.select %eq3A_91, %broadcast_in_dim3A_93, %select_n3A_76 : vector<256x2048xi1>, vector<256x2048xf32>
    %reduce_max3A_95 = arith.constant dense<0xFF800000> : vector<256xf32>
    %reduce_max3A_96 = vector.multi_reduction <maximumf>, %select_n3A_94, %reduce_max3A_95 [1] : vector<256x2048xf32> to vector<256xf32>
    %broadcast_in_dim3A_97 = vector.shape_cast %reduce_max3A_96 : vector<256xf32> to vector<256x1xf32>
    %eq3A_98 = vector.broadcast %broadcast_in_dim3A_97 : vector<256x1xf32> to vector<256x2048xf32>
    %eq3A_99 = arith.cmpf oeq, %select_n3A_94, %eq3A_98 : vector<256x2048xf32>
    %jit3A_100 = arith.constant 2048 : i32
    %broadcast_in_dim3A_101 = vector.broadcast %jit3A_100 : i32 to vector<256x2048xi32>
    %select_n3A_102 = arith.select %eq3A_99, %iota3A, %broadcast_in_dim3A_101 : vector<256x2048xi1>, vector<256x2048xi32>
    %reduce_min3A_103 = arith.constant dense<2147483647> : vector<256xi32>
    %reduce_min3A_104 = vector.multi_reduction <minsi>, %select_n3A_102, %reduce_min3A_103 [1] : vector<256x2048xi32> to vector<256xi32>
    %broadcast_in_dim3A_105 = vector.shape_cast %reduce_min3A_104 : vector<256xi32> to vector<256x1xi32>
    %add3A_106 = vector.broadcast %mul3A_28 : i32 to vector<256x1xi32>
    %add3A_107 = arith.addi %broadcast_in_dim3A_105, %add3A_106 : vector<256x1xi32>
    %eq3A_108 = vector.broadcast %broadcast_in_dim3A_105 : vector<256x1xi32> to vector<256x2048xi32>
    %eq3A_109 = arith.cmpi eq, %iota3A, %eq3A_108 : vector<256x2048xi32>
    %jit3A_110 = arith.constant 0xFF800000 : f32
    %broadcast_in_dim3A_111 = vector.broadcast %jit3A_110 : f32 to vector<256x2048xf32>
    %select_n3A_112 = arith.select %eq3A_109, %broadcast_in_dim3A_111, %select_n3A_94 : vector<256x2048xi1>, vector<256x2048xf32>
    %reduce_max3A_113 = arith.constant dense<0xFF800000> : vector<256xf32>
    %reduce_max3A_114 = vector.multi_reduction <maximumf>, %select_n3A_112, %reduce_max3A_113 [1] : vector<256x2048xf32> to vector<256xf32>
    %broadcast_in_dim3A_115 = vector.shape_cast %reduce_max3A_114 : vector<256xf32> to vector<256x1xf32>
    %eq3A_116 = vector.broadcast %broadcast_in_dim3A_115 : vector<256x1xf32> to vector<256x2048xf32>
    %eq3A_117 = arith.cmpf oeq, %select_n3A_112, %eq3A_116 : vector<256x2048xf32>
    %jit3A_118 = arith.constant 2048 : i32
    %broadcast_in_dim3A_119 = vector.broadcast %jit3A_118 : i32 to vector<256x2048xi32>
    %select_n3A_120 = arith.select %eq3A_117, %iota3A, %broadcast_in_dim3A_119 : vector<256x2048xi1>, vector<256x2048xi32>
    %reduce_min3A_121 = arith.constant dense<2147483647> : vector<256xi32>
    %reduce_min3A_122 = vector.multi_reduction <minsi>, %select_n3A_120, %reduce_min3A_121 [1] : vector<256x2048xi32> to vector<256xi32>
    %broadcast_in_dim3A_123 = vector.shape_cast %reduce_min3A_122 : vector<256xi32> to vector<256x1xi32>
    %add3A_124 = vector.broadcast %mul3A_28 : i32 to vector<256x1xi32>
    %add3A_125 = arith.addi %broadcast_in_dim3A_123, %add3A_124 : vector<256x1xi32>
    %eq3A_126 = vector.broadcast %broadcast_in_dim3A_123 : vector<256x1xi32> to vector<256x2048xi32>
    %eq3A_127 = arith.cmpi eq, %iota3A, %eq3A_126 : vector<256x2048xi32>
    %jit3A_128 = arith.constant 0xFF800000 : f32
    %broadcast_in_dim3A_129 = vector.broadcast %jit3A_128 : f32 to vector<256x2048xf32>
    %select_n3A_130 = arith.select %eq3A_127, %broadcast_in_dim3A_129, %select_n3A_112 : vector<256x2048xi1>, vector<256x2048xf32>
    %reduce_max3A_131 = arith.constant dense<0xFF800000> : vector<256xf32>
    %reduce_max3A_132 = vector.multi_reduction <maximumf>, %select_n3A_130, %reduce_max3A_131 [1] : vector<256x2048xf32> to vector<256xf32>
    %broadcast_in_dim3A_133 = vector.shape_cast %reduce_max3A_132 : vector<256xf32> to vector<256x1xf32>
    %eq3A_134 = vector.broadcast %broadcast_in_dim3A_133 : vector<256x1xf32> to vector<256x2048xf32>
    %eq3A_135 = arith.cmpf oeq, %select_n3A_130, %eq3A_134 : vector<256x2048xf32>
    %jit3A_136 = arith.constant 2048 : i32
    %broadcast_in_dim3A_137 = vector.broadcast %jit3A_136 : i32 to vector<256x2048xi32>
    %select_n3A_138 = arith.select %eq3A_135, %iota3A, %broadcast_in_dim3A_137 : vector<256x2048xi1>, vector<256x2048xi32>
    %reduce_min3A_139 = arith.constant dense<2147483647> : vector<256xi32>
    %reduce_min3A_140 = vector.multi_reduction <minsi>, %select_n3A_138, %reduce_min3A_139 [1] : vector<256x2048xi32> to vector<256xi32>
    %broadcast_in_dim3A_141 = vector.shape_cast %reduce_min3A_140 : vector<256xi32> to vector<256x1xi32>
    %add3A_142 = vector.broadcast %mul3A_28 : i32 to vector<256x1xi32>
    %add3A_143 = arith.addi %broadcast_in_dim3A_141, %add3A_142 : vector<256x1xi32>
    %eq3A_144 = vector.broadcast %broadcast_in_dim3A_141 : vector<256x1xi32> to vector<256x2048xi32>
    %eq3A_145 = arith.cmpi eq, %iota3A, %eq3A_144 : vector<256x2048xi32>
    %jit3A_146 = arith.constant 0xFF800000 : f32
    %broadcast_in_dim3A_147 = vector.broadcast %jit3A_146 : f32 to vector<256x2048xf32>
    %select_n3A_148 = arith.select %eq3A_145, %broadcast_in_dim3A_147, %select_n3A_130 : vector<256x2048xi1>, vector<256x2048xf32>
    %reduce_max3A_149 = arith.constant dense<0xFF800000> : vector<256xf32>
    %reduce_max3A_150 = vector.multi_reduction <maximumf>, %select_n3A_148, %reduce_max3A_149 [1] : vector<256x2048xf32> to vector<256xf32>
    %broadcast_in_dim3A_151 = vector.shape_cast %reduce_max3A_150 : vector<256xf32> to vector<256x1xf32>
    %eq3A_152 = vector.broadcast %broadcast_in_dim3A_151 : vector<256x1xf32> to vector<256x2048xf32>
    %eq3A_153 = arith.cmpf oeq, %select_n3A_148, %eq3A_152 : vector<256x2048xf32>
    %jit3A_154 = arith.constant 2048 : i32
    %broadcast_in_dim3A_155 = vector.broadcast %jit3A_154 : i32 to vector<256x2048xi32>
    %select_n3A_156 = arith.select %eq3A_153, %iota3A, %broadcast_in_dim3A_155 : vector<256x2048xi1>, vector<256x2048xi32>
    %reduce_min3A_157 = arith.constant dense<2147483647> : vector<256xi32>
    %reduce_min3A_158 = vector.multi_reduction <minsi>, %select_n3A_156, %reduce_min3A_157 [1] : vector<256x2048xi32> to vector<256xi32>
    %broadcast_in_dim3A_159 = vector.shape_cast %reduce_min3A_158 : vector<256xi32> to vector<256x1xi32>
    %add3A_160 = vector.broadcast %mul3A_28 : i32 to vector<256x1xi32>
    %add3A_161 = arith.addi %broadcast_in_dim3A_159, %add3A_160 : vector<256x1xi32>
    %eq3A_162 = vector.broadcast %broadcast_in_dim3A_159 : vector<256x1xi32> to vector<256x2048xi32>
    %eq3A_163 = arith.cmpi eq, %iota3A, %eq3A_162 : vector<256x2048xi32>
    %jit3A_164 = arith.constant 0xFF800000 : f32
    %broadcast_in_dim3A_165 = vector.broadcast %jit3A_164 : f32 to vector<256x2048xf32>
    %select_n3A_166 = arith.select %eq3A_163, %broadcast_in_dim3A_165, %select_n3A_148 : vector<256x2048xi1>, vector<256x2048xf32>
    %reduce_max3A_167 = arith.constant dense<0xFF800000> : vector<256xf32>
    %reduce_max3A_168 = vector.multi_reduction <maximumf>, %select_n3A_166, %reduce_max3A_167 [1] : vector<256x2048xf32> to vector<256xf32>
    %broadcast_in_dim3A_169 = vector.shape_cast %reduce_max3A_168 : vector<256xf32> to vector<256x1xf32>
    %eq3A_170 = vector.broadcast %broadcast_in_dim3A_169 : vector<256x1xf32> to vector<256x2048xf32>
    %eq3A_171 = arith.cmpf oeq, %select_n3A_166, %eq3A_170 : vector<256x2048xf32>
    %jit3A_172 = arith.constant 2048 : i32
    %broadcast_in_dim3A_173 = vector.broadcast %jit3A_172 : i32 to vector<256x2048xi32>
    %select_n3A_174 = arith.select %eq3A_171, %iota3A, %broadcast_in_dim3A_173 : vector<256x2048xi1>, vector<256x2048xi32>
    %reduce_min3A_175 = arith.constant dense<2147483647> : vector<256xi32>
    %reduce_min3A_176 = vector.multi_reduction <minsi>, %select_n3A_174, %reduce_min3A_175 [1] : vector<256x2048xi32> to vector<256xi32>
    %broadcast_in_dim3A_177 = vector.shape_cast %reduce_min3A_176 : vector<256xi32> to vector<256x1xi32>
    %add3A_178 = vector.broadcast %mul3A_28 : i32 to vector<256x1xi32>
    %add3A_179 = arith.addi %broadcast_in_dim3A_177, %add3A_178 : vector<256x1xi32>
    %eq3A_180 = vector.broadcast %broadcast_in_dim3A_177 : vector<256x1xi32> to vector<256x2048xi32>
    %eq3A_181 = arith.cmpi eq, %iota3A, %eq3A_180 : vector<256x2048xi32>
    %jit3A_182 = arith.constant 0xFF800000 : f32
    %broadcast_in_dim3A_183 = vector.broadcast %jit3A_182 : f32 to vector<256x2048xf32>
    %select_n3A_184 = arith.select %eq3A_181, %broadcast_in_dim3A_183, %select_n3A_166 : vector<256x2048xi1>, vector<256x2048xf32>
    %reduce_max3A_185 = arith.constant dense<0xFF800000> : vector<256xf32>
    %reduce_max3A_186 = vector.multi_reduction <maximumf>, %select_n3A_184, %reduce_max3A_185 [1] : vector<256x2048xf32> to vector<256xf32>
    %broadcast_in_dim3A_187 = vector.shape_cast %reduce_max3A_186 : vector<256xf32> to vector<256x1xf32>
    %eq3A_188 = vector.broadcast %broadcast_in_dim3A_187 : vector<256x1xf32> to vector<256x2048xf32>
    %eq3A_189 = arith.cmpf oeq, %select_n3A_184, %eq3A_188 : vector<256x2048xf32>
    %jit3A_190 = arith.constant 2048 : i32
    %broadcast_in_dim3A_191 = vector.broadcast %jit3A_190 : i32 to vector<256x2048xi32>
    %select_n3A_192 = arith.select %eq3A_189, %iota3A, %broadcast_in_dim3A_191 : vector<256x2048xi1>, vector<256x2048xi32>
    %reduce_min3A_193 = arith.constant dense<2147483647> : vector<256xi32>
    %reduce_min3A_194 = vector.multi_reduction <minsi>, %select_n3A_192, %reduce_min3A_193 [1] : vector<256x2048xi32> to vector<256xi32>
    %broadcast_in_dim3A_195 = vector.shape_cast %reduce_min3A_194 : vector<256xi32> to vector<256x1xi32>
    %add3A_196 = vector.broadcast %mul3A_28 : i32 to vector<256x1xi32>
    %add3A_197 = arith.addi %broadcast_in_dim3A_195, %add3A_196 : vector<256x1xi32>
    %eq3A_198 = vector.broadcast %broadcast_in_dim3A_195 : vector<256x1xi32> to vector<256x2048xi32>
    %eq3A_199 = arith.cmpi eq, %iota3A, %eq3A_198 : vector<256x2048xi32>
    %jit3A_200 = arith.constant 0xFF800000 : f32
    %broadcast_in_dim3A_201 = vector.broadcast %jit3A_200 : f32 to vector<256x2048xf32>
    %select_n3A_202 = arith.select %eq3A_199, %broadcast_in_dim3A_201, %select_n3A_184 : vector<256x2048xi1>, vector<256x2048xf32>
    %reduce_max3A_203 = arith.constant dense<0xFF800000> : vector<256xf32>
    %reduce_max3A_204 = vector.multi_reduction <maximumf>, %select_n3A_202, %reduce_max3A_203 [1] : vector<256x2048xf32> to vector<256xf32>
    %broadcast_in_dim3A_205 = vector.shape_cast %reduce_max3A_204 : vector<256xf32> to vector<256x1xf32>
    %eq3A_206 = vector.broadcast %broadcast_in_dim3A_205 : vector<256x1xf32> to vector<256x2048xf32>
    %eq3A_207 = arith.cmpf oeq, %select_n3A_202, %eq3A_206 : vector<256x2048xf32>
    %jit3A_208 = arith.constant 2048 : i32
    %broadcast_in_dim3A_209 = vector.broadcast %jit3A_208 : i32 to vector<256x2048xi32>
    %select_n3A_210 = arith.select %eq3A_207, %iota3A, %broadcast_in_dim3A_209 : vector<256x2048xi1>, vector<256x2048xi32>
    %reduce_min3A_211 = arith.constant dense<2147483647> : vector<256xi32>
    %reduce_min3A_212 = vector.multi_reduction <minsi>, %select_n3A_210, %reduce_min3A_211 [1] : vector<256x2048xi32> to vector<256xi32>
    %broadcast_in_dim3A_213 = vector.shape_cast %reduce_min3A_212 : vector<256xi32> to vector<256x1xi32>
    %add3A_214 = vector.broadcast %mul3A_28 : i32 to vector<256x1xi32>
    %add3A_215 = arith.addi %broadcast_in_dim3A_213, %add3A_214 : vector<256x1xi32>
    %eq3A_216 = vector.broadcast %broadcast_in_dim3A_213 : vector<256x1xi32> to vector<256x2048xi32>
    %eq3A_217 = arith.cmpi eq, %iota3A, %eq3A_216 : vector<256x2048xi32>
    %jit3A_218 = arith.constant 0xFF800000 : f32
    %broadcast_in_dim3A_219 = vector.broadcast %jit3A_218 : f32 to vector<256x2048xf32>
    %select_n3A_220 = arith.select %eq3A_217, %broadcast_in_dim3A_219, %select_n3A_202 : vector<256x2048xi1>, vector<256x2048xf32>
    %reduce_max3A_221 = arith.constant dense<0xFF800000> : vector<256xf32>
    %reduce_max3A_222 = vector.multi_reduction <maximumf>, %select_n3A_220, %reduce_max3A_221 [1] : vector<256x2048xf32> to vector<256xf32>
    %broadcast_in_dim3A_223 = vector.shape_cast %reduce_max3A_222 : vector<256xf32> to vector<256x1xf32>
    %eq3A_224 = vector.broadcast %broadcast_in_dim3A_223 : vector<256x1xf32> to vector<256x2048xf32>
    %eq3A_225 = arith.cmpf oeq, %select_n3A_220, %eq3A_224 : vector<256x2048xf32>
    %jit3A_226 = arith.constant 2048 : i32
    %broadcast_in_dim3A_227 = vector.broadcast %jit3A_226 : i32 to vector<256x2048xi32>
    %select_n3A_228 = arith.select %eq3A_225, %iota3A, %broadcast_in_dim3A_227 : vector<256x2048xi1>, vector<256x2048xi32>
    %reduce_min3A_229 = arith.constant dense<2147483647> : vector<256xi32>
    %reduce_min3A_230 = vector.multi_reduction <minsi>, %select_n3A_228, %reduce_min3A_229 [1] : vector<256x2048xi32> to vector<256xi32>
    %broadcast_in_dim3A_231 = vector.shape_cast %reduce_min3A_230 : vector<256xi32> to vector<256x1xi32>
    %add3A_232 = vector.broadcast %mul3A_28 : i32 to vector<256x1xi32>
    %add3A_233 = arith.addi %broadcast_in_dim3A_231, %add3A_232 : vector<256x1xi32>
    %eq3A_234 = vector.broadcast %broadcast_in_dim3A_231 : vector<256x1xi32> to vector<256x2048xi32>
    %eq3A_235 = arith.cmpi eq, %iota3A, %eq3A_234 : vector<256x2048xi32>
    %jit3A_236 = arith.constant 0xFF800000 : f32
    %broadcast_in_dim3A_237 = vector.broadcast %jit3A_236 : f32 to vector<256x2048xf32>
    %select_n3A_238 = arith.select %eq3A_235, %broadcast_in_dim3A_237, %select_n3A_220 : vector<256x2048xi1>, vector<256x2048xf32>
    %reduce_max3A_239 = arith.constant dense<0xFF800000> : vector<256xf32>
    %reduce_max3A_240 = vector.multi_reduction <maximumf>, %select_n3A_238, %reduce_max3A_239 [1] : vector<256x2048xf32> to vector<256xf32>
    %broadcast_in_dim3A_241 = vector.shape_cast %reduce_max3A_240 : vector<256xf32> to vector<256x1xf32>
    %eq3A_242 = vector.broadcast %broadcast_in_dim3A_241 : vector<256x1xf32> to vector<256x2048xf32>
    %eq3A_243 = arith.cmpf oeq, %select_n3A_238, %eq3A_242 : vector<256x2048xf32>
    %jit3A_244 = arith.constant 2048 : i32
    %broadcast_in_dim3A_245 = vector.broadcast %jit3A_244 : i32 to vector<256x2048xi32>
    %select_n3A_246 = arith.select %eq3A_243, %iota3A, %broadcast_in_dim3A_245 : vector<256x2048xi1>, vector<256x2048xi32>
    %reduce_min3A_247 = arith.constant dense<2147483647> : vector<256xi32>
    %reduce_min3A_248 = vector.multi_reduction <minsi>, %select_n3A_246, %reduce_min3A_247 [1] : vector<256x2048xi32> to vector<256xi32>
    %broadcast_in_dim3A_249 = vector.shape_cast %reduce_min3A_248 : vector<256xi32> to vector<256x1xi32>
    %add3A_250 = vector.broadcast %mul3A_28 : i32 to vector<256x1xi32>
    %add3A_251 = arith.addi %broadcast_in_dim3A_249, %add3A_250 : vector<256x1xi32>
    %eq3A_252 = vector.broadcast %broadcast_in_dim3A_249 : vector<256x1xi32> to vector<256x2048xi32>
    %eq3A_253 = arith.cmpi eq, %iota3A, %eq3A_252 : vector<256x2048xi32>
    %jit3A_254 = arith.constant 0xFF800000 : f32
    %broadcast_in_dim3A_255 = vector.broadcast %jit3A_254 : f32 to vector<256x2048xf32>
    %select_n3A_256 = arith.select %eq3A_253, %broadcast_in_dim3A_255, %select_n3A_238 : vector<256x2048xi1>, vector<256x2048xf32>
    %reduce_max3A_257 = arith.constant dense<0xFF800000> : vector<256xf32>
    %reduce_max3A_258 = vector.multi_reduction <maximumf>, %select_n3A_256, %reduce_max3A_257 [1] : vector<256x2048xf32> to vector<256xf32>
    %broadcast_in_dim3A_259 = vector.shape_cast %reduce_max3A_258 : vector<256xf32> to vector<256x1xf32>
    %eq3A_260 = vector.broadcast %broadcast_in_dim3A_259 : vector<256x1xf32> to vector<256x2048xf32>
    %eq3A_261 = arith.cmpf oeq, %select_n3A_256, %eq3A_260 : vector<256x2048xf32>
    %jit3A_262 = arith.constant 2048 : i32
    %broadcast_in_dim3A_263 = vector.broadcast %jit3A_262 : i32 to vector<256x2048xi32>
    %select_n3A_264 = arith.select %eq3A_261, %iota3A, %broadcast_in_dim3A_263 : vector<256x2048xi1>, vector<256x2048xi32>
    %reduce_min3A_265 = arith.constant dense<2147483647> : vector<256xi32>
    %reduce_min3A_266 = vector.multi_reduction <minsi>, %select_n3A_264, %reduce_min3A_265 [1] : vector<256x2048xi32> to vector<256xi32>
    %broadcast_in_dim3A_267 = vector.shape_cast %reduce_min3A_266 : vector<256xi32> to vector<256x1xi32>
    %add3A_268 = vector.broadcast %mul3A_28 : i32 to vector<256x1xi32>
    %add3A_269 = arith.addi %broadcast_in_dim3A_267, %add3A_268 : vector<256x1xi32>
    %eq3A_270 = vector.broadcast %broadcast_in_dim3A_267 : vector<256x1xi32> to vector<256x2048xi32>
    %eq3A_271 = arith.cmpi eq, %iota3A, %eq3A_270 : vector<256x2048xi32>
    %jit3A_272 = arith.constant 0xFF800000 : f32
    %broadcast_in_dim3A_273 = vector.broadcast %jit3A_272 : f32 to vector<256x2048xf32>
    %select_n3A_274 = arith.select %eq3A_271, %broadcast_in_dim3A_273, %select_n3A_256 : vector<256x2048xi1>, vector<256x2048xf32>
    %reduce_max3A_275 = arith.constant dense<0xFF800000> : vector<256xf32>
    %reduce_max3A_276 = vector.multi_reduction <maximumf>, %select_n3A_274, %reduce_max3A_275 [1] : vector<256x2048xf32> to vector<256xf32>
    %broadcast_in_dim3A_277 = vector.shape_cast %reduce_max3A_276 : vector<256xf32> to vector<256x1xf32>
    %eq3A_278 = vector.broadcast %broadcast_in_dim3A_277 : vector<256x1xf32> to vector<256x2048xf32>
    %eq3A_279 = arith.cmpf oeq, %select_n3A_274, %eq3A_278 : vector<256x2048xf32>
    %jit3A_280 = arith.constant 2048 : i32
    %broadcast_in_dim3A_281 = vector.broadcast %jit3A_280 : i32 to vector<256x2048xi32>
    %select_n3A_282 = arith.select %eq3A_279, %iota3A, %broadcast_in_dim3A_281 : vector<256x2048xi1>, vector<256x2048xi32>
    %reduce_min3A_283 = arith.constant dense<2147483647> : vector<256xi32>
    %reduce_min3A_284 = vector.multi_reduction <minsi>, %select_n3A_282, %reduce_min3A_283 [1] : vector<256x2048xi32> to vector<256xi32>
    %broadcast_in_dim3A_285 = vector.shape_cast %reduce_min3A_284 : vector<256xi32> to vector<256x1xi32>
    %add3A_286 = vector.broadcast %mul3A_28 : i32 to vector<256x1xi32>
    %add3A_287 = arith.addi %broadcast_in_dim3A_285, %add3A_286 : vector<256x1xi32>
    %eq3A_288 = vector.broadcast %broadcast_in_dim3A_285 : vector<256x1xi32> to vector<256x2048xi32>
    %eq3A_289 = arith.cmpi eq, %iota3A, %eq3A_288 : vector<256x2048xi32>
    %jit3A_290 = arith.constant 0xFF800000 : f32
    %broadcast_in_dim3A_291 = vector.broadcast %jit3A_290 : f32 to vector<256x2048xf32>
    %select_n3A_292 = arith.select %eq3A_289, %broadcast_in_dim3A_291, %select_n3A_274 : vector<256x2048xi1>, vector<256x2048xf32>
    %reduce_max3A_293 = arith.constant dense<0xFF800000> : vector<256xf32>
    %reduce_max3A_294 = vector.multi_reduction <maximumf>, %select_n3A_292, %reduce_max3A_293 [1] : vector<256x2048xf32> to vector<256xf32>
    %broadcast_in_dim3A_295 = vector.shape_cast %reduce_max3A_294 : vector<256xf32> to vector<256x1xf32>
    %eq3A_296 = vector.broadcast %broadcast_in_dim3A_295 : vector<256x1xf32> to vector<256x2048xf32>
    %eq3A_297 = arith.cmpf oeq, %select_n3A_292, %eq3A_296 : vector<256x2048xf32>
    %jit3A_298 = arith.constant 2048 : i32
    %broadcast_in_dim3A_299 = vector.broadcast %jit3A_298 : i32 to vector<256x2048xi32>
    %select_n3A_300 = arith.select %eq3A_297, %iota3A, %broadcast_in_dim3A_299 : vector<256x2048xi1>, vector<256x2048xi32>
    %reduce_min3A_301 = arith.constant dense<2147483647> : vector<256xi32>
    %reduce_min3A_302 = vector.multi_reduction <minsi>, %select_n3A_300, %reduce_min3A_301 [1] : vector<256x2048xi32> to vector<256xi32>
    %broadcast_in_dim3A_303 = vector.shape_cast %reduce_min3A_302 : vector<256xi32> to vector<256x1xi32>
    %add3A_304 = vector.broadcast %mul3A_28 : i32 to vector<256x1xi32>
    %add3A_305 = arith.addi %broadcast_in_dim3A_303, %add3A_304 : vector<256x1xi32>
    %concatenate3A = tpu.concatenate %add3A_35, %add3A_53, %add3A_71, %add3A_89, %add3A_107, %add3A_125, %add3A_143, %add3A_161, %add3A_179, %add3A_197, %add3A_215, %add3A_233, %add3A_251, %add3A_269, %add3A_287, %add3A_305 in 1 : vector<256x1xi32>, vector<256x1xi32>, vector<256x1xi32>, vector<256x1xi32>, vector<256x1xi32>, vector<256x1xi32>, vector<256x1xi32>, vector<256x1xi32>, vector<256x1xi32>, vector<256x1xi32>, vector<256x1xi32>, vector<256x1xi32>, vector<256x1xi32>, vector<256x1xi32>, vector<256x1xi32>, vector<256x1xi32> -> vector<256x16xi32>
    %swap3A = arith.constant 0 : index
    %swap3A_306 = arith.constant 0 : index
    %swap3A_307 = arith.constant 0 : index
    %swap3A_308 = vector.load %arg5[%swap3A, %swap3A_306, %swap3A_307] : memref<1x256x16xi32, #tpu.memory_space<vmem>>, vector<1x256x16xi32>
    %swap3A_309 = vector.shape_cast %swap3A_308 : vector<1x256x16xi32> to vector<256x16xi32>
    %swap3A_310 = vector.shape_cast %concatenate3A : vector<256x16xi32> to vector<1x256x16xi32>
    tpu.vector_store %arg5[%swap3A, %swap3A_306, %swap3A_307], %swap3A_310 {strides = array<i32>} : memref<1x256x16xi32, #tpu.memory_space<vmem>>, vector<1x256x16xi32>,
    return
  }
  func.func @transform_0(%arg0: i32, %arg1: i32) -> (i32, i32, i32) {
    %c0_i32 = arith.constant 0 : i32
    %c0_i32_0 = arith.constant 0 : i32
    return %arg0, %c0_i32, %arg1 : i32, i32, i32
  }
  func.func @transform_1(%arg0: i32, %arg1: i32) -> (i32, i32, i32) {
    %c0_i32 = arith.constant 0 : i32
    %c0_i32_0 = arith.constant 0 : i32
    %c0_i32_1 = arith.constant 0 : i32
    return %arg0, %c0_i32, %c0_i32_0 : i32, i32, i32
  }
  func.func @transform_2(%arg0: i32, %arg1: i32) -> (i32, i32, i32) {
    %c0_i32 = arith.constant 0 : i32
    %c0_i32_0 = arith.constant 0 : i32
    %c0_i32_1 = arith.constant 0 : i32
    return %arg0, %c0_i32, %c0_i32_0 : i32, i32, i32
  }
  func.func @transform_3(%arg0: i32, %arg1: i32) -> (i32, i32, i32) {
    %c0_i32 = arith.constant 0 : i32
    %c0_i32_0 = arith.constant 0 : i32
    return %arg0, %arg1, %c0_i32 : i32, i32, i32
  }
}

module attributes {stable_mosaic.version = 14 : i64} {
  func.func @_stats_body(%arg0: i32, %arg1: memref<1x2048x128xf32, #tpu.memory_space<vmem>>, %arg2: memref<128x128xf32, #tpu.memory_space<vmem>>, %arg3: memref<2048x128xf32, #tpu.memory_space<vmem>>, %arg4: memref<128x128xf32, #tpu.memory_space<vmem>>, %arg5: memref<1x5x128xf32, #tpu.memory_space<vmem>>) attributes {dimension_semantics = [#tpu.dimension_semantics<arbitrary>], iteration_bounds = array<i64: 64>, scalar_prefetch = 0 : i64, scratch_operands = 0 : i64, tpu.core_type = #tpu.core_type<tc>, window_params = [{transform_indices = @transform_0, window_bounds = array<i64: 1, 2048, 128>}, {transform_indices = @transform_1, window_bounds = array<i64: 128, 128>}, {pipeline_mode = #tpu.pipeline_mode<synchronous>, transform_indices = @transform_2, window_bounds = array<i64: 2048, 128>}, {pipeline_mode = #tpu.pipeline_mode<synchronous>, transform_indices = @transform_3, window_bounds = array<i64: 128, 128>}, {transform_indices = @transform_4, window_bounds = array<i64: 1, 5, 128>}]} {
    %get3A = arith.constant 0 : index
    %get3A_0 = arith.constant 0 : index
    %get3A_1 = arith.constant 0 : index
    %get3A_2 = vector.load %arg1[%get3A, %get3A_0, %get3A_1] : memref<1x2048x128xf32, #tpu.memory_space<vmem>>, vector<1x2048x128xf32>
    %get3A_3 = vector.shape_cast %get3A_2 : vector<1x2048x128xf32> to vector<2048x128xf32>
    %get3A_4 = arith.constant 0 : index
    %get3A_5 = arith.constant 0 : index
    %get3A_6 = vector.load %arg2[%get3A_4, %get3A_5] : memref<128x128xf32, #tpu.memory_space<vmem>>, vector<128x128xf32>
    %get3A_7 = arith.constant 0 : index
    %get3A_8 = arith.constant 0 : index
    %get3A_9 = vector.load %arg4[%get3A_7, %get3A_8] : memref<128x128xf32, #tpu.memory_space<vmem>>, vector<128x128xf32>
    %dot_general3A = arith.constant dense<0.000000e+00> : vector<128x128xf32>
    %dot_general3A_10 = tpu.matmul %get3A_6, %get3A_9, %dot_general3A {dimension_numbers = #tpu.dot_dimension_numbers<[1], [0], [0], [1], [0, 0, 1, 1], [], []>, precision = #tpu.contract_precision<fp32>, transpose_lhs_hint = false} : vector<128x128xf32>, vector<128x128xf32>, vector<128x128xf32> -> vector<128x128xf32>
    %get3A_11 = arith.constant 0 : index
    %get3A_12 = arith.constant 0 : index
    %get3A_13 = vector.load %arg3[%get3A_11, %get3A_12] : memref<2048x128xf32, #tpu.memory_space<vmem>>, vector<2048x128xf32>
    %convert_element_type3A = arith.truncf %get3A_13 : vector<2048x128xf32> to vector<2048x128xbf16>
    %convert_element_type3A_14 = arith.truncf %get3A_3 : vector<2048x128xf32> to vector<2048x128xbf16>
    %dot_general3A_15 = arith.constant dense<0.000000e+00> : vector<128x128xf32>
    %dot_general3A_16 = tpu.matmul %convert_element_type3A, %convert_element_type3A_14, %dot_general3A_15 {dimension_numbers = #tpu.dot_dimension_numbers<[0], [0], [1], [1], [0, 1, 1, 1], [], []>, transpose_lhs_hint = false} : vector<2048x128xbf16>, vector<2048x128xbf16>, vector<128x128xf32> -> vector<128x128xf32>
    %reduce_sum3A = arith.constant dense<0.000000e+00> : vector<128xf32>
    %reduce_sum3A_17 = vector.multi_reduction <add>, %get3A_3, %reduce_sum3A [0] : vector<2048x128xf32> to vector<128xf32>
    %broadcast_in_dim3A = vector.shape_cast %reduce_sum3A_17 : vector<128xf32> to vector<1x128xf32>
    %mul3A = arith.mulf %get3A_3, %get3A_3 : vector<2048x128xf32>
    %reduce_sum3A_18 = arith.constant dense<0.000000e+00> : vector<128xf32>
    %reduce_sum3A_19 = vector.multi_reduction <add>, %mul3A, %reduce_sum3A_18 [0] : vector<2048x128xf32> to vector<128xf32>
    %broadcast_in_dim3A_20 = vector.shape_cast %reduce_sum3A_19 : vector<128xf32> to vector<1x128xf32>
    %mul3A_21 = arith.mulf %dot_general3A_16, %dot_general3A_10 : vector<128x128xf32>
    %reduce_sum3A_22 = arith.constant dense<0.000000e+00> : vector<128xf32>
    %reduce_sum3A_23 = vector.multi_reduction <add>, %mul3A_21, %reduce_sum3A_22 [0] : vector<128x128xf32> to vector<128xf32>
    %broadcast_in_dim3A_24 = vector.shape_cast %reduce_sum3A_23 : vector<128xf32> to vector<1x128xf32>
    %reduce_sum3A_25 = arith.constant dense<0.000000e+00> : vector<128xf32>
    %reduce_sum3A_26 = vector.multi_reduction <add>, %dot_general3A_10, %reduce_sum3A_25 [0] : vector<128x128xf32> to vector<128xf32>
    %broadcast_in_dim3A_27 = vector.shape_cast %reduce_sum3A_26 : vector<128xf32> to vector<1x128xf32>
    %mul3A_28 = arith.mulf %dot_general3A_10, %dot_general3A_10 : vector<128x128xf32>
    %reduce_sum3A_29 = arith.constant dense<0.000000e+00> : vector<128xf32>
    %reduce_sum3A_30 = vector.multi_reduction <add>, %mul3A_28, %reduce_sum3A_29 [0] : vector<128x128xf32> to vector<128xf32>
    %broadcast_in_dim3A_31 = vector.shape_cast %reduce_sum3A_30 : vector<128xf32> to vector<1x128xf32>
    %concatenate3A = tpu.concatenate %broadcast_in_dim3A, %broadcast_in_dim3A_20, %broadcast_in_dim3A_24, %broadcast_in_dim3A_27, %broadcast_in_dim3A_31 in 0 : vector<1x128xf32>, vector<1x128xf32>, vector<1x128xf32>, vector<1x128xf32>, vector<1x128xf32> -> vector<5x128xf32>
    %swap3A = arith.constant 0 : index
    %swap3A_32 = arith.constant 0 : index
    %swap3A_33 = arith.constant 0 : index
    %swap3A_34 = vector.load %arg5[%swap3A, %swap3A_32, %swap3A_33] : memref<1x5x128xf32, #tpu.memory_space<vmem>>, vector<1x5x128xf32>
    %swap3A_35 = vector.shape_cast %swap3A_34 : vector<1x5x128xf32> to vector<5x128xf32>
    %swap3A_36 = vector.shape_cast %concatenate3A : vector<5x128xf32> to vector<1x5x128xf32>
    tpu.vector_store %arg5[%swap3A, %swap3A_32, %swap3A_33], %swap3A_36 {strides = array<i32>} : memref<1x5x128xf32, #tpu.memory_space<vmem>>, vector<1x5x128xf32>,
    return
  }
  func.func @transform_0(%arg0: i32) -> (i32, i32, i32) {
    %c0_i32 = arith.constant 0 : i32
    %c0_i32_0 = arith.constant 0 : i32
    %c0_i32_1 = arith.constant 0 : i32
    return %arg0, %c0_i32, %c0_i32_0 : i32, i32, i32
  }
  func.func @transform_1(%arg0: i32) -> (i32, i32) {
    %c0_i32 = arith.constant 0 : i32
    %c0_i32_0 = arith.constant 0 : i32
    return %arg0, %c0_i32 : i32, i32
  }
  func.func @transform_2(%arg0: i32) -> (i32, i32) {
    %c0_i32 = arith.constant 0 : i32
    %c0_i32_0 = arith.constant 0 : i32
    %c0_i32_1 = arith.constant 0 : i32
    return %c0_i32, %c0_i32_0 : i32, i32
  }
  func.func @transform_3(%arg0: i32) -> (i32, i32) {
    %c0_i32 = arith.constant 0 : i32
    %c0_i32_0 = arith.constant 0 : i32
    %c0_i32_1 = arith.constant 0 : i32
    return %c0_i32, %c0_i32_0 : i32, i32
  }
  func.func @transform_4(%arg0: i32) -> (i32, i32, i32) {
    %c0_i32 = arith.constant 0 : i32
    %c0_i32_0 = arith.constant 0 : i32
    %c0_i32_1 = arith.constant 0 : i32
    return %arg0, %c0_i32, %c0_i32_0 : i32, i32, i32
  }
}

module attributes {stable_mosaic.version = 14 : i64} {
  func.func @_mid_body(%arg0: i32, %arg1: memref<1x2048x128xf32, #tpu.memory_space<vmem>>, %arg2: memref<128x128xf32, #tpu.memory_space<vmem>>, %arg3: memref<2048x128xf32, #tpu.memory_space<vmem>>, %arg4: memref<128x128xf32, #tpu.memory_space<vmem>>, %arg5: memref<1x128xf32, #tpu.memory_space<vmem>>, %arg6: memref<1x128xf32, #tpu.memory_space<vmem>>, %arg7: memref<1x128x128xf32, #tpu.memory_space<vmem>>, %arg8: memref<1x1x128xf32, #tpu.memory_space<vmem>>) attributes {dimension_semantics = [#tpu.dimension_semantics<arbitrary>], iteration_bounds = array<i64: 64>, scalar_prefetch = 0 : i64, scratch_operands = 0 : i64, tpu.core_type = #tpu.core_type<tc>, window_params = [{transform_indices = @transform_0, window_bounds = array<i64: 1, 2048, 128>}, {transform_indices = @transform_1, window_bounds = array<i64: 128, 128>}, {pipeline_mode = #tpu.pipeline_mode<synchronous>, transform_indices = @transform_2, window_bounds = array<i64: 2048, 128>}, {pipeline_mode = #tpu.pipeline_mode<synchronous>, transform_indices = @transform_3, window_bounds = array<i64: 128, 128>}, {pipeline_mode = #tpu.pipeline_mode<synchronous>, transform_indices = @transform_4, window_bounds = array<i64: 1, 128>}, {pipeline_mode = #tpu.pipeline_mode<synchronous>, transform_indices = @transform_5, window_bounds = array<i64: 1, 128>}, {transform_indices = @transform_6, window_bounds = array<i64: 1, 128, 128>}, {transform_indices = @transform_7, window_bounds = array<i64: 1, 1, 128>}]} {
    %get3A = arith.constant 0 : index
    %get3A_0 = arith.constant 0 : index
    %get3A_1 = vector.load %arg2[%get3A, %get3A_0] : memref<128x128xf32, #tpu.memory_space<vmem>>, vector<128x128xf32>
    %get3A_2 = arith.constant 0 : index
    %get3A_3 = arith.constant 0 : index
    %get3A_4 = vector.load %arg4[%get3A_2, %get3A_3] : memref<128x128xf32, #tpu.memory_space<vmem>>, vector<128x128xf32>
    %dot_general3A = arith.constant dense<0.000000e+00> : vector<128x128xf32>
    %dot_general3A_5 = tpu.matmul %get3A_1, %get3A_4, %dot_general3A {dimension_numbers = #tpu.dot_dimension_numbers<[1], [0], [0], [1], [0, 0, 1, 1], [], []>, precision = #tpu.contract_precision<fp32>, transpose_lhs_hint = false} : vector<128x128xf32>, vector<128x128xf32>, vector<128x128xf32> -> vector<128x128xf32>
    %get3A_6 = arith.constant 0 : index
    %get3A_7 = arith.constant 0 : index
    %get3A_8 = vector.load %arg3[%get3A_6, %get3A_7] : memref<2048x128xf32, #tpu.memory_space<vmem>>, vector<2048x128xf32>
    %convert_element_type3A = arith.truncf %get3A_8 : vector<2048x128xf32> to vector<2048x128xbf16>
    %convert_element_type3A_9 = arith.truncf %dot_general3A_5 : vector<128x128xf32> to vector<128x128xbf16>
    %dot_general3A_10 = arith.constant dense<0.000000e+00> : vector<2048x128xf32>
    %dot_general3A_11 = tpu.matmul %convert_element_type3A, %convert_element_type3A_9, %dot_general3A_10 {dimension_numbers = #tpu.dot_dimension_numbers<[1], [0], [0], [1], [0, 0, 1, 1], [], []>, transpose_lhs_hint = false} : vector<2048x128xbf16>, vector<128x128xbf16>, vector<2048x128xf32> -> vector<2048x128xf32>
    %get3A_12 = arith.constant 0 : index
    %get3A_13 = arith.constant 0 : index
    %get3A_14 = arith.constant 0 : index
    %get3A_15 = vector.load %arg1[%get3A_12, %get3A_13, %get3A_14] : memref<1x2048x128xf32, #tpu.memory_space<vmem>>, vector<1x2048x128xf32>
    %get3A_16 = vector.shape_cast %get3A_15 : vector<1x2048x128xf32> to vector<2048x128xf32>
    %add3A = arith.addf %get3A_16, %dot_general3A_11 : vector<2048x128xf32>
    %get3A_17 = arith.constant 0 : index
    %get3A_18 = arith.constant 0 : index
    %get3A_19 = vector.load %arg5[%get3A_17, %get3A_18] : memref<1x128xf32, #tpu.memory_space<vmem>>, vector<1x128xf32>
    %mul3A = vector.broadcast %get3A_19 : vector<1x128xf32> to vector<2048x128xf32>
    %mul3A_20 = arith.mulf %add3A, %mul3A : vector<2048x128xf32>
    %get3A_21 = arith.constant 0 : index
    %get3A_22 = arith.constant 0 : index
    %get3A_23 = vector.load %arg6[%get3A_21, %get3A_22] : memref<1x128xf32, #tpu.memory_space<vmem>>, vector<1x128xf32>
    %add3A_24 = vector.broadcast %get3A_23 : vector<1x128xf32> to vector<2048x128xf32>
    %add3A_25 = arith.addf %mul3A_20, %add3A_24 : vector<2048x128xf32>
    %max3A = arith.constant 0.000000e+00 : f32
    %max3A_26 = vector.broadcast %max3A : f32 to vector<2048x128xf32>
    %max3A_27 = arith.maximumf %add3A_25, %max3A_26 : vector<2048x128xf32>
    %convert_element_type3A_28 = arith.truncf %max3A_27 : vector<2048x128xf32> to vector<2048x128xbf16>
    %convert_element_type3A_29 = arith.truncf %max3A_27 : vector<2048x128xf32> to vector<2048x128xbf16>
    %dot_general3A_30 = arith.constant dense<0.000000e+00> : vector<128x128xf32>
    %dot_general3A_31 = tpu.matmul %convert_element_type3A_28, %convert_element_type3A_29, %dot_general3A_30 {dimension_numbers = #tpu.dot_dimension_numbers<[0], [0], [1], [1], [0, 1, 1, 1], [], []>, transpose_lhs_hint = false} : vector<2048x128xbf16>, vector<2048x128xbf16>, vector<128x128xf32> -> vector<128x128xf32>
    %swap3A = arith.constant 0 : index
    %swap3A_32 = arith.constant 0 : index
    %swap3A_33 = arith.constant 0 : index
    %swap3A_34 = vector.load %arg7[%swap3A, %swap3A_32, %swap3A_33] : memref<1x128x128xf32, #tpu.memory_space<vmem>>, vector<1x128x128xf32>
    %swap3A_35 = vector.shape_cast %swap3A_34 : vector<1x128x128xf32> to vector<128x128xf32>
    %swap3A_36 = vector.shape_cast %dot_general3A_31 : vector<128x128xf32> to vector<1x128x128xf32>
    tpu.vector_store %arg7[%swap3A, %swap3A_32, %swap3A_33], %swap3A_36 {strides = array<i32>} : memref<1x128x128xf32, #tpu.memory_space<vmem>>, vector<1x128x128xf32>,
    %reduce_sum3A = arith.constant dense<0.000000e+00> : vector<128xf32>
    %reduce_sum3A_37 = vector.multi_reduction <add>, %max3A_27, %reduce_sum3A [0] : vector<2048x128xf32> to vector<128xf32>
    %broadcast_in_dim3A = vector.shape_cast %reduce_sum3A_37 : vector<128xf32> to vector<1x128xf32>
    %swap3A_38 = arith.constant 0 : index
    %swap3A_39 = arith.constant 0 : index
    %swap3A_40 = arith.constant 0 : index
    %swap3A_41 = vector.load %arg8[%swap3A_38, %swap3A_39, %swap3A_40] : memref<1x1x128xf32, #tpu.memory_space<vmem>>, vector<1x1x128xf32>
    %swap3A_42 = vector.shape_cast %swap3A_41 : vector<1x1x128xf32> to vector<1x128xf32>
    %swap3A_43 = vector.shape_cast %broadcast_in_dim3A : vector<1x128xf32> to vector<1x1x128xf32>
    tpu.vector_store %arg8[%swap3A_38, %swap3A_39, %swap3A_40], %swap3A_43 {strides = array<i32>} : memref<1x1x128xf32, #tpu.memory_space<vmem>>, vector<1x1x128xf32>,
    return
  }
  func.func @transform_0(%arg0: i32) -> (i32, i32, i32) {
    %c0_i32 = arith.constant 0 : i32
    %c0_i32_0 = arith.constant 0 : i32
    %c0_i32_1 = arith.constant 0 : i32
    return %arg0, %c0_i32, %c0_i32_0 : i32, i32, i32
  }
  func.func @transform_1(%arg0: i32) -> (i32, i32) {
    %c0_i32 = arith.constant 0 : i32
    %c0_i32_0 = arith.constant 0 : i32
    return %arg0, %c0_i32 : i32, i32
  }
  func.func @transform_2(%arg0: i32) -> (i32, i32) {
    %c0_i32 = arith.constant 0 : i32
    %c0_i32_0 = arith.constant 0 : i32
    %c0_i32_1 = arith.constant 0 : i32
    return %c0_i32, %c0_i32_0 : i32, i32
  }
  func.func @transform_3(%arg0: i32) -> (i32, i32) {
    %c0_i32 = arith.constant 0 : i32
    %c0_i32_0 = arith.constant 0 : i32
    %c0_i32_1 = arith.constant 0 : i32
    return %c0_i32, %c0_i32_0 : i32, i32
  }
  func.func @transform_4(%arg0: i32) -> (i32, i32) {
    %c0_i32 = arith.constant 0 : i32
    %c0_i32_0 = arith.constant 0 : i32
    %c0_i32_1 = arith.constant 0 : i32
    return %c0_i32, %c0_i32_0 : i32, i32
  }
  func.func @transform_5(%arg0: i32) -> (i32, i32) {
    %c0_i32 = arith.constant 0 : i32
    %c0_i32_0 = arith.constant 0 : i32
    %c0_i32_1 = arith.constant 0 : i32
    return %c0_i32, %c0_i32_0 : i32, i32
  }
  func.func @transform_6(%arg0: i32) -> (i32, i32, i32) {
    %c0_i32 = arith.constant 0 : i32
    %c0_i32_0 = arith.constant 0 : i32
    %c0_i32_1 = arith.constant 0 : i32
    return %arg0, %c0_i32, %c0_i32_0 : i32, i32, i32
  }
  func.func @transform_7(%arg0: i32) -> (i32, i32, i32) {
    %c0_i32 = arith.constant 0 : i32
    %c0_i32_0 = arith.constant 0 : i32
    %c0_i32_1 = arith.constant 0 : i32
    return %arg0, %c0_i32, %c0_i32_0 : i32, i32, i32
  }
}

module attributes {stable_mosaic.version = 14 : i64} {
  func.func @_bn2_body(%arg0: memref<64x64xf32, #tpu.memory_space<vmem>>, %arg1: memref<1x64xf32, #tpu.memory_space<vmem>>, %arg2: memref<128x64xf32, #tpu.memory_space<vmem>>, %arg3: memref<128x1xf32, #tpu.memory_space<vmem>>, %arg4: memref<128x1xf32, #tpu.memory_space<vmem>>, %arg5: memref<128x1xf32, #tpu.memory_space<vmem>>, %arg6: memref<128x1xf32, #tpu.memory_space<vmem>>, %arg7: memref<128x1xf32, #tpu.memory_space<vmem>>) attributes {dimension_semantics = [], scalar_prefetch = 0 : i64, scratch_operands = 0 : i64, tpu.core_type = #tpu.core_type<tc>} {
    %get3A = arith.constant 0 : index
    %get3A_0 = arith.constant 0 : index
    %get3A_1 = vector.load %arg2[%get3A, %get3A_0] : memref<128x64xf32, #tpu.memory_space<vmem>>, vector<128x64xf32>
    %get3A_2 = arith.constant 0 : index
    %get3A_3 = arith.constant 0 : index
    %get3A_4 = vector.load %arg0[%get3A_2, %get3A_3] : memref<64x64xf32, #tpu.memory_space<vmem>>, vector<64x64xf32>
    %dot_general3A = arith.constant dense<0.000000e+00> : vector<128x64xf32>
    %dot_general3A_5 = tpu.matmul %get3A_1, %get3A_4, %dot_general3A {dimension_numbers = #tpu.dot_dimension_numbers<[1], [0], [0], [1], [0, 0, 1, 1], [], []>, precision = #tpu.contract_precision<fp32>, transpose_lhs_hint = false} : vector<128x64xf32>, vector<64x64xf32>, vector<128x64xf32> -> vector<128x64xf32>
    %mul3A = arith.mulf %dot_general3A_5, %get3A_1 : vector<128x64xf32>
    %reduce_sum3A = arith.constant dense<0.000000e+00> : vector<128xf32>
    %reduce_sum3A_6 = vector.multi_reduction <add>, %mul3A, %reduce_sum3A [1] : vector<128x64xf32> to vector<128xf32>
    %broadcast_in_dim3A = vector.shape_cast %reduce_sum3A_6 : vector<128xf32> to vector<128x1xf32>
    %get3A_7 = arith.constant 0 : index
    %get3A_8 = arith.constant 0 : index
    %get3A_9 = vector.load %arg1[%get3A_7, %get3A_8] : memref<1x64xf32, #tpu.memory_space<vmem>>, vector<1x64xf32>
    %dot_general3A_10 = arith.constant dense<0.000000e+00> : vector<128x1xf32>
    %dot_general3A_11 = tpu.matmul %get3A_1, %get3A_9, %dot_general3A_10 {dimension_numbers = #tpu.dot_dimension_numbers<[1], [1], [0], [0], [0, 0, 1, 0], [], []>, precision = #tpu.contract_precision<fp32>, transpose_lhs_hint = false} : vector<128x64xf32>, vector<1x64xf32>, vector<128x1xf32> -> vector<128x1xf32>
    %get3A_12 = arith.constant 0 : index
    %get3A_13 = arith.constant 0 : index
    %get3A_14 = vector.load %arg3[%get3A_12, %get3A_13] : memref<128x1xf32, #tpu.memory_space<vmem>>, vector<128x1xf32>
    %mul3A_15 = arith.constant 7.62939453E-6 : f32
    %mul3A_16 = vector.broadcast %mul3A_15 : f32 to vector<128x1xf32>
    %mul3A_17 = arith.mulf %dot_general3A_11, %mul3A_16 : vector<128x1xf32>
    %add3A = arith.addf %mul3A_17, %get3A_14 : vector<128x1xf32>
    %mul3A_18 = arith.constant 7.62939453E-6 : f32
    %mul3A_19 = vector.broadcast %mul3A_18 : f32 to vector<128x1xf32>
    %mul3A_20 = arith.mulf %broadcast_in_dim3A, %mul3A_19 : vector<128x1xf32>
    %mul3A_21 = arith.constant 2.000000e+00 : f32
    %mul3A_22 = vector.broadcast %mul3A_21 : f32 to vector<128x1xf32>
    %mul3A_23 = arith.mulf %mul3A_22, %get3A_14 : vector<128x1xf32>
    %mul3A_24 = arith.mulf %mul3A_23, %dot_general3A_11 : vector<128x1xf32>
    %mul3A_25 = arith.constant 7.62939453E-6 : f32
    %mul3A_26 = vector.broadcast %mul3A_25 : f32 to vector<128x1xf32>
    %mul3A_27 = arith.mulf %mul3A_24, %mul3A_26 : vector<128x1xf32>
    %add3A_28 = arith.addf %mul3A_20, %mul3A_27 : vector<128x1xf32>
    %mul3A_29 = arith.mulf %get3A_14, %get3A_14 : vector<128x1xf32>
    %add3A_30 = arith.addf %add3A_28, %mul3A_29 : vector<128x1xf32>
    %mul3A_31 = arith.mulf %add3A, %add3A : vector<128x1xf32>
    %sub3A = arith.subf %add3A_30, %mul3A_31 : vector<128x1xf32>
    %get3A_32 = arith.constant 0 : index
    %get3A_33 = arith.constant 0 : index
    %get3A_34 = vector.load %arg4[%get3A_32, %get3A_33] : memref<128x1xf32, #tpu.memory_space<vmem>>, vector<128x1xf32>
    %add3A_35 = arith.constant 9.99999974E-6 : f32
    %add3A_36 = vector.broadcast %add3A_35 : f32 to vector<128x1xf32>
    %add3A_37 = arith.addf %sub3A, %add3A_36 : vector<128x1xf32>
    %sqrt3A = math.sqrt %add3A_37 : vector<128x1xf32>
    %div3A = arith.divf %get3A_34, %sqrt3A : vector<128x1xf32>
    %swap3A = arith.constant 0 : index
    %swap3A_38 = arith.constant 0 : index
    %swap3A_39 = vector.load %arg6[%swap3A, %swap3A_38] : memref<128x1xf32, #tpu.memory_space<vmem>>, vector<128x1xf32>
    tpu.vector_store %arg6[%swap3A, %swap3A_38], %div3A {strides = array<i32>} : memref<128x1xf32, #tpu.memory_space<vmem>>, vector<128x1xf32>,
    %get3A_40 = arith.constant 0 : index
    %get3A_41 = arith.constant 0 : index
    %get3A_42 = vector.load %arg5[%get3A_40, %get3A_41] : memref<128x1xf32, #tpu.memory_space<vmem>>, vector<128x1xf32>
    %mul3A_43 = arith.mulf %add3A, %div3A : vector<128x1xf32>
    %sub3A_44 = arith.subf %get3A_42, %mul3A_43 : vector<128x1xf32>
    %mul3A_45 = arith.mulf %div3A, %get3A_14 : vector<128x1xf32>
    %add3A_46 = arith.addf %sub3A_44, %mul3A_45 : vector<128x1xf32>
    %swap3A_47 = arith.constant 0 : index
    %swap3A_48 = arith.constant 0 : index
    %swap3A_49 = vector.load %arg7[%swap3A_47, %swap3A_48] : memref<128x1xf32, #tpu.memory_space<vmem>>, vector<128x1xf32>
    tpu.vector_store %arg7[%swap3A_47, %swap3A_48], %add3A_46 {strides = array<i32>} : memref<128x1xf32, #tpu.memory_space<vmem>>, vector<128x1xf32>,
    return
  }
}

module attributes {stable_mosaic.version = 14 : i64} {
  func.func @_final_body(%arg0: i32, %arg1: memref<1x2048x128xf32, #tpu.memory_space<vmem>>, %arg2: memref<128x128xf32, #tpu.memory_space<vmem>>, %arg3: memref<2048x128xf32, #tpu.memory_space<vmem>>, %arg4: memref<128x128xf32, #tpu.memory_space<vmem>>, %arg5: memref<128x128xf32, #tpu.memory_space<vmem>>, %arg6: memref<1x128xf32, #tpu.memory_space<vmem>>, %arg7: memref<1x128xf32, #tpu.memory_space<vmem>>, %arg8: memref<128x1xf32, #tpu.memory_space<vmem>>, %arg9: memref<128x1xf32, #tpu.memory_space<vmem>>, %arg10: memref<1x128x2048xf32, #tpu.memory_space<vmem>>) attributes {dimension_semantics = [#tpu.dimension_semantics<arbitrary>], iteration_bounds = array<i64: 64>, scalar_prefetch = 0 : i64, scratch_operands = 0 : i64, tpu.core_type = #tpu.core_type<tc>, window_params = [{transform_indices = @transform_0, window_bounds = array<i64: 1, 2048, 128>}, {transform_indices = @transform_1, window_bounds = array<i64: 128, 128>}, {pipeline_mode = #tpu.pipeline_mode<synchronous>, transform_indices = @transform_2, window_bounds = array<i64: 2048, 128>}, {pipeline_mode = #tpu.pipeline_mode<synchronous>, transform_indices = @transform_3, window_bounds = array<i64: 128, 128>}, {pipeline_mode = #tpu.pipeline_mode<synchronous>, transform_indices = @transform_4, window_bounds = array<i64: 128, 128>}, {pipeline_mode = #tpu.pipeline_mode<synchronous>, transform_indices = @transform_5, window_bounds = array<i64: 1, 128>}, {pipeline_mode = #tpu.pipeline_mode<synchronous>, transform_indices = @transform_6, window_bounds = array<i64: 1, 128>}, {pipeline_mode = #tpu.pipeline_mode<synchronous>, transform_indices = @transform_7, window_bounds = array<i64: 128, 1>}, {pipeline_mode = #tpu.pipeline_mode<synchronous>, transform_indices = @transform_8, window_bounds = array<i64: 128, 1>}, {transform_indices = @transform_9, window_bounds = array<i64: 1, 128, 2048>}]} {
    %get3A = arith.constant 0 : index
    %get3A_0 = arith.constant 0 : index
    %get3A_1 = vector.load %arg2[%get3A, %get3A_0] : memref<128x128xf32, #tpu.memory_space<vmem>>, vector<128x128xf32>
    %get3A_2 = arith.constant 0 : index
    %get3A_3 = arith.constant 0 : index
    %get3A_4 = vector.load %arg4[%get3A_2, %get3A_3] : memref<128x128xf32, #tpu.memory_space<vmem>>, vector<128x128xf32>
    %dot_general3A = arith.constant dense<0.000000e+00> : vector<128x128xf32>
    %dot_general3A_5 = tpu.matmul %get3A_1, %get3A_4, %dot_general3A {dimension_numbers = #tpu.dot_dimension_numbers<[1], [0], [0], [1], [0, 0, 1, 1], [], []>, precision = #tpu.contract_precision<fp32>, transpose_lhs_hint = false} : vector<128x128xf32>, vector<128x128xf32>, vector<128x128xf32> -> vector<128x128xf32>
    %get3A_6 = arith.constant 0 : index
    %get3A_7 = arith.constant 0 : index
    %get3A_8 = vector.load %arg3[%get3A_6, %get3A_7] : memref<2048x128xf32, #tpu.memory_space<vmem>>, vector<2048x128xf32>
    %convert_element_type3A = arith.truncf %get3A_8 : vector<2048x128xf32> to vector<2048x128xbf16>
    %convert_element_type3A_9 = arith.truncf %dot_general3A_5 : vector<128x128xf32> to vector<128x128xbf16>
    %dot_general3A_10 = arith.constant dense<0.000000e+00> : vector<2048x128xf32>
    %dot_general3A_11 = tpu.matmul %convert_element_type3A, %convert_element_type3A_9, %dot_general3A_10 {dimension_numbers = #tpu.dot_dimension_numbers<[1], [0], [0], [1], [0, 0, 1, 1], [], []>, transpose_lhs_hint = false} : vector<2048x128xbf16>, vector<128x128xbf16>, vector<2048x128xf32> -> vector<2048x128xf32>
    %get3A_12 = arith.constant 0 : index
    %get3A_13 = arith.constant 0 : index
    %get3A_14 = arith.constant 0 : index
    %get3A_15 = vector.load %arg1[%get3A_12, %get3A_13, %get3A_14] : memref<1x2048x128xf32, #tpu.memory_space<vmem>>, vector<1x2048x128xf32>
    %get3A_16 = vector.shape_cast %get3A_15 : vector<1x2048x128xf32> to vector<2048x128xf32>
    %add3A = arith.addf %get3A_16, %dot_general3A_11 : vector<2048x128xf32>
    %get3A_17 = arith.constant 0 : index
    %get3A_18 = arith.constant 0 : index
    %get3A_19 = vector.load %arg6[%get3A_17, %get3A_18] : memref<1x128xf32, #tpu.memory_space<vmem>>, vector<1x128xf32>
    %mul3A = vector.broadcast %get3A_19 : vector<1x128xf32> to vector<2048x128xf32>
    %mul3A_20 = arith.mulf %add3A, %mul3A : vector<2048x128xf32>
    %get3A_21 = arith.constant 0 : index
    %get3A_22 = arith.constant 0 : index
    %get3A_23 = vector.load %arg7[%get3A_21, %get3A_22] : memref<1x128xf32, #tpu.memory_space<vmem>>, vector<1x128xf32>
    %add3A_24 = vector.broadcast %get3A_23 : vector<1x128xf32> to vector<2048x128xf32>
    %add3A_25 = arith.addf %mul3A_20, %add3A_24 : vector<2048x128xf32>
    %max3A = arith.constant 0.000000e+00 : f32
    %max3A_26 = vector.broadcast %max3A : f32 to vector<2048x128xf32>
    %max3A_27 = arith.maximumf %add3A_25, %max3A_26 : vector<2048x128xf32>
    %get3A_28 = arith.constant 0 : index
    %get3A_29 = arith.constant 0 : index
    %get3A_30 = vector.load %arg5[%get3A_28, %get3A_29] : memref<128x128xf32, #tpu.memory_space<vmem>>, vector<128x128xf32>
    %convert_element_type3A_31 = arith.truncf %get3A_30 : vector<128x128xf32> to vector<128x128xbf16>
    %convert_element_type3A_32 = arith.truncf %max3A_27 : vector<2048x128xf32> to vector<2048x128xbf16>
    %dot_general3A_33 = arith.constant dense<0.000000e+00> : vector<128x2048xf32>
    %dot_general3A_34 = tpu.matmul %convert_element_type3A_31, %convert_element_type3A_32, %dot_general3A_33 {dimension_numbers = #tpu.dot_dimension_numbers<[1], [1], [0], [0], [0, 0, 1, 0], [], []>, transpose_lhs_hint = false} : vector<128x128xbf16>, vector<2048x128xbf16>, vector<128x2048xf32> -> vector<128x2048xf32>
    %get3A_35 = arith.constant 0 : index
    %get3A_36 = arith.constant 0 : index
    %get3A_37 = vector.load %arg8[%get3A_35, %get3A_36] : memref<128x1xf32, #tpu.memory_space<vmem>>, vector<128x1xf32>
    %mul3A_38 = vector.broadcast %get3A_37 : vector<128x1xf32> to vector<128x2048xf32>
    %mul3A_39 = arith.mulf %dot_general3A_34, %mul3A_38 : vector<128x2048xf32>
    %get3A_40 = arith.constant 0 : index
    %get3A_41 = arith.constant 0 : index
    %get3A_42 = vector.load %arg9[%get3A_40, %get3A_41] : memref<128x1xf32, #tpu.memory_space<vmem>>, vector<128x1xf32>
    %add3A_43 = vector.broadcast %get3A_42 : vector<128x1xf32> to vector<128x2048xf32>
    %add3A_44 = arith.addf %mul3A_39, %add3A_43 : vector<128x2048xf32>
    %max3A_45 = arith.constant 0.000000e+00 : f32
    %max3A_46 = vector.broadcast %max3A_45 : f32 to vector<128x2048xf32>
    %max3A_47 = arith.maximumf %add3A_44, %max3A_46 : vector<128x2048xf32>
    %swap3A = arith.constant 0 : index
    %swap3A_48 = arith.constant 0 : index
    %swap3A_49 = arith.constant 0 : index
    %swap3A_50 = vector.load %arg10[%swap3A, %swap3A_48, %swap3A_49] : memref<1x128x2048xf32, #tpu.memory_space<vmem>>, vector<1x128x2048xf32>
    %swap3A_51 = vector.shape_cast %swap3A_50 : vector<1x128x2048xf32> to vector<128x2048xf32>
    %swap3A_52 = vector.shape_cast %max3A_47 : vector<128x2048xf32> to vector<1x128x2048xf32>
    tpu.vector_store %arg10[%swap3A, %swap3A_48, %swap3A_49], %swap3A_52 {strides = array<i32>} : memref<1x128x2048xf32, #tpu.memory_space<vmem>>, vector<1x128x2048xf32>,
    return
  }
  func.func @transform_0(%arg0: i32) -> (i32, i32, i32) {
    %c0_i32 = arith.constant 0 : i32
    %c0_i32_0 = arith.constant 0 : i32
    %c0_i32_1 = arith.constant 0 : i32
    return %arg0, %c0_i32, %c0_i32_0 : i32, i32, i32
  }
  func.func @transform_1(%arg0: i32) -> (i32, i32) {
    %c0_i32 = arith.constant 0 : i32
    %c0_i32_0 = arith.constant 0 : i32
    return %arg0, %c0_i32 : i32, i32
  }
  func.func @transform_2(%arg0: i32) -> (i32, i32) {
    %c0_i32 = arith.constant 0 : i32
    %c0_i32_0 = arith.constant 0 : i32
    %c0_i32_1 = arith.constant 0 : i32
    return %c0_i32, %c0_i32_0 : i32, i32
  }
  func.func @transform_3(%arg0: i32) -> (i32, i32) {
    %c0_i32 = arith.constant 0 : i32
    %c0_i32_0 = arith.constant 0 : i32
    %c0_i32_1 = arith.constant 0 : i32
    return %c0_i32, %c0_i32_0 : i32, i32
  }
  func.func @transform_4(%arg0: i32) -> (i32, i32) {
    %c0_i32 = arith.constant 0 : i32
    %c0_i32_0 = arith.constant 0 : i32
    %c0_i32_1 = arith.constant 0 : i32
    return %c0_i32, %c0_i32_0 : i32, i32
  }
  func.func @transform_5(%arg0: i32) -> (i32, i32) {
    %c0_i32 = arith.constant 0 : i32
    %c0_i32_0 = arith.constant 0 : i32
    %c0_i32_1 = arith.constant 0 : i32
    return %c0_i32, %c0_i32_0 : i32, i32
  }
  func.func @transform_6(%arg0: i32) -> (i32, i32) {
    %c0_i32 = arith.constant 0 : i32
    %c0_i32_0 = arith.constant 0 : i32
    %c0_i32_1 = arith.constant 0 : i32
    return %c0_i32, %c0_i32_0 : i32, i32
  }
  func.func @transform_7(%arg0: i32) -> (i32, i32) {
    %c0_i32 = arith.constant 0 : i32
    %c0_i32_0 = arith.constant 0 : i32
    %c0_i32_1 = arith.constant 0 : i32
    return %c0_i32, %c0_i32_0 : i32, i32
  }
  func.func @transform_8(%arg0: i32) -> (i32, i32) {
    %c0_i32 = arith.constant 0 : i32
    %c0_i32_0 = arith.constant 0 : i32
    %c0_i32_1 = arith.constant 0 : i32
    return %c0_i32, %c0_i32_0 : i32, i32
  }
  func.func @transform_9(%arg0: i32) -> (i32, i32, i32) {
    %jit3A = arith.constant 16 : i32
    %div3A = arith.divsi %arg0, %jit3A : i32
    %sign3A = arith.constant 0 : i32
    %sign3A_0 = arith.cmpi sgt, %arg0, %sign3A : i32
    %sign3A_1 = arith.extui %sign3A_0 : i1 to i32
    %sign3A_2 = arith.constant 0 : i32
    %sign3A_3 = arith.cmpi slt, %arg0, %sign3A_2 : i32
    %sign3A_4 = arith.extui %sign3A_3 : i1 to i32
    %sign3A_5 = arith.subi %sign3A_1, %sign3A_4 : i32
    %sign3A_6 = arith.constant 0 : i32
    %sign3A_7 = arith.cmpi sgt, %jit3A, %sign3A_6 : i32
    %sign3A_8 = arith.extui %sign3A_7 : i1 to i32
    %sign3A_9 = arith.constant 0 : i32
    %sign3A_10 = arith.cmpi slt, %jit3A, %sign3A_9 : i32
    %sign3A_11 = arith.extui %sign3A_10 : i1 to i32
    %sign3A_12 = arith.subi %sign3A_8, %sign3A_11 : i32
    %ne3A = arith.cmpi ne, %sign3A_5, %sign3A_12 : i32
    %rem3A = arith.remsi %arg0, %jit3A : i32
    %ne3A_13 = arith.constant 0 : i32
    %ne3A_14 = arith.cmpi ne, %rem3A, %ne3A_13 : i32
    %and3A = arith.andi %ne3A, %ne3A_14 : i1
    %sub3A = arith.constant 1 : i32
    %sub3A_15 = arith.subi %div3A, %sub3A : i32
    %select_n3A = arith.select %and3A, %sub3A_15, %div3A : i32
    %jit3A_16 = arith.constant 16 : i32
    %eq3A = arith.constant 0 : i32
    %eq3A_17 = arith.cmpi eq, %jit3A_16, %eq3A : i32
    %jit3A_18 = arith.constant 1 : i32
    %select_n3A_19 = arith.select %eq3A_17, %jit3A_18, %jit3A_16 : i32
    %rem3A_20 = arith.remsi %arg0, %select_n3A_19 : i32
    %ne3A_21 = arith.constant 0 : i32
    %ne3A_22 = arith.cmpi ne, %rem3A_20, %ne3A_21 : i32
    %lt3A = arith.constant 0 : i32
    %lt3A_23 = arith.cmpi slt, %rem3A_20, %lt3A : i32
    %lt3A_24 = arith.constant 0 : i32
    %lt3A_25 = arith.cmpi slt, %select_n3A_19, %lt3A_24 : i32
    %ne3A_26 = arith.xori %lt3A_23, %lt3A_25 : i1
    %and3A_27 = arith.andi %ne3A_26, %ne3A_22 : i1
    %add3A = arith.addi %rem3A_20, %select_n3A_19 : i32
    %select_n3A_28 = arith.select %and3A_27, %add3A, %rem3A_20 : i32
    %c0_i32 = arith.constant 0 : i32
    %c0_i32_29 = arith.constant 0 : i32
    return %select_n3A, %c0_i32, %select_n3A_28 : i32, i32, i32
  }
}

</mosaic_0001>

<sc_bundles>
// kernel: kernel.9.cloned.1.call-start
scs
__scs_entry_jumppad:
0x0: {  	(pc) =	sbr.rel $0x88, $3  }
0x1: {  	(tag) =	ssettag $0x0;
	lr =	simm.s32 $0x1  }
0x2: {  	[smem:$0x3F98] =	sst lr;
	_ =	strace $0xD0000000  }
0x3: {  	_ = 	snop  }
0x4: {  	_ = 	snop  }
0x5: {  	_ = 	snop  }
0x6: {  	_ = 	snop  }
0x7: {  	_ = 	snop  }
__scs_overlays_trampoline_lowered:
0x8: {  	[smem:$0x3FA7] =	sst s0  }
0x9: {  	[smem:$0x3FA8] =	sst s1  }
0xa: {  	[smem:$0x3FA9] =	sst s2  }
0xb: {  	[smem:$0x3FAA] =	sst s3  }
0xc: {  	[smem:$0x3FAB] =	sst s4  }
0xd: {  	[smem:$0x3FAC] =	sst s5  }
0xe: {  	[smem:$0x3FAD] =	sst s6  }
0xf: {  	[smem:$0x3FAE] =	sst s7  }
0x10: {  	[smem:$0x3FAF] =	sst s8  }
0x11: {  	[smem:$0x3FB0] =	sst s9;
	s0 =	simm.s32 @!p0 $0x0  }
0x12: {  	s1 =	sld [smem:$0x3F96];
	s0 =	simm.s32 @p0 $0x1  }
0x13: {  	[smem:$0x3FB1] =	sst s0;
	s0 =	simm.s32 @!p1 $0x0  }
0x14: {  	s2 =	sld [smem:$0x3F95];
	s0 =	simm.s32 @p1 $0x1  }
0x15: {  	[smem:$0x3FB2] =	sst s0;
	s0 =	simm.s32 @!p2 $0x0  }
0x16: {  	s3 =	sld [smem:$0x3FDB];
	s0 =	simm.s32 @p2 $0x1  }
0x17: {  	s4 =	simm.s32 $0x1BF5;
	[smem:$0x3FB4] =	sst s0  }
0x18: {  	s0 =	sld [smem:$0x3F97];
	_ =	swait.ge [sflag:s4], $0x0  }
0x19: {  	s7 =	sld [smem:$0x3F98]  }
0x1a: {  	s8 =	sadd.s32 $0xFFFFE003, lr  }
0x1b: {  	s9 =	sadd.s32 $0xFFFFFEF7, lr;
	s5 =	simm.s32 $0xFFFFFFFF;
	p2 =	slt.u32 s8, $0xFFFFF086  }
0x1c: {  	p1 =	slt.u32 s9, $0xF7A;
	s5 =	simm.s32 @!p2 $0x0  }
0x1d: {  	s5 =	simm.s32 @p1 $0x1;
	p0 =	seq.s32 s7, s2  }
0x1e: {  	s7 =	smul.u32 @!p0 $0xF7A, s2;
	p2 =	seq.s32 @!p0 s5, $0x0  }
0x1f: {  	s9 =	smul.u32 $0xF7A, s1;
	s8 =	simm.s32 @!p0 $0x1BF5;
	p2 =	por !p2, p0  }
0x20: {  	[sflag:s8] =	ssyncset.s32 @!p0 $0xFFFFF086;
	s6 =	sadd.s32 @!p0 s3, s7;
	s7 =	simm.s32 @!p0 $0x108  }
0x21: {  	s3 =	sadd.s32 s3, s9;
	s6 =	sadd.s32 @!p0 $0x88, s6;
	s7 =	simm.s32 @p2 $0x1082  }
0x22: {  	[simem:s7], [sflag:s8] =	dma.local @!p0 [hbm:s6], $0xF7A  }
0x23: {  	s9 =	sor.u32 $0xD0000000, s2;
	s6 =	simm.s32 $0x108;
	_ =	swait.ge @!p0 [sflag:s8], $0x0  }
0x24: {  	s3 =	sadd.s32 $0x88, s3;
	s6 =	simm.s32 @!p1 $0x1082;
	[sflag:s4] =	ssyncset.s32 $0xFFFFF086  }
0x25: {  	[simem:s6], [sflag:s4] =	dma.local [hbm:s3], $0xF7A  }
0x26: {  	[smem:$0x3F98] =	sst s1;
	(tag) =	ssettag s2;
	_ =	strace s9  }
0x27: {  	s1 =	sld [smem:$0x3FA8]  }
0x28: {  	s2 =	sld [smem:$0x3FA9]  }
0x29: {  	s4 =	sld [smem:$0x3FAB]  }
0x2a: {  	p0 =	seq.s32 s5, $0x0;
	s5 =	sld [smem:$0x3FAC]  }
0x2b: {  	s6 =	sld [smem:$0x3FAD]  }
0x2c: {  	s7 =	sld [smem:$0x3FAE]  }
0x2d: {  	s3 =	simm.s32 $0x108;
	s8 =	sld [smem:$0x3FAF]  }
0x2e: {  	s3 =	simm.s32 @!p0 $0x1082;
	s9 =	sld [smem:$0x3FB0]  }
0x2f: {  	lr =	sadd.s32 s0, s3;
	s0 =	sld [smem:$0x3FA7]  }
0x30: {  	s3 =	sld [smem:$0x3FAA]  }
0x31: {  	[smem:$0x3FB3] =	sst s10  }
0x32: {  	s10 =	sld [smem:$0x3FB1];
	_ =	sdelay $0x3  }
0x33: {  	p0 =	seq.s32 s10, $0x1;
	s10 =	sld [smem:$0x3FB3];
	_ =	sdelay $0x3  }
0x34: {  	[smem:$0x3FB3] =	sst s10  }
0x35: {  	s10 =	sld [smem:$0x3FB2];
	_ =	sdelay $0x3  }
0x36: {  	p1 =	seq.s32 s10, $0x1;
	s10 =	sld [smem:$0x3FB3];
	_ =	sdelay $0x3  }
0x37: {  	[smem:$0x3FB3] =	sst s10  }
0x38: {  	s10 =	sld [smem:$0x3FB4]  }
0x39: {  	_ = 	snop;
	(pc) =	sbr.ind lr, $3  }
0x3a: {  	_ = 	snop  }
0x3b: {  	_ = 	snop  }
0x3c: {  	p2 =	seq.s32 s10, $0x1;
	s10 =	sld [smem:$0x3FB3]  }
0x3d: {  	_ =	shalt  }
0x3e: {  	_ =	shalt  }
0x3f: {  	_ =	shalt  }
0x40: {  	_ =	shalt  }
0x41: {  	_ =	shalt  }
0x42: {  	_ =	shalt  }
0x43: {  	_ =	shalt  }
0x44: {  	_ =	shalt  }
0x45: {  	_ =	shalt  }
0x46: {  	_ =	shalt  }
0x47: {  	_ =	shalt  }
0x48: {  	_ =	shalt  }
0x49: {  	_ =	shalt  }
0x4a: {  	_ =	shalt  }
0x4b: {  	_ =	shalt  }
0x4c: {  	_ =	shalt  }
0x4d: {  	_ =	shalt  }
0x4e: {  	_ =	shalt  }
0x4f: {  	_ =	shalt  }
0x50: {  	_ =	shalt  }
0x51: {  	_ =	shalt  }
0x52: {  	_ =	shalt  }
0x53: {  	_ =	shalt  }
0x54: {  	_ =	shalt  }
0x55: {  	_ =	shalt  }
0x56: {  	_ =	shalt  }
0x57: {  	_ =	shalt  }
0x58: {  	_ =	shalt  }
0x59: {  	_ =	shalt  }
0x5a: {  	_ =	shalt  }
0x5b: {  	_ =	shalt  }
0x5c: {  	_ =	shalt  }
0x5d: {  	_ =	shalt  }
0x5e: {  	_ =	shalt  }
0x5f: {  	_ =	shalt  }
0x60: {  	_ =	shalt  }
0x61: {  	_ =	shalt  }
0x62: {  	_ =	shalt  }
0x63: {  	_ =	shalt  }
0x64: {  	_ =	shalt  }
0x65: {  	_ =	shalt  }
0x66: {  	_ =	shalt  }
0x67: {  	_ =	shalt  }
0x68: {  	_ =	shalt  }
0x69: {  	_ =	shalt  }
0x6a: {  	_ =	shalt  }
0x6b: {  	_ =	shalt  }
0x6c: {  	_ =	shalt  }
0x6d: {  	_ =	shalt  }
0x6e: {  	_ =	shalt  }
0x6f: {  	_ =	shalt  }
0x70: {  	_ =	shalt  }
0x71: {  	_ =	shalt  }
0x72: {  	_ =	shalt  }
0x73: {  	_ =	shalt  }
0x74: {  	_ =	shalt  }
0x75: {  	_ =	shalt  }
0x76: {  	_ =	shalt  }
0x77: {  	_ =	shalt  }
0x78: {  	_ =	shalt  }
0x79: {  	_ =	shalt  }
0x7a: {  	_ =	shalt  }
0x7b: {  	_ =	shalt  }
0x7c: {  	_ =	shalt  }
0x7d: {  	_ =	shalt  }
0x7e: {  	_ =	shalt  }
0x7f: {  	_ =	shalt  }
0x80: {  	_ =	shalt  }
0x81: {  	_ =	shalt  }
0x82: {  	_ =	shalt  }
0x83: {  	_ =	shalt  }
0x84: {  	_ =	shalt  }
0x85: {  	_ =	shalt  }
0x86: {  	_ =	shalt  }
0x87: {  	_ =	shalt  }
.Lfunc_end0:
.L_simem_size_0:
called_computation.1_lowered:
.L_overlay_start_0:
0x88: {  	s2 =	sld [smem:$0x3FD9]  }
0x89: {  	s3 =	sld [smem:$0x3FFE];
	_ =	sdelay $0x1  }
0x8a: {  	s1 =	srdreg.scid  }
0x8b: {  	s0 =	sand.u32 $0x1, s1  }
0x8c: {  	s17 =	sshll.u32 s0, $0xA;
	s2 =	sadd.s32 s3, s2  }
0x8d: {  	s2 =	sadd.s32 s2, s17  }
0x8e: {  	[smem:$0x3FBF] =	sst s2  }
0x8f: {  	_ = 	snop  }
0x90: {  	s2 =	sld [smem:$0x3FD0];
	(tm) =	ssettm $0x1  }
0x91: {  	s18 =	sld [smem:$0x3FFB];
	_ =	sdelay $0x3  }
0x92: {  	_ =	strace s18  }
0x93: {  	s3 =	sld [smem:$0x3FFC];
	_ =	sdelay $0x3  }
0x94: {  	_ =	strace s3  }
0x95: {  	s3 =	sld [smem:$0x3FFD];
	_ =	sdelay $0x3  }
0x96: {  	_ =	strace s3  }
0x97: {  	_ =	strace $0x8FFFFFFF  }
0x98: {  	s19 =	sld [smem:$0x3FDB];
	_ =	sdelay $0x1  }
0x99: {  	s4 =	simm.s32 $_scs_section_size  }
0x9a: {  	s5 =	simm.s32 $_size__tile_overlayer_lowered;
	s6 =	simm.s32 $_tile_overlayer_lowered  }
0x9b: {  	s22 =	simm.s32 $0x1BFF;
	s21 =	sshll.u32 s6, $0x1;
	s3 =	sadd.s32 s4, s19  }
0x9c: {  	s7 =	simm.s32 $0x0;
	s20 =	sshll.u32 s5, $0x1;
	s5 =	sadd.s32 s21, s3  }
0x9d: {  	[timem:s7], [sflag:s22] =	dma.local [hbm:s5], s20  }
0x9e: {  	_ =	swait.ge [sflag:s22], s20  }
0x9f: {  	s4 =	ssub.s32 $0x0, s20;
	[sflag:s22] =	ssyncset.done $0x0  }
0xa0: {  	[sflag:s22] =	ssyncadd.s32 s4;
	_ =	sdelay $0x1  }
0xa1: {  	s23 =	simm.s32 $0x1B8B  }
0xa2: {  	_ =	swait.ge [sflag:s23], $0x1  }
0xa3: {  	[sflag:s23] =	ssyncset.done $0x0  }
0xa4: {  	s25 =	simm.s32 $0x1B8E;
	s24 =	sld [smem:$0x3FFE];
	[sflag:s23] =	ssyncadd.s32 $0xFFFFFFFF  }
0xa5: {  	s26 =	simm.s32 $execute0_lowered;
	[smem:$0x3FD2] =	sst s25  }
0xa6: {  	s5 =	sshll.u32 s26, $0x1;
	_ =	strace $0x80000046;
	[dreg:$0x1] =	wrdreg $0xFFFFFFFF  }
0xa7: {  	s28 =	simm.s32 $_size_execute0_lowered;
	s3 =	sadd.s32 s3, s5;
	[dreg:$0x0] =	wrdreg $0x0  }
0xa8: {  	s5 =	sshll.u32 s28, $0x1;
	[dreg:$0x2] =	wrdreg s3  }
0xa9: {  	[dreg:$0x3] =	wrdreg s5  }
0xaa: {  	[dreg:$0x4] =	wrdreg $0xC0  }
0xab: {  	_ =	task [dreg:s7], $0x5FFFF  }
0xac: {  	[dreg:$0x1] =	wrdreg $0xFFFFFFFF  }
0xad: {  	[dreg:$0x0] =	wrdreg $0x60  }
0xae: {  	[dreg:$0x2] =	wrdreg s2  }
0xaf: {  	[dreg:$0x3] =	wrdreg s24  }
0xb0: {  	[dreg:$0x4] =	wrdreg $0x9  }
0xb1: {  	_ =	task.clear_ibuf [dreg:s7], $0x5FFFF;
	_ =	strace $0x90000046  }
0xb2: {  	s29 =	simm.s32 $0x9;
	_ =	strace $0x80000048  }
0xb3: {  	_ =	swait.ge [sflag:s29], $0x1  }
0xb4: {  	[sflag:s29] =	ssyncadd.s32 $0xFFFFFFFF  }
0xb5: {  	_ =	strace $0x90000048  }
0xb6: {  	_ =	sfence  }
0xb7: {  	s30 =	sld [smem:$0x0];
	_ =	sdelay $0x2  }
0xb8: {  	s31 =	sshll.u32 s1, $0xD;
	s1 =	sshrl.u32 s1, $0x2  }
0xb9: {  	s3 =	sand.u32 $0x4000, s31;
	s1 =	sadd.s32 s1, s30  }
0xba: {  	s0 =	sor.u32 s3, s0;
	s1 =	sshll.u32 s1, $0x11  }
0xbb: {  	s0 =	sor.u32 s1, s0  }
0xbc: {  	s0 =	sadd.s32 $0x8F2B, s0  }
0xbd: {  	[sflag:s0] =	ssyncadd.remote.s32 $0x1  }
0xbe: {  	_ =	sfence.sel $0xFFFF  }
0xbf: {  	[dreg:$0x0] =	wrdreg $0xFFFFFFFF;
	(pc) =	sbr.abs _section_cstart, $3  }
0xc0: {  	[dreg:$0x1] =	wrdreg $0xFFFFFFFF  }
0xc1: {  	_ =	task.clear_ibuf [dreg:s7], $0x2FFFF;
	_ =	strace $0x9FFFFFFF  }
0xc2: {  	(tm) =	ssettm $0x7FFFFFFF  }
0xc3: {  	_ =	shalt  }
tec
execute0_lowered:
.L_overlay_start_1:
0x0: {  	(tag) =	ssettag $0x1  }
0x1: {  	s1 =	rddreg [dreg:$0x0]  }
0x2: {  	s0 =	rddreg [dreg:$0x1];
	s3 =	simm.s32 $0x0;
	s2 =	srdreg.scid  }
0x3: {  	s4 =	stileid.u32;
	s22 =	simm.s32 $0x3;
	s23 =	simm.s32 $0x100  }
0x4: {  	s25 =	simm.s32 $0x9000;
	s28 =	simm.s32 $0x11000;
	s29 =	simm.s32 $0x1  }
0x5: {  	s31 =	simm.s32 $0x2;
	s24 =	simm.s32 $0x8F00;
	s26 =	simm.s32 $0x0  }
0x6: {  	[smem:$0x7FF] =	sst s3;
	s2 =	sand.u32 $0x1, s2;
	s4 =	sshll.u32 s4, $0x1  }
0x7: {  	_ =	strace $0x80000047;
	s4 =	sor.u32 s2, s4;
	s2 =	ssub.s32 $0x2, s2  }
0x8: {  	s5 =	sshll.u32 s4, $0xC;
	s4 =	sshll.u32 s4, $0x10;
	s30 =	sshrl.u32 s2, $0x1  }
0x9: {  	s5 =	sadd.s32 s5, s0;
	s0 =	sadd.s32 s4, s0;
	s2 =	ssub.s32 s2, s30  }
0xa: {  	s4 =	sadd.s32 $0x1C00, s5;
	s5 =	sadd.s32 $0x21C00, s0;
	s6 =	sadd.s32 $0x22C00, s0  }
0xb: {  	s7 =	sadd.s32 $0x23C00, s0;
	s8 =	sadd.s32 $0x24C00, s0;
	s9 =	sadd.s32 $0x25C00, s0  }
0xc: {  	s10 =	sadd.s32 $0x26C00, s0;
	s11 =	sadd.s32 $0x27C00, s0;
	s12 =	sadd.s32 $0x28C00, s0  }
0xd: {  	s13 =	sadd.s32 $0x29C00, s0;
	s14 =	sadd.s32 $0x2AC00, s0;
	s15 =	sadd.s32 $0x2BC00, s0  }
0xe: {  	s16 =	sadd.s32 $0x2CC00, s0;
	s17 =	sadd.s32 $0x2DC00, s0;
	s18 =	sadd.s32 $0x2EC00, s0  }
0xf: {  	s19 =	sadd.s32 $0x2FC00, s0;
	s20 =	sadd.s32 $0x30C00, s0;
	s21 =	smax.u32 s2, $0x1  }
.LBB2_1:
0x10: {  	[tilespmem:s3], [sflag:$0x3] =	stream.linear.gather [hbm4b:s4+s3], $0x8000, $0x38;
	[tilespmem:$0x19000] =	vst v63  }
0x11: {  	_ =	swait.ge [sflag:s22], $0x8000  }
0x12: {  	[sflag:s22] =	ssyncset.done $0x0  }
0x13: {  	[sflag:s22] =	ssyncadd.s32 $0xFFFF8000  }
0x14: {  	v0 =	vld [tilespmem:s3+$0x0];
	_ =	sdelay $0x2  }
0x15: {  	s30 =	simm.s32 $0x40;
	s2 =	simm.s32 $0x0;
	s0 =	simm.s32 $0x0  }
.LBB2_2:
0x16: {  	p0 =	sne.s32 s30, $0x3FC0  }
0x17: {  	[tilespmem:s2+$0x8000] =	vst v0;
	s0 =	sadd.s32 $0x80, s0;
	s2 =	smov.u32 s30;
	s30 =	sadd.s32 $0x40, s30  }
.Ltmp0:
0x18: {  	v0 =	vld [tilespmem:s0+$0x0];
	(pc) =	sbr.rel @p0 .LBB2_2-.Ltmp0, $2  }
0x19: {  	_ =	sdelay $0x2  }
0x1a: {  	s2 =	sshra.s32 s2, $0x2  }
0x1b: {  	[tilespmem:s2+$0x8000] =	vst v0;
	s0 =	simm.s32 $0x8000  }
0x1c: {  	[tilespmem:s25], [sflag:$0x1] =	stream.indirect.gather [hbm4b:s1+s23], $0x80, s0, s23, $0xb8;
	[tilespmem:$0x19000] =	vst v63  }
0x1d: {  	s2 =	simm.s32 $0x8100  }
0x1e: {  	[tilespmem:s28], [sflag:$0x2] =	stream.indirect.gather [hbm4b:s1+s23], $0x80, s2, s23, $0xb8;
	[tilespmem:$0x19000] =	vst v63  }
0x1f: {  	_ =	swait.ge [sflag:s29], $0x8000  }
0x20: {  	[sflag:s29] =	ssyncset.done $0x0  }
0x21: {  	[sflag:s29] =	ssyncadd.s32 $0xFFFF8000  }
0x22: {  	[hbm4b:s5+s3] =	stream.linear.scatter [tilespmem:s25], [sflag:$0x3], $0x8000, $0x38;
	[tilespmem:$0x19000] =	vst v63  }
0x23: {  	_ =	swait.ge [sflag:s22], $0x8000  }
0x24: {  	[sflag:s22] =	ssyncset.done $0x0  }
0x25: {  	s30 =	simm.s32 $0x8200;
	[sflag:s22] =	ssyncadd.s32 $0xFFFF8000  }
0x26: {  	[tilespmem:s25], [sflag:$0x1] =	stream.indirect.gather [hbm4b:s1+s23], $0x80, s30, s23, $0xb8;
	[tilespmem:$0x19000] =	vst v63  }
0x27: {  	_ =	swait.ge [sflag:s31], $0x8000  }
0x28: {  	[sflag:s31] =	ssyncset.done $0x0  }
0x29: {  	[sflag:s31] =	ssyncadd.s32 $0xFFFF8000  }
0x2a: {  	[hbm4b:s6+s3] =	stream.linear.scatter [tilespmem:s28], [sflag:$0x3], $0x8000, $0x38;
	[tilespmem:$0x19000] =	vst v63  }
0x2b: {  	_ =	swait.ge [sflag:s22], $0x8000  }
0x2c: {  	[sflag:s22] =	ssyncset.done $0x0  }
0x2d: {  	s2 =	simm.s32 $0x8300;
	[sflag:s22] =	ssyncadd.s32 $0xFFFF8000  }
0x2e: {  	[tilespmem:s28], [sflag:$0x2] =	stream.indirect.gather [hbm4b:s1+s23], $0x80, s2, s23, $0xb8;
	[tilespmem:$0x19000] =	vst v63  }
0x2f: {  	_ =	swait.ge [sflag:s29], $0x8000  }
0x30: {  	[sflag:s29] =	ssyncset.done $0x0  }
0x31: {  	[sflag:s29] =	ssyncadd.s32 $0xFFFF8000  }
0x32: {  	[hbm4b:s7+s3] =	stream.linear.scatter [tilespmem:s25], [sflag:$0x3], $0x8000, $0x38;
	[tilespmem:$0x19000] =	vst v63  }
0x33: {  	_ =	swait.ge [sflag:s22], $0x8000  }
0x34: {  	[sflag:s22] =	ssyncset.done $0x0  }
0x35: {  	s30 =	simm.s32 $0x8400;
	[sflag:s22] =	ssyncadd.s32 $0xFFFF8000  }
0x36: {  	[tilespmem:s25], [sflag:$0x1] =	stream.indirect.gather [hbm4b:s1+s23], $0x80, s30, s23, $0xb8;
	[tilespmem:$0x19000] =	vst v63  }
0x37: {  	_ =	swait.ge [sflag:s31], $0x8000  }
0x38: {  	[sflag:s31] =	ssyncset.done $0x0  }
0x39: {  	[sflag:s31] =	ssyncadd.s32 $0xFFFF8000  }
0x3a: {  	[hbm4b:s8+s3] =	stream.linear.scatter [tilespmem:s28], [sflag:$0x3], $0x8000, $0x38;
	[tilespmem:$0x19000] =	vst v63  }
0x3b: {  	_ =	swait.ge [sflag:s22], $0x8000  }
0x3c: {  	[sflag:s22] =	ssyncset.done $0x0  }
0x3d: {  	s2 =	simm.s32 $0x8500;
	[sflag:s22] =	ssyncadd.s32 $0xFFFF8000  }
0x3e: {  	[tilespmem:s28], [sflag:$0x2] =	stream.indirect.gather [hbm4b:s1+s23], $0x80, s2, s23, $0xb8;
	[tilespmem:$0x19000] =	vst v63  }
0x3f: {  	_ =	swait.ge [sflag:s29], $0x8000  }
0x40: {  	[sflag:s29] =	ssyncset.done $0x0  }
0x41: {  	[sflag:s29] =	ssyncadd.s32 $0xFFFF8000  }
0x42: {  	[hbm4b:s9+s3] =	stream.linear.scatter [tilespmem:s25], [sflag:$0x3], $0x8000, $0x38;
	[tilespmem:$0x19000] =	vst v63  }
0x43: {  	_ =	swait.ge [sflag:s22], $0x8000  }
0x44: {  	[sflag:s22] =	ssyncset.done $0x0  }
0x45: {  	s30 =	simm.s32 $0x8600;
	[sflag:s22] =	ssyncadd.s32 $0xFFFF8000  }
0x46: {  	[tilespmem:s25], [sflag:$0x1] =	stream.indirect.gather [hbm4b:s1+s23], $0x80, s30, s23, $0xb8;
	[tilespmem:$0x19000] =	vst v63  }
0x47: {  	_ =	swait.ge [sflag:s31], $0x8000  }
0x48: {  	[sflag:s31] =	ssyncset.done $0x0  }
0x49: {  	[sflag:s31] =	ssyncadd.s32 $0xFFFF8000  }
0x4a: {  	[hbm4b:s10+s3] =	stream.linear.scatter [tilespmem:s28], [sflag:$0x3], $0x8000, $0x38;
	[tilespmem:$0x19000] =	vst v63  }
0x4b: {  	_ =	swait.ge [sflag:s22], $0x8000  }
0x4c: {  	[sflag:s22] =	ssyncset.done $0x0  }
0x4d: {  	s2 =	simm.s32 $0x8700;
	[sflag:s22] =	ssyncadd.s32 $0xFFFF8000  }
0x4e: {  	[tilespmem:s28], [sflag:$0x2] =	stream.indirect.gather [hbm4b:s1+s23], $0x80, s2, s23, $0xb8;
	[tilespmem:$0x19000] =	vst v63  }
0x4f: {  	_ =	swait.ge [sflag:s29], $0x8000  }
0x50: {  	[sflag:s29] =	ssyncset.done $0x0  }
0x51: {  	[sflag:s29] =	ssyncadd.s32 $0xFFFF8000  }
0x52: {  	[hbm4b:s11+s3] =	stream.linear.scatter [tilespmem:s25], [sflag:$0x3], $0x8000, $0x38;
	[tilespmem:$0x19000] =	vst v63  }
0x53: {  	_ =	swait.ge [sflag:s22], $0x8000  }
0x54: {  	[sflag:s22] =	ssyncset.done $0x0  }
0x55: {  	s30 =	simm.s32 $0x8800;
	[sflag:s22] =	ssyncadd.s32 $0xFFFF8000  }
0x56: {  	[tilespmem:s25], [sflag:$0x1] =	stream.indirect.gather [hbm4b:s1+s23], $0x80, s30, s23, $0xb8;
	[tilespmem:$0x19000] =	vst v63  }
0x57: {  	_ =	swait.ge [sflag:s31], $0x8000  }
0x58: {  	[sflag:s31] =	ssyncset.done $0x0  }
0x59: {  	[sflag:s31] =	ssyncadd.s32 $0xFFFF8000  }
0x5a: {  	[hbm4b:s12+s3] =	stream.linear.scatter [tilespmem:s28], [sflag:$0x3], $0x8000, $0x38;
	[tilespmem:$0x19000] =	vst v63  }
0x5b: {  	_ =	swait.ge [sflag:s22], $0x8000  }
0x5c: {  	[sflag:s22] =	ssyncset.done $0x0  }
0x5d: {  	s2 =	simm.s32 $0x8900;
	[sflag:s22] =	ssyncadd.s32 $0xFFFF8000  }
0x5e: {  	[tilespmem:s28], [sflag:$0x2] =	stream.indirect.gather [hbm4b:s1+s23], $0x80, s2, s23, $0xb8;
	[tilespmem:$0x19000] =	vst v63  }
0x5f: {  	_ =	swait.ge [sflag:s29], $0x8000  }
0x60: {  	[sflag:s29] =	ssyncset.done $0x0  }
0x61: {  	[sflag:s29] =	ssyncadd.s32 $0xFFFF8000  }
0x62: {  	[hbm4b:s13+s3] =	stream.linear.scatter [tilespmem:s25], [sflag:$0x3], $0x8000, $0x38;
	[tilespmem:$0x19000] =	vst v63  }
0x63: {  	_ =	swait.ge [sflag:s22], $0x8000  }
0x64: {  	[sflag:s22] =	ssyncset.done $0x0  }
0x65: {  	s30 =	simm.s32 $0x8A00;
	[sflag:s22] =	ssyncadd.s32 $0xFFFF8000  }
0x66: {  	[tilespmem:s25], [sflag:$0x1] =	stream.indirect.gather [hbm4b:s1+s23], $0x80, s30, s23, $0xb8;
	[tilespmem:$0x19000] =	vst v63  }
0x67: {  	_ =	swait.ge [sflag:s31], $0x8000  }
0x68: {  	[sflag:s31] =	ssyncset.done $0x0  }
0x69: {  	[sflag:s31] =	ssyncadd.s32 $0xFFFF8000  }
0x6a: {  	[hbm4b:s14+s3] =	stream.linear.scatter [tilespmem:s28], [sflag:$0x3], $0x8000, $0x38;
	[tilespmem:$0x19000] =	vst v63  }
0x6b: {  	_ =	swait.ge [sflag:s22], $0x8000  }
0x6c: {  	[sflag:s22] =	ssyncset.done $0x0  }
0x6d: {  	s2 =	simm.s32 $0x8B00;
	[sflag:s22] =	ssyncadd.s32 $0xFFFF8000  }
0x6e: {  	[tilespmem:s28], [sflag:$0x2] =	stream.indirect.gather [hbm4b:s1+s23], $0x80, s2, s23, $0xb8;
	[tilespmem:$0x19000] =	vst v63  }
0x6f: {  	_ =	swait.ge [sflag:s29], $0x8000  }
0x70: {  	[sflag:s29] =	ssyncset.done $0x0  }
0x71: {  	[sflag:s29] =	ssyncadd.s32 $0xFFFF8000  }
0x72: {  	[hbm4b:s15+s3] =	stream.linear.scatter [tilespmem:s25], [sflag:$0x3], $0x8000, $0x38;
	[tilespmem:$0x19000] =	vst v63  }
0x73: {  	_ =	swait.ge [sflag:s22], $0x8000  }
0x74: {  	[sflag:s22] =	ssyncset.done $0x0  }
0x75: {  	s30 =	simm.s32 $0x8C00;
	[sflag:s22] =	ssyncadd.s32 $0xFFFF8000  }
0x76: {  	[tilespmem:s25], [sflag:$0x1] =	stream.indirect.gather [hbm4b:s1+s23], $0x80, s30, s23, $0xb8;
	[tilespmem:$0x19000] =	vst v63  }
0x77: {  	_ =	swait.ge [sflag:s31], $0x8000  }
0x78: {  	[sflag:s31] =	ssyncset.done $0x0  }
0x79: {  	[sflag:s31] =	ssyncadd.s32 $0xFFFF8000  }
0x7a: {  	[hbm4b:s16+s3] =	stream.linear.scatter [tilespmem:s28], [sflag:$0x3], $0x8000, $0x38;
	[tilespmem:$0x19000] =	vst v63  }
0x7b: {  	_ =	swait.ge [sflag:s22], $0x8000  }
0x7c: {  	[sflag:s22] =	ssyncset.done $0x0  }
0x7d: {  	s2 =	simm.s32 $0x8D00;
	[sflag:s22] =	ssyncadd.s32 $0xFFFF8000  }
0x7e: {  	[tilespmem:s28], [sflag:$0x2] =	stream.indirect.gather [hbm4b:s1+s23], $0x80, s2, s23, $0xb8;
	[tilespmem:$0x19000] =	vst v63  }
0x7f: {  	_ =	swait.ge [sflag:s29], $0x8000  }
0x80: {  	[sflag:s29] =	ssyncset.done $0x0  }
0x81: {  	[sflag:s29] =	ssyncadd.s32 $0xFFFF8000  }
0x82: {  	[hbm4b:s17+s3] =	stream.linear.scatter [tilespmem:s25], [sflag:$0x3], $0x8000, $0x38;
	[tilespmem:$0x19000] =	vst v63  }
0x83: {  	_ =	swait.ge [sflag:s22], $0x8000  }
0x84: {  	[sflag:s22] =	ssyncset.done $0x0  }
0x85: {  	s30 =	simm.s32 $0x8E00;
	[sflag:s22] =	ssyncadd.s32 $0xFFFF8000  }
0x86: {  	[tilespmem:s25], [sflag:$0x1] =	stream.indirect.gather [hbm4b:s1+s23], $0x80, s30, s23, $0xb8;
	[tilespmem:$0x19000] =	vst v63  }
0x87: {  	_ =	swait.ge [sflag:s31], $0x8000  }
0x88: {  	[sflag:s31] =	ssyncset.done $0x0  }
0x89: {  	[sflag:s31] =	ssyncadd.s32 $0xFFFF8000  }
0x8a: {  	[hbm4b:s18+s3] =	stream.linear.scatter [tilespmem:s28], [sflag:$0x3], $0x8000, $0x38;
	[tilespmem:$0x19000] =	vst v63  }
0x8b: {  	_ =	swait.ge [sflag:s22], $0x8000  }
0x8c: {  	[sflag:s22] =	ssyncset.done $0x0  }
0x8d: {  	[sflag:s22] =	ssyncadd.s32 $0xFFFF8000  }
0x8e: {  	[tilespmem:s28], [sflag:$0x2] =	stream.indirect.gather [hbm4b:s1+s23], $0x80, s24, s23, $0xb8;
	[tilespmem:$0x19000] =	vst v63  }
0x8f: {  	_ =	swait.ge [sflag:s29], $0x8000  }
0x90: {  	[sflag:s29] =	ssyncset.done $0x0  }
0x91: {  	[sflag:s29] =	ssyncadd.s32 $0xFFFF8000  }
0x92: {  	[hbm4b:s19+s3] =	stream.linear.scatter [tilespmem:s25], [sflag:$0x3], $0x8000, $0x38;
	[tilespmem:$0x19000] =	vst v63  }
0x93: {  	_ =	swait.ge [sflag:s22], $0x8000  }
0x94: {  	[sflag:s22] =	ssyncset.done $0x0  }
0x95: {  	[sflag:s22] =	ssyncadd.s32 $0xFFFF8000  }
0x96: {  	s26 =	sadd.s32 $0x1, s26;
	_ =	swait.ge [sflag:s31], $0x8000  }
0x97: {  	p0 =	sne.s32 s26, s21;
	[sflag:s31] =	ssyncset.done $0x0  }
.Ltmp1:
0x98: {  	[sflag:s31] =	ssyncadd.s32 $0xFFFF8000;
	(pc) =	sbr.rel @p0 .LBB2_1-.Ltmp1, $4  }
0x99: {  	[hbm4b:s20+s3] =	stream.linear.scatter [tilespmem:s28], [sflag:$0x3], $0x8000, $0x38;
	[tilespmem:$0x19000] =	vst v63  }
0x9a: {  	_ =	swait.ge [sflag:s22], $0x8000  }
0x9b: {  	[sflag:s22] =	ssyncset.done $0x0  }
0x9c: {  	[sflag:s22] =	ssyncadd.s32 $0xFFFF8000  }
0x9d: {  	_ =	sfence.sel $0x180000  }
0x9e: {  	[bflag:$0x0] =	sbarrier.arrive $0xFFFF  }
0x9f: {  	_ =	strace $0x90000047  }
0xa0: {  	s0 =	stileid.u32;
	[bflag:$0x2] =	sbarrier.arrive $0xFFFF  }
0xa1: {  	p0 =	sne.s32 s0, $0x0;
	s0 =	rddreg [dreg:$0x2]  }
0xa2: {  	s0 =	sadd.s32 @!p0 $0x100000, s0  }
0xa3: {  	[sflag:s0] =	ssyncadd.tile.s32 @!p0 $0x1;
	_ =	shalt  }
.Lfunc_end2:
_tile_overlayer_lowered:
.L_overlay_start_2:
0xa4: {  	(tag) =	ssettag $0x2  }
0xa5: {  	s0 =	rddreg [dreg:$0x0];
	s2 =	stileid.u32  }
0xa6: {  	s1 =	rddreg [dreg:$0x1];
	p0 =	sne.s32 s2, $0x0  }
0xa7: {  	s3 =	rddreg [dreg:$0x2];
	[bflag:$0x3] =	sbarrier.arrive $0xFFFF;
	s2 =	simm.s32 @!p0 $0x1C03  }
0xa8: {  	[timem:s3], [sflag:s2] =	dma.local @!p0 [hbm:s0], s1  }
0xa9: {  	s0 =	simm.s32 @!p0 $0x3  }
0xaa: {  	_ =	swait.ge @!p0 [sflag:s0], s1  }
0xab: {  	s1 =	ssub.s32 @!p0 $0x0, s1;
	[sflag:s0] =	ssyncset.done @!p0 $0x0  }
0xac: {  	[sflag:s0] =	ssyncadd.s32 @!p0 s1  }
0xad: {  	[bflag:$0x3] =	sbarrier.arrive $0xFFFF  }
0xae: {  	_ =	shalt  }

// kernel: sparse-core-data-format-call.cloned.1.call-start
scs
called_computation_lowered:
.L_overlay_start_0:
0x0: {  	s2 =	sld [smem:$0x3FD9]  }
0x1: {  	s3 =	sld [smem:$0x3FFE];
	_ =	sdelay $0x1  }
0x2: {  	s1 =	srdreg.scid  }
0x3: {  	s0 =	sand.u32 $0x1, s1  }
0x4: {  	s18 =	sshll.u32 s0, $0xA;
	s2 =	sadd.s32 s3, s2  }
0x5: {  	s2 =	sadd.s32 s2, s18  }
0x6: {  	[smem:$0x3FBF] =	sst s2  }
0x7: {  	_ = 	snop  }
0x8: {  	s2 =	sld [smem:$0x3FD0];
	(tm) =	ssettm $0x1  }
0x9: {  	s19 =	sld [smem:$0x3FFB];
	_ =	sdelay $0x3  }
0xa: {  	_ =	strace s19  }
0xb: {  	s3 =	sld [smem:$0x3FFC];
	_ =	sdelay $0x3  }
0xc: {  	_ =	strace s3  }
0xd: {  	s3 =	sld [smem:$0x3FFD];
	_ =	sdelay $0x3  }
0xe: {  	_ =	strace s3  }
0xf: {  	_ =	strace $0x8FFFFFFF  }
0x10: {  	s20 =	sld [smem:$0x3FDB];
	_ =	sdelay $0x1  }
0x11: {  	s4 =	simm.s32 $_scs_section_size  }
0x12: {  	s5 =	simm.s32 $_size__tile_overlayer_lowered;
	s6 =	simm.s32 $_tile_overlayer_lowered  }
0x13: {  	s23 =	simm.s32 $0x1BFF;
	s22 =	sshll.u32 s6, $0x1;
	s3 =	sadd.s32 s4, s20  }
0x14: {  	s7 =	simm.s32 $0x0;
	s21 =	sshll.u32 s5, $0x1;
	s5 =	sadd.s32 s22, s3  }
0x15: {  	[timem:s7], [sflag:s23] =	dma.local [hbm:s5], s21  }
0x16: {  	_ =	swait.ge [sflag:s23], s21  }
0x17: {  	s4 =	ssub.s32 $0x0, s21;
	[sflag:s23] =	ssyncset.done $0x0  }
0x18: {  	[sflag:s23] =	ssyncadd.s32 s4;
	_ =	sdelay $0x1  }
0x19: {  	s24 =	simm.s32 $0x1B8B  }
0x1a: {  	_ =	swait.ge [sflag:s24], $0x1  }
0x1b: {  	[sflag:s24] =	ssyncset.done $0x0  }
0x1c: {  	s26 =	simm.s32 $0x1B8E;
	s25 =	sld [smem:$0x3FFE];
	[sflag:s24] =	ssyncadd.s32 $0xFFFFFFFF  }
0x1d: {  	s27 =	simm.s32 $execute0_lowered;
	[smem:$0x3FD2] =	sst s26  }
0x1e: {  	s5 =	sshll.u32 s27, $0x1;
	_ =	strace $0x80000049;
	[dreg:$0x1] =	wrdreg $0xFFFFFFFF  }
0x1f: {  	s28 =	simm.s32 $_size_execute0_lowered;
	s3 =	sadd.s32 s3, s5;
	[dreg:$0x0] =	wrdreg $0x0  }
0x20: {  	s5 =	sshll.u32 s28, $0x1;
	[dreg:$0x2] =	wrdreg s3  }
0x21: {  	[dreg:$0x3] =	wrdreg s5  }
0x22: {  	[dreg:$0x4] =	wrdreg $0xC0  }
0x23: {  	_ =	task [dreg:s7], $0x5FFFF  }
0x24: {  	[dreg:$0x1] =	wrdreg $0xFFFFFFFF  }
0x25: {  	[dreg:$0x0] =	wrdreg $0x60  }
0x26: {  	[dreg:$0x2] =	wrdreg s25  }
0x27: {  	[dreg:$0x3] =	wrdreg s2  }
0x28: {  	[dreg:$0x4] =	wrdreg $0x9  }
0x29: {  	_ =	task.clear_ibuf [dreg:s7], $0x5FFFF;
	_ =	strace $0x90000049  }
0x2a: {  	s29 =	simm.s32 $0x9;
	_ =	strace $0x8000004B  }
0x2b: {  	_ =	swait.ge [sflag:s29], $0x1  }
0x2c: {  	[sflag:s29] =	ssyncadd.s32 $0xFFFFFFFF  }
0x2d: {  	_ =	strace $0x9000004B  }
0x2e: {  	_ =	sfence  }
0x2f: {  	s30 =	sld [smem:$0x0];
	_ =	sdelay $0x2  }
0x30: {  	s31 =	sshll.u32 s1, $0xD;
	s1 =	sshrl.u32 s1, $0x2  }
0x31: {  	s3 =	sand.u32 $0x4000, s31;
	s1 =	sadd.s32 s1, s30  }
0x32: {  	s0 =	sor.u32 s3, s0;
	s1 =	sshll.u32 s1, $0x11  }
0x33: {  	s0 =	sor.u32 s1, s0  }
0x34: {  	s0 =	sadd.s32 $0x8F2B, s0  }
0x35: {  	[sflag:s0] =	ssyncadd.remote.s32 $0x1  }
0x36: {  	_ =	sfence.sel $0xFFFF  }
0x37: {  	[dreg:$0x0] =	wrdreg $0xFFFFFFFF;
	(pc) =	sbr.abs _section_cstart, $3  }
0x38: {  	[dreg:$0x1] =	wrdreg $0xFFFFFFFF  }
0x39: {  	_ =	task.clear_ibuf [dreg:s7], $0x2FFFF;
	_ =	strace $0x9FFFFFFF  }
0x3a: {  	(tm) =	ssettm $0x7FFFFFFF  }
0x3b: {  	_ =	shalt  }
tec
execute0_lowered:
.L_overlay_start_1:
0x0: {  	(tag) =	ssettag $0x1  }
0x1: {  	s0 =	stileid.u32;
	s4 =	rddreg [dreg:$0x0]  }
0x2: {  	s1 =	srdreg.scid;
	s3 =	rddreg [dreg:$0x1];
	s7 =	simm.s32 $0x1  }
0x3: {  	s31 =	simm.s32 $0x2;
	s2 =	sshll.u32 s0, $0x5;
	s1 =	sshll.u32 s1, $0x9  }
0x4: {  	s16 =	simm.s32 $0x0;
	s9 =	simm.s32 $0x8000;
	s1 =	sor.u32 s2, s1  }
0x5: {  	s14 =	simm.s32 $0x0;
	s15 =	simm.s32 $0x0;
	s2 =	sand.u32 $0x380, s1  }
0x6: {  	s10 =	simm.s32 $0x0;
	s13 =	simm.s32 $0x0;
	s5 =	ssub.s32 $0x800, s2  }
0x7: {  	s4 =	sadd.s32 $0x1C00, s4;
	s1 =	rddreg [dreg:$0x2];
	s6 =	sand.u32 $0x380, s5  }
.Ltmp0:
0x8: {  	_ =	strace $0x8000004A;
	p0 =	sne.s32 s6, $0x0;
	(pc) =	sbr.rel .LBB1_1-.Ltmp0, $4  }
0x9: {  	s11 =	smov.u32 s2;
	s8 =	sshrl.u32 s5, $0xA;
	s7 =	simm.s32 @!p0 $0x0  }
0xa: {  	s5 =	sand.u32 $0x3, s0;
	s6 =	simm.s32 $0x1;
	s7 =	sadd.s32 s7, s8  }
0xb: {  	s12 =	smov.u32 s5;
	[sflag:s6] =	ssyncpa.u1 $0x0;
	s7 =	sshll.u32 s7, $0x4  }
0xc: {  	p0 =	por $0x0, $0x0;
	[sflag:s31] =	ssyncpa.u1 $0x0;
	s8 =	sor.u32 $0x1, s7  }
.LBB1_4:
0xd: {  	v5 =	vld [tilespmem:s19+$0xFFFFFFD0];
	[tilespmem:s20+$0x2040 ss:$0x81] =	vst.msk $0xffff, v1  }
0xe: {  	v58 =	vld [tilespmem:s19+$0xFFFFFFE0];
	[tilespmem:s20+$0x2850 ss:$0x81] =	vst.msk $0xffff, v2  }
0xf: {  	s21 =	sshra.s32 s21, $0x2;
	v59 =	vld [tilespmem:s19+$0xFFFFFFF0];
	[tilespmem:s20+$0x3060 ss:$0x81] =	vst.msk $0xffff, v3  }
0x10: {  	v60 =	vld [tilespmem:s19+$0x0];
	[tilespmem:s20+$0x0 ss:$0x81] =	vst.msk $0xffff, v0;
	s18 =	sadd.s32 s21, s18  }
0x11: {  	v61 =	vld [tilespmem:s19+$0x10];
	s26 =	sshll.u32 s16, $0xB;
	[tilespmem:s18+$0x3870 ss:$0x81] =	vst.msk $0xffff, v4  }
0x12: {  	v62 =	vld [tilespmem:s19+$0x20];
	s27 =	sand.u32 $0x78, s14;
	s22 =	sshll.u32 s14, $0x3;
	s29 =	sshll.u32 s16, $0x7;
	[tilespmem:s18+$0x810 ss:$0x81] =	vst.msk $0xffff, v5  }
0x13: {  	v63 =	vld [tilespmem:s19+$0xFFFFFFC0];
	s15 =	sshll.u32 s15, $0x13;
	s20 =	sand.u32 $0x4000, s26;
	s28 =	sand.u32 $0x7C00, s22;
	[tilespmem:s18+$0x1020 ss:$0x81] =	vst.msk $0xffff, v58  }
0x14: {  	s31 =	sand.u32 $0x7, s14;
	s22 =	sand.u32 $0x400, s22;
	s19 =	sadd.s32 s28, s20;
	[tilespmem:s18+$0x1830 ss:$0x81] =	vst.msk $0xffff, v59  }
0x15: {  	s16 =	sand.u32 $0x380, s29;
	s30 =	sor.u32 s27, s22;
	s19 =	sshrl.u32 s19, $0x3;
	[tilespmem:s18+$0x2040 ss:$0x81] =	vst.msk $0xffff, v60  }
0x16: {  	s15 =	sadd.s32 s3, s15;
	s16 =	sor.u32 s16, s30;
	s19 =	sand.u32 $0xF00, s19;
	[tilespmem:s18+$0x2850 ss:$0x81] =	vst.msk $0xffff, v61  }
0x17: {  	s14 =	sshll.u32 s31, $0x12;
	s16 =	sshrl.u32 s16, $0x3;
	[tilespmem:s18+$0x3060 ss:$0x81] =	vst.msk $0xffff, v62;
	s15 =	sadd.s32 s19, s15  }
0x18: {  	s14 =	sor.u32 $0x80, s14;
	[tilespmem:s18+$0x0 ss:$0x81] =	vst.msk $0xffff, v63;
	s15 =	sadd.s32 s16, s15  }
0x19: {  	[hbm4b:s15+s14] =	stream.strided.scatter [tilespmem:s17], [sflag:$0x2], $0x4000, s9, s14, $0x20;
	[tilespmem:$0x10100] =	vst v63  }
.LBB1_5:
0x1a: {  	s17 =	sadd.s32 $0x1, s10  }
0x1b: {  	s14 =	sadd.s32 $0x400, s11;
	s18 =	smov.u32 s11;
	p2 =	sgt.s32 s17, $0xF  }
0x1c: {  	s18 =	smov.u32 @p2 s14  }
0x1d: {  	s20 =	smov.u32 s12;
	s14 =	sadd.s32 $0x4, s12;
	p3 =	sgt.s32 s18, $0x7FF  }
0x1e: {  	s20 =	smov.u32 @p3 s14  }
0x1f: {  	s17 =	simm.s32 @p2 $0x0;
	p2 =	sgt.s32 s20, $0x3  }
0x20: {  	p1 =	slt.u32 s13, $0x2;
	s20 =	smov.u32 @p2 s5;
	p2 =	sne.s32 s13, s8  }
.Ltmp1:
0x21: {  	s19 =	simm.s32 @!p1 $0x2;
	(pc) =	sbr.rel @!p2 .LBB1_6-.Ltmp1, $4  }
0x22: {  	s16 =	smov.u32 s10;
	s15 =	smov.u32 s12;
	_ =	swait.ge @!p1 [sflag:s19], $0x4000  }
0x23: {  	p0 =	por !p0, !p0;
	[sflag:s19] =	ssyncset.done @!p1 $0x0;
	s10 =	smov.u32 s17  }
0x24: {  	s18 =	smov.u32 @p3 s2;
	s14 =	smov.u32 s11;
	[sflag:s19] =	ssyncadd.s32 @!p1 $0xFFFFC000  }
0x25: {  	s11 =	smov.u32 s18;
	s13 =	sadd.s32 $0x1, s13;
	s12 =	smov.u32 s20  }
.LBB1_1:
0x26: {  	p1 =	sge.u32 s13, s7;
	s31 =	sadd.s32 $0xFFFFFFFF, s13  }
0x27: {  	s17 =	sxor.u32 @!p1 $0xFFFFFFFF, s13;
	s18 =	sshll.u32 @!p1 s12, $0x13;
	s19 =	sshll.u32 @!p1 s11, $0x8  }
0x28: {  	s20 =	sshll.u32 @!p1 s10, $0x4;
	s17 =	sshll.u32 @!p1 s17, $0xE;
	s18 =	sadd.s32 @!p1 s4, s18  }
0x29: {  	s20 =	sand.u32 @!p1 $0xF0, s20;
	s17 =	sand.u32 @!p1 $0x4000, s17;
	s18 =	sadd.s32 @!p1 s19, s18  }
0x2a: {  	s19 =	simm.s32 @!p1 $0x80;
	s18 =	sadd.s32 @!p1 s20, s18;
	s20 =	simm.s32 @!p1 $0x800  }
0x2b: {  	[tilespmem:s17], [sflag:$0x1] =	stream.strided.gather @!p1 [hbm4b:s18+s19], $0x4000, s20, s19, $0x38;
	[tilespmem:$0x10100] =	vst v63  }
0x2c: {  	p1 =	sge.u32 s31, s7  }
.Ltmp2:
0x2d: {  	_ = 	snop;
	(pc) =	sbr.rel @p1 .LBB1_5-.Ltmp2, $1  }
0x2e: {  	_ =	sdelay $0x3  }
0x2f: {  	s17 =	simm.s32 $0x1  }
0x30: {  	_ =	swait.ge [sflag:s6], $0x4000;
	s17 =	simm.s32 @!p0 $0x0  }
0x31: {  	[sflag:s6] =	ssyncset.done $0x0;
	s18 =	sshll.u32 s17, $0xE  }
0x32: {  	[sflag:s6] =	ssyncadd.s32 $0xFFFFC000;
	s19 =	sor.u32 $0x40, s18  }
0x33: {  	s17 =	smul.u32 $0x10200, s17;
	v0 =	vld [tilespmem:s19+$0x30]  }
0x34: {  	v3 =	vld [tilespmem:s19+$0xFFFFFFD0]  }
0x35: {  	s17 =	sshrl.u32 s17, $0x2;
	v4 =	vld [tilespmem:s19+$0xFFFFFFE0]  }
0x36: {  	v5 =	vld [tilespmem:s19+$0xFFFFFFF0];
	s18 =	sor.u32 $0x8000, s17  }
0x37: {  	s31 =	sand.u32 $0x1, s13;
	v1 =	vld [tilespmem:s19+$0x0];
	s20 =	sadd.s32 $0x0, s18  }
0x38: {  	v2 =	vld [tilespmem:s19+$0x10];
	s17 =	smul.u32 $0x10200, s31;
	[tilespmem:s20+$0x3870 ss:$0x81] =	vst.msk $0xffff, v0  }
0x39: {  	[tilespmem:s20+$0x810 ss:$0x81] =	vst.msk $0xffff, v3;
	v3 =	vld [tilespmem:s19+$0x20]  }
0x3a: {  	s17 =	sshrl.u32 s17, $0x2;
	v0 =	vld [tilespmem:s19+$0xFFFFFFC0];
	[tilespmem:s20+$0x1020 ss:$0x81] =	vst.msk $0xffff, v4;
	s19 =	sadd.s32 $0x80, s19  }
0x3b: {  	s21 =	simm.s32 $0x4;
	s22 =	simm.s32 $0x8;
	s17 =	sor.u32 $0x8000, s17;
	[tilespmem:s20+$0x1830 ss:$0x81] =	vst.msk $0xffff, v5;
	v4 =	vld [tilespmem:s19+$0x30]  }
.LBB1_3:
0x3c: {  	p1 =	sne.s32 s22, $0x1FC;
	v5 =	vld [tilespmem:s19+$0xFFFFFFD0];
	[tilespmem:s20+$0x2040 ss:$0x81] =	vst.msk $0xffff, v1  }
0x3d: {  	v6 =	vld [tilespmem:s19+$0xFFFFFFE0];
	[tilespmem:s20+$0x2850 ss:$0x81] =	vst.msk $0xffff, v2  }
0x3e: {  	s23 =	sshra.s32 s21, $0x2;
	s21 =	smov.u32 s22;
	v7 =	vld [tilespmem:s19+$0xFFFFFFF0];
	[tilespmem:s20+$0x3060 ss:$0x81] =	vst.msk $0xffff, v3  }
.Ltmp3:
0x3f: {  	v1 =	vld [tilespmem:s19+$0x0];
	[tilespmem:s20+$0x0 ss:$0x81] =	vst.msk $0xffff, v0;
	s20 =	sadd.s32 s23, s18;
	(pc) =	sbr.rel @p1 .LBB1_3-.Ltmp3, $4  }
0x40: {  	v2 =	vld [tilespmem:s19+$0x10];
	[tilespmem:s20+$0x3870 ss:$0x81] =	vst.msk $0xffff, v4  }
0x41: {  	[tilespmem:s20+$0x810 ss:$0x81] =	vst.msk $0xffff, v5;
	v3 =	vld [tilespmem:s19+$0x20]  }
0x42: {  	v0 =	vld [tilespmem:s19+$0xFFFFFFC0];
	[tilespmem:s20+$0x1020 ss:$0x81] =	vst.msk $0xffff, v6;
	s19 =	sadd.s32 $0x80, s19  }
0x43: {  	s22 =	sadd.s32 $0x4, s22;
	v4 =	vld [tilespmem:s19+$0x30];
	[tilespmem:s20+$0x1830 ss:$0x81] =	vst.msk $0xffff, v7  }
.Ltmp4:
0x44: {  	_ = 	snop;
	(pc) =	sbr.rel .LBB1_4-.Ltmp4, $1  }
0x45: {  	_ =	sdelay $0x3  }
.LBB1_6:
0x46: {  	_ =	sfence.sel $0x180000  }
0x47: {  	s2 =	simm.s32 $0x1;
	[bflag:$0x0] =	sbarrier.arrive $0xFFFF  }
0x48: {  	s31 =	simm.s32 $0x2;
	[sflag:s2] =	ssyncpa.u1 $0x1  }
0x49: {  	[sflag:s31] =	ssyncpa.u1 $0x1  }
0x4a: {  	p0 =	sne.s32 s0, $0x0;
	_ =	strace $0x9000004A  }
0x4b: {  	s0 =	sadd.s32 @!p0 $0x100000, s1;
	[bflag:$0x2] =	sbarrier.arrive $0xFFFF  }
0x4c: {  	[sflag:s0] =	ssyncadd.tile.s32 @!p0 $0x1;
	_ =	shalt  }
.Lfunc_end1:
_tile_overlayer_lowered:
.L_overlay_start_2:
0x4d: {  	(tag) =	ssettag $0x2  }
0x4e: {  	s0 =	rddreg [dreg:$0x0];
	s2 =	stileid.u32  }
0x4f: {  	s1 =	rddreg [dreg:$0x1];
	p0 =	sne.s32 s2, $0x0  }
0x50: {  	s3 =	rddreg [dreg:$0x2];
	[bflag:$0x3] =	sbarrier.arrive $0xFFFF;
	s2 =	simm.s32 @!p0 $0x1C01  }
0x51: {  	[timem:s3], [sflag:s2] =	dma.local @!p0 [hbm:s0], s1  }
0x52: {  	s0 =	simm.s32 @!p0 $0x1  }
0x53: {  	_ =	swait.ge @!p0 [sflag:s0], s1  }
0x54: {  	s1 =	ssub.s32 @!p0 $0x0, s1;
	[sflag:s0] =	ssyncset.done @!p0 $0x0  }
0x55: {  	[sflag:s0] =	ssyncadd.s32 @!p0 s1  }
0x56: {  	[bflag:$0x3] =	sbarrier.arrive $0xFFFF  }
0x57: {  	_ =	shalt  }

</sc_bundles>
